<compile_context>
chip_gen: v7x
topology: tpu7x:2x2x1
jax: 0.10.2.dev20260603
libtpu: 0.0.44.dev20260713+nightly
codegen_flags: <defaults>
</compile_context>

<pallas_src>
import functools

import jax
import jax.numpy as jnp
from jax import lax
from jax.experimental import pallas as pl
from jax.experimental.pallas import tpu as pltpu
from jax.experimental.pallas import tpu_sc as plsc

N_NODES = 10000
N_EDGES = 160000
FEATS = 256
HALF = 128

IDX_CHUNK = 128
SBLK = 128
N_SBLKS = N_EDGES // SBLK
GBLK = 256
GSUB = GBLK // IDX_CHUNK
N_GBLKS = N_EDGES // GBLK
NC = 2
NS = 16
ROW_CHUNK = 200
N_ROW_CHUNKS = N_NODES // ROW_CHUNK

_sc_mesh = plsc.VectorSubcoreMesh(core_axis_name="c", subcore_axis_name="s")


def _segment_sum_sc(m, dst3, zeros_half):

    @functools.partial(
        pl.kernel,
        out_type=jax.ShapeDtypeStruct((N_NODES, FEATS), jnp.float32),
        mesh=_sc_mesh,
        scratch_types=[
            pltpu.VMEM_SHARED((N_NODES, HALF), jnp.float32),
        ],
    )
    def k(m_hbm, dst_hbm, zeros_hbm, h_hbm, acc_sh):
        c = lax.axis_index("c")
        s = lax.axis_index("s")
        n_row_iter = (N_ROW_CHUNKS + NS - 1) // NS

        @pl.loop(0, n_row_iter)
        def _(i):
            rchunk = i * NS + s

            @pl.when(rchunk < N_ROW_CHUNKS)
            def _():
                r0 = rchunk * ROW_CHUNK
                pltpu.sync_copy(
                    zeros_hbm.at[pl.ds(r0, ROW_CHUNK)],
                    acc_sh.at[pl.ds(r0, ROW_CHUNK)],
                )

        plsc.subcore_barrier()

        def body(idx_v, rows_v):
            pltpu.sync_copy(rows_v, acc_sh.at[idx_v.at[0, 0]], add=True)

        def run_pipeline(col_blk):
            pltpu.emit_pipeline(
                body,
                grid=(N_SBLKS,),
                in_specs=[
                    pl.BlockSpec((1, 1, IDX_CHUNK), lambda i: (i, 0, 0)),
                    pl.BlockSpec(
                        (SBLK, HALF), lambda i: (i, col_blk)
                    ),
                ],
                out_specs=[],
                core_axis_name="s",
                dimension_semantics=(pltpu.PARALLEL,),
            )(dst_hbm, m_hbm)

        run_pipeline(c)

        plsc.subcore_barrier()

        @pl.loop(0, n_row_iter)
        def _(i):
            rchunk = i * NS + s

            @pl.when(rchunk < N_ROW_CHUNKS)
            def _():
                r0 = rchunk * ROW_CHUNK
                pltpu.sync_copy(
                    acc_sh.at[pl.ds(r0, ROW_CHUNK)],
                    h_hbm.at[pl.ds(r0, ROW_CHUNK), pl.ds(c * HALF, HALF)],
                )

    return k(m, dst3, zeros_half)


def _gather_rows_sc(table_i32, idx3):

    @functools.partial(
        pl.kernel,
        out_type=jax.ShapeDtypeStruct((N_EDGES, HALF), jnp.int32),
        mesh=_sc_mesh,
    )
    def k(tab_hbm, idx_hbm, g_hbm):
        def body(idx_v, rows_v):
            for j in range(GSUB):
                pltpu.sync_copy(
                    tab_hbm.at[idx_v.at[0, j]],
                    rows_v.at[pl.ds(j * IDX_CHUNK, IDX_CHUNK)],
                )

        pltpu.emit_pipeline(
            body,
            grid=(N_GBLKS,),
            in_specs=[
                pl.BlockSpec((1, GSUB, IDX_CHUNK), lambda i: (i, 0, 0))
            ],
            out_specs=[
                pl.BlockSpec((GBLK, HALF), lambda i: (i, 0))
            ],
            core_axis_name=("c", "s"),
            dimension_semantics=(pltpu.PARALLEL,),
        )(idx_hbm, g_hbm)

    return k(table_i32, idx3)


_NODE_BLK = 2000


def _bf16_bits(x):
    i = jax.lax.bitcast_convert_type(x, jnp.int32)
    rounded = i + 0x7FFF + (jax.lax.shift_right_logical(i, 16) & 1)
    return rounded & jnp.int32(-65536)


def _node_tc(h, W_top, W_node, b_edge, b_node):

    def body(h_ref, wt_ref, wn_ref, be_ref, bn_ref, tab_ref, hout_ref):
        hb = h_ref[...]
        hwt = (
            jnp.dot(hb, wt_ref[...], preferred_element_type=jnp.float32)
            + be_ref[...]
        )
        lo = jax.lax.shift_right_logical(_bf16_bits(hwt[:, :HALF]), 16)
        hi = _bf16_bits(hwt[:, HALF:])
        tab_ref[...] = lo | hi
        hout_ref[...] = jnp.maximum(
            jnp.dot(hb, wn_ref[...], preferred_element_type=jnp.float32)
            + bn_ref[...],
            0.0,
        )

    full = pl.BlockSpec((FEATS, FEATS), lambda i: (0, 0))
    bias = pl.BlockSpec((1, FEATS), lambda i: (0, 0))
    blk = pl.BlockSpec((_NODE_BLK, FEATS), lambda i: (i, 0))
    halfblk = pl.BlockSpec((_NODE_BLK, HALF), lambda i: (i, 0))
    return pl.pallas_call(
        body,
        grid=(N_NODES // _NODE_BLK,),
        in_specs=[blk, full, full, bias, bias],
        out_specs=[halfblk, blk],
        out_shape=[
            jax.ShapeDtypeStruct((N_NODES, HALF), jnp.int32),
            jax.ShapeDtypeStruct((N_NODES, FEATS), jnp.float32),
        ],
    )(h, W_top, W_node, b_edge, b_node)


_EDGE_BLK = 2000


def _unpack(w):
    lo = jax.lax.bitcast_convert_type(jax.lax.shift_left(w, 16), jnp.float32)
    hi = jax.lax.bitcast_convert_type(w & jnp.int32(-65536), jnp.float32)
    return lo, hi


def _edge_tc(m, W_bot, g_i32):

    def body(m_ref, w_ref, g_ref, o_ref):
        mm = jnp.dot(
            m_ref[...], w_ref[...], preferred_element_type=jnp.float32
        )
        g_lo, g_hi = _unpack(g_ref[...])
        o_ref[:, :HALF] = jnp.maximum(mm[:, :HALF] + g_lo, 0.0)
        o_ref[:, HALF:] = jnp.maximum(mm[:, HALF:] + g_hi, 0.0)

    full = pl.BlockSpec((FEATS, FEATS), lambda i: (0, 0))
    blk = pl.BlockSpec((_EDGE_BLK, FEATS), lambda i: (i, 0))
    halfblk = pl.BlockSpec((_EDGE_BLK, HALF), lambda i: (i, 0))
    return pl.pallas_call(
        body,
        grid=(N_EDGES // _EDGE_BLK,),
        in_specs=[blk, full, halfblk],
        out_specs=blk,
        out_shape=jax.ShapeDtypeStruct((N_EDGES, FEATS), jnp.float32),
    )(m, W_bot, g_i32)


def kernel(m, edge_index, W_node, b_node, W_edge, b_edge):
    src3 = edge_index[0].astype(jnp.int32).reshape(N_GBLKS, GSUB, IDX_CHUNK)
    dst3 = edge_index[1].astype(jnp.int32).reshape(N_SBLKS, 1, IDX_CHUNK)
    zeros_half = jnp.zeros((N_NODES, HALF), jnp.float32)

    h = _segment_sum_sc(m, dst3, zeros_half)
    tab_i32, h_out = _node_tc(
        h,
        W_edge[:FEATS],
        W_node,
        b_edge.reshape(1, FEATS),
        b_node.reshape(1, FEATS),
    )
    g_i32 = _gather_rows_sc(tab_i32, src3)
    m_out = _edge_tc(m, W_edge[FEATS:], g_i32)
    return (m_out, h_out)

# --- scband reference (transcript-rebuilt; emitter-appended) ---
"""Pipeline reference for scband-v2-gcn-sagelayer-60756607369693 (READ-ONLY COPY).

The authoritative reference and input builder live on the scoring server;
editing this copy changes nothing except your own understanding.
"""

import jax, jax.numpy as jnp
import numpy as np

N_NODES = 10000
N_EDGES = 160000
IN_FEATS = 256
OUT_FEATS = 256


def setup_inputs(seed: int = 0) -> dict:
    key = jax.random.key(seed)
    k1, k2, k3, k4, k5, k6 = jax.random.split(key, 6)
    m = jax.random.normal(k1, (N_EDGES, IN_FEATS), dtype=jnp.float32)
    edge_index = jax.random.randint(k2, (2, N_EDGES), 0, N_NODES, dtype=jnp.int64)
    stdv_node = 1.0 / np.sqrt(IN_FEATS)
    stdv_edge = 1.0 / np.sqrt(2 * IN_FEATS)
    W_node = jax.random.uniform(k3, (IN_FEATS, OUT_FEATS), dtype=jnp.float32, minval=-stdv_node, maxval=stdv_node)
    b_node = jax.random.uniform(k4, (OUT_FEATS,), dtype=jnp.float32, minval=-stdv_node, maxval=stdv_node)
    W_edge = jax.random.uniform(k5, (2 * IN_FEATS, OUT_FEATS), dtype=jnp.float32, minval=-stdv_edge, maxval=stdv_edge)
    b_edge = jax.random.uniform(k6, (OUT_FEATS,), dtype=jnp.float32, minval=-stdv_edge, maxval=stdv_edge)
    return {"m": m, "edge_index": edge_index, "W_node": W_node, "b_node": b_node, "W_edge": W_edge, "b_edge": b_edge}


def reference(m, edge_index, W_node, b_node, W_edge, b_edge):
    src = edge_index[0]
    dst = edge_index[1]
    # send_and_recv(copy_e('m','s'), sum('s','h')): scatter-add edge features to dst nodes
    h = jax.ops.segment_sum(m, dst, num_segments=N_NODES)
    # apply_edges f_edge: m2 = cat(src['h'], edge.data['m'])
    m2 = jnp.concatenate((h[src], m), axis=1)
    m_out = m2 @ W_edge + b_edge
    h_out = h @ W_node + b_node
    return (jax.nn.relu(m_out), jax.nn.relu(h_out))

if __name__ == "__main__":
    import jax
    _d = setup_inputs()
    print(jax.jit(kernel)(*tuple(_d.values())))

</pallas_src>

<mosaic_0001>
#map = affine_map<(d0, d1) -> (0, 0)>
#map1 = affine_map<(d0, d1) -> (0, 0, 0)>
module attributes {stable_mosaic.version = 14 : i64} {
  func.func @k(%arg0: i32, %arg1: i32, %arg2: memref<10000x128xi32, #tpu.memory_space<hbm>>, %arg3: memref<625x2x128xi32, #tpu.memory_space<hbm>>, %arg4: memref<160000x128xi32, #tpu.memory_space<hbm>>) attributes {dimension_semantics = [#tpu.dimension_semantics<core_parallel>, #tpu.dimension_semantics<subcore_parallel>], iteration_bounds = array<i64: 2, 16>, scalar_prefetch = 0 : i64, scratch_operands = 0 : i64, tpu.core_type = #tpu.core_type<sc_vector_subcore>, window_params = [{transform_indices = #map}, {transform_indices = #map1}, {transform_indices = #map}]} {
    %mul3A = arith.constant 1 : i32
    %mul3A_0 = arith.muli %arg1, %mul3A : i32
    %add3A = arith.constant 0 : i32
    %add3A_1 = arith.addi %add3A, %mul3A_0 : i32
    %mul3A_2 = arith.constant 16 : i32
    %mul3A_3 = arith.muli %arg0, %mul3A_2 : i32
    %add3A_4 = arith.addi %add3A_1, %mul3A_3 : i32
    %lt3A = arith.constant 17 : i32
    %lt3A_5 = arith.cmpi slt, %add3A_4, %lt3A : i32
    %jit3A = arith.constant 20 : i32
    %jit3A_6 = arith.constant 19 : i32
    %select_n3A = arith.select %lt3A_5, %jit3A, %jit3A_6 : i32
    %lt3A_7 = arith.constant 17 : i32
    %lt3A_8 = arith.cmpi slt, %add3A_4, %lt3A_7 : i32
    %mul3A_9 = arith.muli %add3A_4, %select_n3A : i32
    %mul3A_10 = arith.constant 19 : i32
    %mul3A_11 = arith.muli %add3A_4, %mul3A_10 : i32
    %add3A_12 = arith.constant 17 : i32
    %add3A_13 = arith.addi %mul3A_11, %add3A_12 : i32
    %select_n3A_14 = arith.select %lt3A_8, %mul3A_9, %add3A_13 : i32
    %mul3A_15 = arith.constant 1 : i32
    %mul3A_16 = arith.muli %mul3A_15, %select_n3A : i32
    "tpu.region"() ({
      %run_scoped3A = memref.alloca() : memref<2x1x2x128xi32, #tpu.memory_space<vmem>>
      %run_scoped3A_17 = tpu.sem_alloc : memref<2x!tpu.dma_semaphore, #tpu.memory_space<semaphore_mem>>
      %run_scoped3A_18 = memref.alloca() : memref<2x256x128xi32, #tpu.memory_space<vmem>>
      %run_scoped3A_19 = tpu.sem_alloc : memref<2x!tpu.dma_semaphore, #tpu.memory_space<semaphore_mem>>
      %gt3A = arith.constant 0 : i32
      %gt3A_20 = arith.cmpi sgt, %mul3A_16, %gt3A : i32
      %convert_element_type3A = arith.extui %gt3A_20 : i1 to i32
      %cond3A = arith.constant 0 : i32
      %cond3A_21 = arith.cmpi ne, %convert_element_type3A, %cond3A : i32
      scf.if %cond3A_21 {
        %mul3A_22 = arith.constant 1 : i32
        %mul3A_23 = arith.muli %mul3A_22, %select_n3A : i32
        %sub3A = arith.constant 1 : i32
        %sub3A_24 = arith.subi %mul3A_23, %sub3A : i32
        %eq3A = arith.constant 0 : i32
        %eq3A_25 = arith.cmpi eq, %sub3A_24, %eq3A : i32
        %add3A_26 = arith.constant 0 : i32
        %add3A_27 = arith.addi %add3A_26, %select_n3A_14 : i32
        %select_n3A_28 = arith.constant true
        %select_n3A_29 = arith.constant 0 : i32
        %select_n3A_30 = arith.constant -1 : i32
        %select_n3A_31 = arith.select %select_n3A_28, %select_n3A_30, %select_n3A_29 : i32
        %eq3A_32 = arith.constant -1 : i32
        %eq3A_33 = arith.cmpi eq, %select_n3A_31, %eq3A_32 : i32
        %sub3A_34 = arith.constant 1 : i32
        %sub3A_35 = arith.subi %select_n3A, %sub3A_34 : i32
        %select_n3A_36 = arith.select %eq3A_33, %sub3A_35, %select_n3A_31 : i32
        %add3A_37 = arith.addi %select_n3A_36, %select_n3A_14 : i32
        %select_n3A_38 = arith.constant true
        %select_n3A_39 = arith.constant 0 : i32
        %select_n3A_40 = arith.constant 1 : i32
        %select_n3A_41 = arith.select %select_n3A_38, %select_n3A_40, %select_n3A_39 : i32
        %eq3A_42 = arith.cmpi eq, %select_n3A_41, %select_n3A : i32
        %select_n3A_43 = arith.constant 0 : i32
        %select_n3A_44 = arith.select %eq3A_42, %select_n3A_43, %select_n3A_41 : i32
        %add3A_45 = arith.addi %select_n3A_44, %select_n3A_14 : i32
        %add3A_46 = arith.constant 1 : i32
        %add3A_47 = arith.addi %select_n3A_44, %add3A_46 : i32
        %select_n3A_48 = arith.constant true
        %select_n3A_49 = arith.select %select_n3A_48, %add3A_47, %select_n3A_44 : i32
        %eq3A_50 = arith.cmpi eq, %select_n3A_49, %select_n3A : i32
        %select_n3A_51 = arith.constant 0 : i32
        %select_n3A_52 = arith.select %eq3A_50, %select_n3A_51, %select_n3A_49 : i32
        %add3A_53 = arith.addi %select_n3A_52, %select_n3A_14 : i32
        "tpu.trace_start"() <{level = 10 : i32, message = "ep_initialize_0"}> : () -> ()
        %rem3A = arith.constant 0 : i32
        %rem3A_54 = arith.constant 2 : i32
        %rem3A_55 = arith.remui %rem3A, %rem3A_54 : i32
        %mul3A_56 = arith.constant 1 : i32
        %mul3A_57 = arith.muli %mul3A_56, %add3A_27 : i32
        %dma_start3A = arith.constant 0 : i32
        %dma_start3A_58 = arith.constant 0 : i32
        %dma_start3A_59 = arith.constant 0 : i32
        %dma_start3A_60 = tpu.memref_slice %run_scoped3A[%rem3A_55, %dma_start3A, %dma_start3A_58, %dma_start3A_59] : memref<2x1x2x128xi32, #tpu.memory_space<vmem>> -> memref<1x1x2x128xi32, #tpu.memory_space<vmem>>
        %dma_start3A_61 = tpu.memref_squeeze %dma_start3A_60 : memref<1x1x2x128xi32, #tpu.memory_space<vmem>> -> memref<1x2x128xi32, #tpu.memory_space<vmem>>
        %dma_start3A_62 = arith.constant 0 : i32
        %dma_start3A_63 = arith.constant 0 : i32
        %dma_start3A_64 = tpu.memref_slice %arg3[%mul3A_57, %dma_start3A_62, %dma_start3A_63] : memref<625x2x128xi32, #tpu.memory_space<hbm>> -> memref<1x2x128xi32, #tpu.memory_space<hbm>>
        %dma_start3A_65 = tpu.memref_slice %run_scoped3A_17[%rem3A_55] : memref<2x!tpu.dma_semaphore, #tpu.memory_space<semaphore_mem>> -> memref<1x!tpu.dma_semaphore, #tpu.memory_space<semaphore_mem>>
        %dma_start3A_66 = tpu.memref_squeeze %dma_start3A_65 : memref<1x!tpu.dma_semaphore, #tpu.memory_space<semaphore_mem>> -> memref<!tpu.dma_semaphore, #tpu.memory_space<semaphore_mem>>
        %dma_start3A_67 = arith.constant 0 : i32
        %dma_start3A_68 = arith.constant 0 : i32
        %dma_start3A_69 = arith.constant 0 : i32
        %dma_start3A_70 = tpu.memref_slice %run_scoped3A[%rem3A_55, %dma_start3A_67, %dma_start3A_68, %dma_start3A_69] : memref<2x1x2x128xi32, #tpu.memory_space<vmem>> -> memref<1x1x2x128xi32, #tpu.memory_space<vmem>>
        %dma_start3A_71 = tpu.memref_squeeze %dma_start3A_70 : memref<1x1x2x128xi32, #tpu.memory_space<vmem>> -> memref<1x2x128xi32, #tpu.memory_space<vmem>>
        %dma_start3A_72 = arith.constant 0 : i32
        %dma_start3A_73 = arith.constant 0 : i32
        %dma_start3A_74 = tpu.memref_slice %arg3[%mul3A_57, %dma_start3A_72, %dma_start3A_73] : memref<625x2x128xi32, #tpu.memory_space<hbm>> -> memref<1x2x128xi32, #tpu.memory_space<hbm>>
        tpu.enqueue_dma source(%dma_start3A_74 : memref<1x2x128xi32, #tpu.memory_space<hbm>>) target(%dma_start3A_71 : memref<1x2x128xi32, #tpu.memory_space<vmem>>) target_semaphore(%dma_start3A_66 : memref<!tpu.dma_semaphore, #tpu.memory_space<semaphore_mem>>)
        %add3A_75 = arith.constant 0 : i32
        %add3A_76 = arith.constant 1 : i32
        %add3A_77 = arith.addi %add3A_75, %add3A_76 : i32
        %select_n3A_78 = arith.constant true
        %select_n3A_79 = arith.constant 0 : i32
        %select_n3A_80 = arith.select %select_n3A_78, %add3A_77, %select_n3A_79 : i32
        %while3A = arith.constant 0 : i32
        %while3A_81 = arith.constant 0 : i32
        %while3A_82 = arith.constant 0 : i32
        %while3A_83 = arith.constant 0 : i32
        %while3A_84 = arith.constant 0 : i32
        "tpu.trace_stop"() : () -> ()
        %while3A_85 = arith.subi %mul3A_16, %while3A : i32
        %while3A_86 = arith.addi %while3A, %while3A_85 : i32
        %while3A_87 = arith.constant 1 : i32
        %while3A_88 = arith.divsi %while3A_85, %while3A_87 : i32
        %while3A_89 = arith.muli %while3A_88, %while3A_87 : i32
        %while3A_90 = arith.addi %while3A, %while3A_89 : i32
        %while3A_91 = arith.constant 1 : i32
        %while3A_92:5 = scf.for %while3A_146 = %while3A to %while3A_90 step %while3A_91 iter_args(%while3A_147 = %select_n3A_80, %while3A_148 = %while3A_81, %while3A_149 = %while3A_82, %while3A_150 = %while3A_83, %while3A_151 = %while3A_84) -> (i32, i32, i32, i32, i32)  : i32 {
          %mul3A_152 = arith.constant 1 : i32
          %mul3A_153 = arith.muli %mul3A_152, %select_n3A : i32
          %eq3A_154 = arith.constant 0 : i32
          %eq3A_155 = arith.cmpi eq, %while3A_146, %eq3A_154 : i32
          %sub3A_156 = arith.constant 1 : i32
          %sub3A_157 = arith.subi %mul3A_153, %sub3A_156 : i32
          %eq3A_158 = arith.cmpi eq, %while3A_146, %sub3A_157 : i32
          %add3A_159 = arith.addi %while3A_151, %select_n3A_14 : i32
          %sub3A_160 = arith.constant 1 : i32
          %sub3A_161 = arith.subi %while3A_151, %sub3A_160 : i32
          %select_n3A_162 = arith.constant true
          %select_n3A_163 = arith.select %select_n3A_162, %sub3A_161, %while3A_151 : i32
          %eq3A_164 = arith.constant -1 : i32
          %eq3A_165 = arith.cmpi eq, %select_n3A_163, %eq3A_164 : i32
          %sub3A_166 = arith.constant 1 : i32
          %sub3A_167 = arith.subi %select_n3A, %sub3A_166 : i32
          %select_n3A_168 = arith.select %eq3A_165, %sub3A_167, %select_n3A_163 : i32
          %add3A_169 = arith.addi %select_n3A_168, %select_n3A_14 : i32
          %add3A_170 = arith.constant 1 : i32
          %add3A_171 = arith.addi %while3A_151, %add3A_170 : i32
          %select_n3A_172 = arith.constant true
          %select_n3A_173 = arith.select %select_n3A_172, %add3A_171, %while3A_151 : i32
          %eq3A_174 = arith.cmpi eq, %select_n3A_173, %select_n3A : i32
          %select_n3A_175 = arith.constant 0 : i32
          %select_n3A_176 = arith.select %eq3A_174, %select_n3A_175, %select_n3A_173 : i32
          %add3A_177 = arith.addi %select_n3A_176, %select_n3A_14 : i32
          %add3A_178 = arith.constant 1 : i32
          %add3A_179 = arith.addi %select_n3A_176, %add3A_178 : i32
          %select_n3A_180 = arith.constant true
          %select_n3A_181 = arith.select %select_n3A_180, %add3A_179, %select_n3A_176 : i32
          %eq3A_182 = arith.cmpi eq, %select_n3A_181, %select_n3A : i32
          %select_n3A_183 = arith.constant 0 : i32
          %select_n3A_184 = arith.select %eq3A_182, %select_n3A_183, %select_n3A_181 : i32
          %add3A_185 = arith.addi %select_n3A_184, %select_n3A_14 : i32
          %ne3A = arith.cmpi ne, %add3A_159, %add3A_177 : i32
          %or3A = arith.constant false
          %or3A_186 = arith.ori %or3A, %ne3A : i1
          %or3A_187 = arith.constant false
          %or3A_188 = arith.ori %or3A_186, %or3A_187 : i1
          %or3A_189 = arith.constant false
          %or3A_190 = arith.ori %or3A_188, %or3A_189 : i1
          %sub3A_191 = arith.constant 2 : i32
          %sub3A_192 = arith.subi %mul3A_153, %sub3A_191 : i32
          %add3A_193 = arith.constant 1 : i32
          %add3A_194 = arith.addi %sub3A_192, %add3A_193 : i32
          %ge3A = arith.cmpi sge, %while3A_146, %add3A_194 : i32
          %not3A = arith.constant true
          %not3A_195 = arith.xori %ge3A, %not3A : i1
          %and3A = arith.andi %or3A_190, %not3A_195 : i1
          %convert_element_type3A_196 = arith.extui %and3A : i1 to i32
          %cond3A_197 = arith.constant 0 : i32
          %cond3A_198 = arith.cmpi ne, %convert_element_type3A_196, %cond3A_197 : i32
          scf.if %cond3A_198 {
            "tpu.trace_start"() <{level = 10 : i32, message = "ep_copy_in"}> : () -> ()
            %rem3A_321 = arith.constant 2 : i32
            %rem3A_322 = arith.remui %while3A_147, %rem3A_321 : i32
            %mul3A_323 = arith.constant 1 : i32
            %mul3A_324 = arith.muli %mul3A_323, %add3A_177 : i32
            %dma_start3A_325 = arith.constant 0 : i32
            %dma_start3A_326 = arith.constant 0 : i32
            %dma_start3A_327 = arith.constant 0 : i32
            %dma_start3A_328 = tpu.memref_slice %run_scoped3A[%rem3A_322, %dma_start3A_325, %dma_start3A_326, %dma_start3A_327] : memref<2x1x2x128xi32, #tpu.memory_space<vmem>> -> memref<1x1x2x128xi32, #tpu.memory_space<vmem>>
            %dma_start3A_329 = tpu.memref_squeeze %dma_start3A_328 : memref<1x1x2x128xi32, #tpu.memory_space<vmem>> -> memref<1x2x128xi32, #tpu.memory_space<vmem>>
            %dma_start3A_330 = arith.constant 0 : i32
            %dma_start3A_331 = arith.constant 0 : i32
            %dma_start3A_332 = tpu.memref_slice %arg3[%mul3A_324, %dma_start3A_330, %dma_start3A_331] : memref<625x2x128xi32, #tpu.memory_space<hbm>> -> memref<1x2x128xi32, #tpu.memory_space<hbm>>
            %dma_start3A_333 = tpu.memref_slice %run_scoped3A_17[%rem3A_322] : memref<2x!tpu.dma_semaphore, #tpu.memory_space<semaphore_mem>> -> memref<1x!tpu.dma_semaphore, #tpu.memory_space<semaphore_mem>>
            %dma_start3A_334 = tpu.memref_squeeze %dma_start3A_333 : memref<1x!tpu.dma_semaphore, #tpu.memory_space<semaphore_mem>> -> memref<!tpu.dma_semaphore, #tpu.memory_space<semaphore_mem>>
            %dma_start3A_335 = arith.constant 0 : i32
            %dma_start3A_336 = arith.constant 0 : i32
            %dma_start3A_337 = arith.constant 0 : i32
            %dma_start3A_338 = tpu.memref_slice %run_scoped3A[%rem3A_322, %dma_start3A_335, %dma_start3A_336, %dma_start3A_337] : memref<2x1x2x128xi32, #tpu.memory_space<vmem>> -> memref<1x1x2x128xi32, #tpu.memory_space<vmem>>
            %dma_start3A_339 = tpu.memref_squeeze %dma_start3A_338 : memref<1x1x2x128xi32, #tpu.memory_space<vmem>> -> memref<1x2x128xi32, #tpu.memory_space<vmem>>
            %dma_start3A_340 = arith.constant 0 : i32
            %dma_start3A_341 = arith.constant 0 : i32
            %dma_start3A_342 = tpu.memref_slice %arg3[%mul3A_324, %dma_start3A_340, %dma_start3A_341] : memref<625x2x128xi32, #tpu.memory_space<hbm>> -> memref<1x2x128xi32, #tpu.memory_space<hbm>>
            tpu.enqueue_dma source(%dma_start3A_342 : memref<1x2x128xi32, #tpu.memory_space<hbm>>) target(%dma_start3A_339 : memref<1x2x128xi32, #tpu.memory_space<vmem>>) target_semaphore(%dma_start3A_334 : memref<!tpu.dma_semaphore, #tpu.memory_space<semaphore_mem>>)
            "tpu.trace_stop"() : () -> ()
          } else {
          }
          %and3A_199 = arith.constant true
          %and3A_200 = arith.andi %and3A, %and3A_199 : i1
          %add3A_201 = arith.constant 1 : i32
          %add3A_202 = arith.addi %while3A_147, %add3A_201 : i32
          %select_n3A_203 = arith.select %and3A_200, %add3A_202, %while3A_147 : i32
          %ne3A_204 = arith.cmpi ne, %add3A_159, %add3A_177 : i32
          %or3A_205 = arith.constant false
          %or3A_206 = arith.ori %or3A_205, %ne3A_204 : i1
          %or3A_207 = arith.constant false
          %or3A_208 = arith.ori %or3A_206, %or3A_207 : i1
          %sub3A_209 = arith.constant 2 : i32
          %sub3A_210 = arith.subi %mul3A_153, %sub3A_209 : i32
          %add3A_211 = arith.constant 1 : i32
          %add3A_212 = arith.addi %sub3A_210, %add3A_211 : i32
          %ge3A_213 = arith.cmpi sge, %while3A_146, %add3A_212 : i32
          %not3A_214 = arith.constant true
          %not3A_215 = arith.xori %ge3A_213, %not3A_214 : i1
          %and3A_216 = arith.andi %or3A_208, %not3A_215 : i1
          %ne3A_217 = arith.cmpi ne, %add3A_159, %add3A_169 : i32
          %or3A_218 = arith.constant false
          %or3A_219 = arith.ori %or3A_218, %ne3A_217 : i1
          %or3A_220 = arith.constant false
          %or3A_221 = arith.ori %or3A_219, %or3A_220 : i1
          %or3A_222 = arith.constant false
          %or3A_223 = arith.ori %or3A_221, %or3A_222 : i1
          %or3A_224 = arith.ori %or3A_223, %eq3A_155 : i1
          %convert_element_type3A_225 = arith.extui %or3A_224 : i1 to i32
          %cond3A_226 = arith.constant 0 : i32
          %cond3A_227 = arith.cmpi ne, %convert_element_type3A_225, %cond3A_226 : i32
          scf.if %cond3A_227 {
            "tpu.trace_start"() <{level = 10 : i32, message = "ep_wait_in"}> : () -> ()
            %mul3A_321 = arith.constant 1 : i32
            %mul3A_322 = arith.muli %mul3A_321, %add3A_159 : i32
            %rem3A_323 = arith.constant 2 : i32
            %rem3A_324 = arith.remui %while3A_148, %rem3A_323 : i32
            %dma_wait3A = arith.constant 0 : i32
            %dma_wait3A_325 = arith.constant 0 : i32
            %dma_wait3A_326 = arith.constant 0 : i32
            %dma_wait3A_327 = tpu.memref_slice %run_scoped3A[%rem3A_324, %dma_wait3A, %dma_wait3A_325, %dma_wait3A_326] : memref<2x1x2x128xi32, #tpu.memory_space<vmem>> -> memref<1x1x2x128xi32, #tpu.memory_space<vmem>>
            %dma_wait3A_328 = tpu.memref_squeeze %dma_wait3A_327 : memref<1x1x2x128xi32, #tpu.memory_space<vmem>> -> memref<1x2x128xi32, #tpu.memory_space<vmem>>
            %dma_wait3A_329 = arith.constant 0 : i32
            %dma_wait3A_330 = arith.constant 0 : i32
            %dma_wait3A_331 = tpu.memref_slice %arg3[%mul3A_322, %dma_wait3A_329, %dma_wait3A_330] : memref<625x2x128xi32, #tpu.memory_space<hbm>> -> memref<1x2x128xi32, #tpu.memory_space<hbm>>
            %dma_wait3A_332 = tpu.memref_slice %run_scoped3A_17[%rem3A_324] : memref<2x!tpu.dma_semaphore, #tpu.memory_space<semaphore_mem>> -> memref<1x!tpu.dma_semaphore, #tpu.memory_space<semaphore_mem>>
            %dma_wait3A_333 = tpu.memref_squeeze %dma_wait3A_332 : memref<1x!tpu.dma_semaphore, #tpu.memory_space<semaphore_mem>> -> memref<!tpu.dma_semaphore, #tpu.memory_space<semaphore_mem>>
            %dma_wait3A_334 = arith.constant 0 : i32
            %dma_wait3A_335 = arith.constant 0 : i32
            %dma_wait3A_336 = arith.constant 0 : i32
            %dma_wait3A_337 = tpu.memref_slice %run_scoped3A[%rem3A_324, %dma_wait3A_334, %dma_wait3A_335, %dma_wait3A_336] : memref<2x1x2x128xi32, #tpu.memory_space<vmem>> -> memref<1x1x2x128xi32, #tpu.memory_space<vmem>>
            %dma_wait3A_338 = tpu.memref_squeeze %dma_wait3A_337 : memref<1x1x2x128xi32, #tpu.memory_space<vmem>> -> memref<1x2x128xi32, #tpu.memory_space<vmem>>
            %dma_wait3A_339 = arith.constant 0 : i32
            %dma_wait3A_340 = arith.constant 0 : i32
            %dma_wait3A_341 = tpu.memref_slice %arg3[%mul3A_322, %dma_wait3A_339, %dma_wait3A_340] : memref<625x2x128xi32, #tpu.memory_space<hbm>> -> memref<1x2x128xi32, #tpu.memory_space<hbm>>
            tpu.wait_dma2 semaphore(%dma_wait3A_333 : memref<!tpu.dma_semaphore, #tpu.memory_space<semaphore_mem>>) src(%dma_wait3A_341 : memref<1x2x128xi32, #tpu.memory_space<hbm>>) dst(%dma_wait3A_338 : memref<1x2x128xi32, #tpu.memory_space<vmem>>)
            "tpu.trace_stop"() : () -> ()
          } else {
          }
          %ne3A_228 = arith.cmpi ne, %add3A_159, %add3A_169 : i32
          %or3A_229 = arith.constant false
          %or3A_230 = arith.ori %or3A_229, %ne3A_228 : i1
          %or3A_231 = arith.constant false
          %or3A_232 = arith.ori %or3A_230, %or3A_231 : i1
          %or3A_233 = arith.ori %or3A_232, %eq3A_155 : i1
          %convert_element_type3A_234 = arith.extui %or3A_233 : i1 to i32
          %cond3A_235 = arith.constant 0 : i32
          %cond3A_236 = arith.cmpi ne, %convert_element_type3A_234, %cond3A_235 : i32
          scf.if %cond3A_236 {
          } else {
          }
          %rem3A_237 = arith.constant 2 : i32
          %rem3A_238 = arith.remui %while3A_148, %rem3A_237 : i32
          %rem3A_239 = arith.constant 2 : i32
          %rem3A_240 = arith.remui %while3A_149, %rem3A_239 : i32
          %run_scoped3A_241 = arith.constant 0 : i32
          %run_scoped3A_242 = arith.constant 0 : i32
          "tpu.trace_start"() <{level = 10 : i32, message = "ep_run_kernel"}> : () -> ()
          "tpu.region"() ({
            %run_scoped3A_321 = tpu.sem_alloc : memref<!tpu.dma_semaphore, #tpu.memory_space<semaphore_mem>>
            %dma_start3A_322 = arith.constant 0 : i32
            %dma_start3A_323 = arith.constant 0 : i32
            %dma_start3A_324 = tpu.memref_slice %run_scoped3A_18[%rem3A_240, %dma_start3A_322, %dma_start3A_323] : memref<2x256x128xi32, #tpu.memory_space<vmem>> -> memref<1x256x128xi32, #tpu.memory_space<vmem>>
            %dma_start3A_325 = tpu.memref_squeeze %dma_start3A_324 : memref<1x256x128xi32, #tpu.memory_space<vmem>> -> memref<256x128xi32, #tpu.memory_space<vmem>>
            %dma_start3A_326 = arith.constant 0 : i32
            %dma_start3A_327 = arith.constant 0 : i32
            %dma_start3A_328 = tpu.memref_slice %dma_start3A_325[%dma_start3A_326, %dma_start3A_327] : memref<256x128xi32, #tpu.memory_space<vmem>> -> memref<128x128xi32, #tpu.memory_space<vmem>>
            %dma_start3A_329 = arith.constant 0 : i32
            %dma_start3A_330 = arith.constant 0 : i32
            %dma_start3A_331 = arith.constant 0 : i32
            %dma_start3A_332 = tpu.memref_slice %run_scoped3A[%rem3A_238, %dma_start3A_329, %dma_start3A_330, %dma_start3A_331] : memref<2x1x2x128xi32, #tpu.memory_space<vmem>> -> memref<1x1x2x128xi32, #tpu.memory_space<vmem>>
            %dma_start3A_333 = tpu.memref_squeeze %dma_start3A_332 : memref<1x1x2x128xi32, #tpu.memory_space<vmem>> -> memref<1x2x128xi32, #tpu.memory_space<vmem>>
            %dma_start3A_334 = arith.constant 0 : i32
            %dma_start3A_335 = tpu.memref_slice %dma_start3A_333[%run_scoped3A_241, %run_scoped3A_242, %dma_start3A_334] : memref<1x2x128xi32, #tpu.memory_space<vmem>> -> memref<1x1x128xi32, #tpu.memory_space<vmem>>
            %dma_start3A_336 = tpu.memref_squeeze %dma_start3A_335 : memref<1x1x128xi32, #tpu.memory_space<vmem>> -> memref<128xi32, #tpu.memory_space<vmem>>
            %dma_start3A_337 = arith.constant 0 : i32
            %dma_start3A_338 = arith.constant 0 : i32
            %dma_start3A_339 = tpu.memref_slice %arg2[%dma_start3A_337, %dma_start3A_338] : memref<10000x128xi32, #tpu.memory_space<hbm>> -> memref<10000x128xi32, #tpu.memory_space<hbm>>
            tpu.enqueue_indirect_dma source(%dma_start3A_339 : memref<10000x128xi32, #tpu.memory_space<hbm>>) target(%dma_start3A_328 : memref<128x128xi32, #tpu.memory_space<vmem>>) offsets(%dma_start3A_336 : memref<128xi32, #tpu.memory_space<vmem>>) semaphore(%run_scoped3A_321 : memref<!tpu.dma_semaphore, #tpu.memory_space<semaphore_mem>>)
            %dma_wait3A = arith.constant 0 : i32
            %dma_wait3A_340 = arith.constant 0 : i32
            %dma_wait3A_341 = tpu.memref_slice %run_scoped3A_18[%rem3A_240, %dma_wait3A, %dma_wait3A_340] : memref<2x256x128xi32, #tpu.memory_space<vmem>> -> memref<1x256x128xi32, #tpu.memory_space<vmem>>
            %dma_wait3A_342 = tpu.memref_squeeze %dma_wait3A_341 : memref<1x256x128xi32, #tpu.memory_space<vmem>> -> memref<256x128xi32, #tpu.memory_space<vmem>>
            %dma_wait3A_343 = arith.constant 0 : i32
            %dma_wait3A_344 = arith.constant 0 : i32
            %dma_wait3A_345 = tpu.memref_slice %dma_wait3A_342[%dma_wait3A_343, %dma_wait3A_344] : memref<256x128xi32, #tpu.memory_space<vmem>> -> memref<128x128xi32, #tpu.memory_space<vmem>>
            %dma_wait3A_346 = arith.constant 0 : i32
            %dma_wait3A_347 = arith.constant 0 : i32
            %dma_wait3A_348 = arith.constant 0 : i32
            %dma_wait3A_349 = tpu.memref_slice %run_scoped3A[%rem3A_238, %dma_wait3A_346, %dma_wait3A_347, %dma_wait3A_348] : memref<2x1x2x128xi32, #tpu.memory_space<vmem>> -> memref<1x1x2x128xi32, #tpu.memory_space<vmem>>
            %dma_wait3A_350 = tpu.memref_squeeze %dma_wait3A_349 : memref<1x1x2x128xi32, #tpu.memory_space<vmem>> -> memref<1x2x128xi32, #tpu.memory_space<vmem>>
            %dma_wait3A_351 = arith.constant 0 : i32
            %dma_wait3A_352 = tpu.memref_slice %dma_wait3A_350[%run_scoped3A_241, %run_scoped3A_242, %dma_wait3A_351] : memref<1x2x128xi32, #tpu.memory_space<vmem>> -> memref<1x1x128xi32, #tpu.memory_space<vmem>>
            %dma_wait3A_353 = tpu.memref_squeeze %dma_wait3A_352 : memref<1x1x128xi32, #tpu.memory_space<vmem>> -> memref<128xi32, #tpu.memory_space<vmem>>
            %dma_wait3A_354 = arith.constant 0 : i32
            %dma_wait3A_355 = arith.constant 0 : i32
            %dma_wait3A_356 = tpu.memref_slice %arg2[%dma_wait3A_354, %dma_wait3A_355] : memref<10000x128xi32, #tpu.memory_space<hbm>> -> memref<10000x128xi32, #tpu.memory_space<hbm>>
            tpu.wait_indirect_dma semaphore(%run_scoped3A_321 : memref<!tpu.dma_semaphore, #tpu.memory_space<semaphore_mem>>) src(%dma_wait3A_356 : memref<10000x128xi32, #tpu.memory_space<hbm>>) dst(%dma_wait3A_345 : memref<128x128xi32, #tpu.memory_space<vmem>>)
            tpu.yield
          }) : () -> ()
          %run_scoped3A_243 = arith.constant 0 : i32
          %run_scoped3A_244 = arith.constant 1 : i32
          "tpu.region"() ({
            %run_scoped3A_321 = tpu.sem_alloc : memref<!tpu.dma_semaphore, #tpu.memory_space<semaphore_mem>>
            %dma_start3A_322 = arith.constant 0 : i32
            %dma_start3A_323 = arith.constant 0 : i32
            %dma_start3A_324 = tpu.memref_slice %run_scoped3A_18[%rem3A_240, %dma_start3A_322, %dma_start3A_323] : memref<2x256x128xi32, #tpu.memory_space<vmem>> -> memref<1x256x128xi32, #tpu.memory_space<vmem>>
            %dma_start3A_325 = tpu.memref_squeeze %dma_start3A_324 : memref<1x256x128xi32, #tpu.memory_space<vmem>> -> memref<256x128xi32, #tpu.memory_space<vmem>>
            %dma_start3A_326 = arith.constant 128 : i32
            %dma_start3A_327 = arith.constant 0 : i32
            %dma_start3A_328 = tpu.memref_slice %dma_start3A_325[%dma_start3A_326, %dma_start3A_327] : memref<256x128xi32, #tpu.memory_space<vmem>> -> memref<128x128xi32, #tpu.memory_space<vmem>>
            %dma_start3A_329 = arith.constant 0 : i32
            %dma_start3A_330 = arith.constant 0 : i32
            %dma_start3A_331 = arith.constant 0 : i32
            %dma_start3A_332 = tpu.memref_slice %run_scoped3A[%rem3A_238, %dma_start3A_329, %dma_start3A_330, %dma_start3A_331] : memref<2x1x2x128xi32, #tpu.memory_space<vmem>> -> memref<1x1x2x128xi32, #tpu.memory_space<vmem>>
            %dma_start3A_333 = tpu.memref_squeeze %dma_start3A_332 : memref<1x1x2x128xi32, #tpu.memory_space<vmem>> -> memref<1x2x128xi32, #tpu.memory_space<vmem>>
            %dma_start3A_334 = arith.constant 0 : i32
            %dma_start3A_335 = tpu.memref_slice %dma_start3A_333[%run_scoped3A_243, %run_scoped3A_244, %dma_start3A_334] : memref<1x2x128xi32, #tpu.memory_space<vmem>> -> memref<1x1x128xi32, #tpu.memory_space<vmem>>
            %dma_start3A_336 = tpu.memref_squeeze %dma_start3A_335 : memref<1x1x128xi32, #tpu.memory_space<vmem>> -> memref<128xi32, #tpu.memory_space<vmem>>
            %dma_start3A_337 = arith.constant 0 : i32
            %dma_start3A_338 = arith.constant 0 : i32
            %dma_start3A_339 = tpu.memref_slice %arg2[%dma_start3A_337, %dma_start3A_338] : memref<10000x128xi32, #tpu.memory_space<hbm>> -> memref<10000x128xi32, #tpu.memory_space<hbm>>
            tpu.enqueue_indirect_dma source(%dma_start3A_339 : memref<10000x128xi32, #tpu.memory_space<hbm>>) target(%dma_start3A_328 : memref<128x128xi32, #tpu.memory_space<vmem>>) offsets(%dma_start3A_336 : memref<128xi32, #tpu.memory_space<vmem>>) semaphore(%run_scoped3A_321 : memref<!tpu.dma_semaphore, #tpu.memory_space<semaphore_mem>>)
            %dma_wait3A = arith.constant 0 : i32
            %dma_wait3A_340 = arith.constant 0 : i32
            %dma_wait3A_341 = tpu.memref_slice %run_scoped3A_18[%rem3A_240, %dma_wait3A, %dma_wait3A_340] : memref<2x256x128xi32, #tpu.memory_space<vmem>> -> memref<1x256x128xi32, #tpu.memory_space<vmem>>
            %dma_wait3A_342 = tpu.memref_squeeze %dma_wait3A_341 : memref<1x256x128xi32, #tpu.memory_space<vmem>> -> memref<256x128xi32, #tpu.memory_space<vmem>>
            %dma_wait3A_343 = arith.constant 128 : i32
            %dma_wait3A_344 = arith.constant 0 : i32
            %dma_wait3A_345 = tpu.memref_slice %dma_wait3A_342[%dma_wait3A_343, %dma_wait3A_344] : memref<256x128xi32, #tpu.memory_space<vmem>> -> memref<128x128xi32, #tpu.memory_space<vmem>>
            %dma_wait3A_346 = arith.constant 0 : i32
            %dma_wait3A_347 = arith.constant 0 : i32
            %dma_wait3A_348 = arith.constant 0 : i32
            %dma_wait3A_349 = tpu.memref_slice %run_scoped3A[%rem3A_238, %dma_wait3A_346, %dma_wait3A_347, %dma_wait3A_348] : memref<2x1x2x128xi32, #tpu.memory_space<vmem>> -> memref<1x1x2x128xi32, #tpu.memory_space<vmem>>
            %dma_wait3A_350 = tpu.memref_squeeze %dma_wait3A_349 : memref<1x1x2x128xi32, #tpu.memory_space<vmem>> -> memref<1x2x128xi32, #tpu.memory_space<vmem>>
            %dma_wait3A_351 = arith.constant 0 : i32
            %dma_wait3A_352 = tpu.memref_slice %dma_wait3A_350[%run_scoped3A_243, %run_scoped3A_244, %dma_wait3A_351] : memref<1x2x128xi32, #tpu.memory_space<vmem>> -> memref<1x1x128xi32, #tpu.memory_space<vmem>>
            %dma_wait3A_353 = tpu.memref_squeeze %dma_wait3A_352 : memref<1x1x128xi32, #tpu.memory_space<vmem>> -> memref<128xi32, #tpu.memory_space<vmem>>
            %dma_wait3A_354 = arith.constant 0 : i32
            %dma_wait3A_355 = arith.constant 0 : i32
            %dma_wait3A_356 = tpu.memref_slice %arg2[%dma_wait3A_354, %dma_wait3A_355] : memref<10000x128xi32, #tpu.memory_space<hbm>> -> memref<10000x128xi32, #tpu.memory_space<hbm>>
            tpu.wait_indirect_dma semaphore(%run_scoped3A_321 : memref<!tpu.dma_semaphore, #tpu.memory_space<semaphore_mem>>) src(%dma_wait3A_356 : memref<10000x128xi32, #tpu.memory_space<hbm>>) dst(%dma_wait3A_345 : memref<128x128xi32, #tpu.memory_space<vmem>>)
            tpu.yield
          }) : () -> ()
          "tpu.trace_stop"() : () -> ()
          %ne3A_245 = arith.cmpi ne, %add3A_159, %add3A_177 : i32
          %or3A_246 = arith.constant false
          %or3A_247 = arith.ori %or3A_246, %ne3A_245 : i1
          %or3A_248 = arith.constant false
          %or3A_249 = arith.ori %or3A_247, %or3A_248 : i1
          %or3A_250 = arith.constant false
          %or3A_251 = arith.ori %or3A_249, %or3A_250 : i1
          %or3A_252 = arith.ori %or3A_251, %eq3A_158 : i1
          %convert_element_type3A_253 = arith.extui %or3A_252 : i1 to i32
          %cond3A_254 = arith.constant 0 : i32
          %cond3A_255 = arith.cmpi ne, %convert_element_type3A_253, %cond3A_254 : i32
          scf.if %cond3A_255 {
          } else {
          }
          %and3A_256 = arith.constant false
          %and3A_257 = arith.andi %or3A_252, %and3A_256 : i1
          %ne3A_258 = arith.cmpi ne, %add3A_159, %add3A_177 : i32
          %or3A_259 = arith.constant false
          %or3A_260 = arith.ori %or3A_259, %ne3A_258 : i1
          %or3A_261 = arith.constant false
          %or3A_262 = arith.ori %or3A_260, %or3A_261 : i1
          %or3A_263 = arith.ori %or3A_262, %eq3A_158 : i1
          %convert_element_type3A_264 = arith.extui %or3A_263 : i1 to i32
          %cond3A_265 = arith.constant 0 : i32
          %cond3A_266 = arith.cmpi ne, %convert_element_type3A_264, %cond3A_265 : i32
          scf.if %cond3A_266 {
            "tpu.trace_start"() <{level = 10 : i32, message = "ep_copy_out"}> : () -> ()
            %rem3A_321 = arith.constant 2 : i32
            %rem3A_322 = arith.remui %while3A_149, %rem3A_321 : i32
            %mul3A_323 = arith.constant 256 : i32
            %mul3A_324 = arith.muli %mul3A_323, %add3A_159 : i32
            %dma_start3A_325 = arith.constant 0 : i32
            %dma_start3A_326 = arith.constant 0 : i32
            %dma_start3A_327 = tpu.memref_slice %run_scoped3A_18[%rem3A_322, %dma_start3A_325, %dma_start3A_326] : memref<2x256x128xi32, #tpu.memory_space<vmem>> -> memref<1x256x128xi32, #tpu.memory_space<vmem>>
            %dma_start3A_328 = tpu.memref_squeeze %dma_start3A_327 : memref<1x256x128xi32, #tpu.memory_space<vmem>> -> memref<256x128xi32, #tpu.memory_space<vmem>>
            %dma_start3A_329 = arith.constant 0 : i32
            %dma_start3A_330 = tpu.memref_slice %arg4[%mul3A_324, %dma_start3A_329] : memref<160000x128xi32, #tpu.memory_space<hbm>> -> memref<256x128xi32, #tpu.memory_space<hbm>>
            %dma_start3A_331 = tpu.memref_slice %run_scoped3A_19[%rem3A_322] : memref<2x!tpu.dma_semaphore, #tpu.memory_space<semaphore_mem>> -> memref<1x!tpu.dma_semaphore, #tpu.memory_space<semaphore_mem>>
            %dma_start3A_332 = tpu.memref_squeeze %dma_start3A_331 : memref<1x!tpu.dma_semaphore, #tpu.memory_space<semaphore_mem>> -> memref<!tpu.dma_semaphore, #tpu.memory_space<semaphore_mem>>
            %dma_start3A_333 = arith.constant 0 : i32
            %dma_start3A_334 = tpu.memref_slice %arg4[%mul3A_324, %dma_start3A_333] : memref<160000x128xi32, #tpu.memory_space<hbm>> -> memref<256x128xi32, #tpu.memory_space<hbm>>
            %dma_start3A_335 = arith.constant 0 : i32
            %dma_start3A_336 = arith.constant 0 : i32
            %dma_start3A_337 = tpu.memref_slice %run_scoped3A_18[%rem3A_322, %dma_start3A_335, %dma_start3A_336] : memref<2x256x128xi32, #tpu.memory_space<vmem>> -> memref<1x256x128xi32, #tpu.memory_space<vmem>>
            %dma_start3A_338 = tpu.memref_squeeze %dma_start3A_337 : memref<1x256x128xi32, #tpu.memory_space<vmem>> -> memref<256x128xi32, #tpu.memory_space<vmem>>
            tpu.enqueue_dma source(%dma_start3A_338 : memref<256x128xi32, #tpu.memory_space<vmem>>) target(%dma_start3A_334 : memref<256x128xi32, #tpu.memory_space<hbm>>) target_semaphore(%dma_start3A_332 : memref<!tpu.dma_semaphore, #tpu.memory_space<semaphore_mem>>)
            "tpu.trace_stop"() : () -> ()
          } else {
          }
          %and3A_267 = arith.constant true
          %and3A_268 = arith.andi %or3A_263, %and3A_267 : i1
          %add3A_269 = arith.constant 1 : i32
          %add3A_270 = arith.addi %while3A_149, %add3A_269 : i32
          %select_n3A_271 = arith.select %and3A_268, %add3A_270, %while3A_149 : i32
          %ne3A_272 = arith.cmpi ne, %add3A_159, %add3A_169 : i32
          %or3A_273 = arith.constant false
          %or3A_274 = arith.ori %or3A_273, %ne3A_272 : i1
          %or3A_275 = arith.constant false
          %or3A_276 = arith.ori %or3A_274, %or3A_275 : i1
          %or3A_277 = arith.constant false
          %or3A_278 = arith.ori %or3A_276, %or3A_277 : i1
          %not3A_279 = arith.constant true
          %not3A_280 = arith.xori %eq3A_155, %not3A_279 : i1
          %and3A_281 = arith.andi %or3A_278, %not3A_280 : i1
          %convert_element_type3A_282 = arith.extui %and3A_281 : i1 to i32
          %cond3A_283 = arith.constant 0 : i32
          %cond3A_284 = arith.cmpi ne, %convert_element_type3A_282, %cond3A_283 : i32
          scf.if %cond3A_284 {
          } else {
          }
          %and3A_285 = arith.constant false
          %and3A_286 = arith.andi %and3A_281, %and3A_285 : i1
          %ne3A_287 = arith.cmpi ne, %add3A_159, %add3A_169 : i32
          %or3A_288 = arith.constant false
          %or3A_289 = arith.ori %or3A_288, %ne3A_287 : i1
          %or3A_290 = arith.constant false
          %or3A_291 = arith.ori %or3A_289, %or3A_290 : i1
          %not3A_292 = arith.constant true
          %not3A_293 = arith.xori %eq3A_155, %not3A_292 : i1
          %and3A_294 = arith.andi %or3A_291, %not3A_293 : i1
          %convert_element_type3A_295 = arith.extui %and3A_294 : i1 to i32
          %cond3A_296 = arith.constant 0 : i32
          %cond3A_297 = arith.cmpi ne, %convert_element_type3A_295, %cond3A_296 : i32
          scf.if %cond3A_297 {
            "tpu.trace_start"() <{level = 10 : i32, message = "ep_wait_out"}> : () -> ()
            %rem3A_321 = arith.constant 2 : i32
            %rem3A_322 = arith.remui %while3A_150, %rem3A_321 : i32
            %mul3A_323 = arith.constant 256 : i32
            %mul3A_324 = arith.muli %mul3A_323, %add3A_169 : i32
            %dma_wait3A = arith.constant 0 : i32
            %dma_wait3A_325 = arith.constant 0 : i32
            %dma_wait3A_326 = tpu.memref_slice %run_scoped3A_18[%rem3A_322, %dma_wait3A, %dma_wait3A_325] : memref<2x256x128xi32, #tpu.memory_space<vmem>> -> memref<1x256x128xi32, #tpu.memory_space<vmem>>
            %dma_wait3A_327 = tpu.memref_squeeze %dma_wait3A_326 : memref<1x256x128xi32, #tpu.memory_space<vmem>> -> memref<256x128xi32, #tpu.memory_space<vmem>>
            %dma_wait3A_328 = arith.constant 0 : i32
            %dma_wait3A_329 = tpu.memref_slice %arg4[%mul3A_324, %dma_wait3A_328] : memref<160000x128xi32, #tpu.memory_space<hbm>> -> memref<256x128xi32, #tpu.memory_space<hbm>>
            %dma_wait3A_330 = tpu.memref_slice %run_scoped3A_19[%rem3A_322] : memref<2x!tpu.dma_semaphore, #tpu.memory_space<semaphore_mem>> -> memref<1x!tpu.dma_semaphore, #tpu.memory_space<semaphore_mem>>
            %dma_wait3A_331 = tpu.memref_squeeze %dma_wait3A_330 : memref<1x!tpu.dma_semaphore, #tpu.memory_space<semaphore_mem>> -> memref<!tpu.dma_semaphore, #tpu.memory_space<semaphore_mem>>
            %dma_wait3A_332 = arith.constant 0 : i32
            %dma_wait3A_333 = tpu.memref_slice %arg4[%mul3A_324, %dma_wait3A_332] : memref<160000x128xi32, #tpu.memory_space<hbm>> -> memref<256x128xi32, #tpu.memory_space<hbm>>
            %dma_wait3A_334 = arith.constant 0 : i32
            %dma_wait3A_335 = arith.constant 0 : i32
            %dma_wait3A_336 = tpu.memref_slice %run_scoped3A_18[%rem3A_322, %dma_wait3A_334, %dma_wait3A_335] : memref<2x256x128xi32, #tpu.memory_space<vmem>> -> memref<1x256x128xi32, #tpu.memory_space<vmem>>
            %dma_wait3A_337 = tpu.memref_squeeze %dma_wait3A_336 : memref<1x256x128xi32, #tpu.memory_space<vmem>> -> memref<256x128xi32, #tpu.memory_space<vmem>>
            tpu.wait_dma2 semaphore(%dma_wait3A_331 : memref<!tpu.dma_semaphore, #tpu.memory_space<semaphore_mem>>) src(%dma_wait3A_337 : memref<256x128xi32, #tpu.memory_space<vmem>>) dst(%dma_wait3A_333 : memref<256x128xi32, #tpu.memory_space<hbm>>)
            "tpu.trace_stop"() : () -> ()
          } else {
          }
          %and3A_298 = arith.constant true
          %and3A_299 = arith.andi %and3A_294, %and3A_298 : i1
          %add3A_300 = arith.constant 1 : i32
          %add3A_301 = arith.addi %while3A_150, %add3A_300 : i32
          %select_n3A_302 = arith.select %and3A_299, %add3A_301, %while3A_150 : i32
          %ne3A_303 = arith.cmpi ne, %add3A_159, %add3A_177 : i32
          %or3A_304 = arith.constant false
          %or3A_305 = arith.ori %or3A_304, %ne3A_303 : i1
          %or3A_306 = arith.constant false
          %or3A_307 = arith.ori %or3A_305, %or3A_306 : i1
          %or3A_308 = arith.constant false
          %or3A_309 = arith.ori %or3A_307, %or3A_308 : i1
          %or3A_310 = arith.ori %or3A_309, %eq3A_158 : i1
          %add3A_311 = arith.constant 1 : i32
          %add3A_312 = arith.addi %while3A_148, %add3A_311 : i32
          %select_n3A_313 = arith.select %or3A_310, %add3A_312, %while3A_148 : i32
          %add3A_314 = arith.constant 1 : i32
          %add3A_315 = arith.addi %while3A_151, %add3A_314 : i32
          %select_n3A_316 = arith.constant true
          %select_n3A_317 = arith.select %select_n3A_316, %add3A_315, %while3A_151 : i32
          %eq3A_318 = arith.cmpi eq, %select_n3A_317, %select_n3A : i32
          %select_n3A_319 = arith.constant 0 : i32
          %select_n3A_320 = arith.select %eq3A_318, %select_n3A_319, %select_n3A_317 : i32
          scf.yield %select_n3A_203, %select_n3A_313, %select_n3A_271, %select_n3A_302, %select_n3A_320 : i32, i32, i32, i32, i32
        }
        %while3A_93 = arith.constant 1 : i32
        %while3A_94:5 = scf.for %while3A_146 = %while3A_90 to %while3A_86 step %while3A_93 iter_args(%while3A_147 = %while3A_92#0, %while3A_148 = %while3A_92#1, %while3A_149 = %while3A_92#2, %while3A_150 = %while3A_92#3, %while3A_151 = %while3A_92#4) -> (i32, i32, i32, i32, i32)  : i32 {
          %mul3A_152 = arith.constant 1 : i32
          %mul3A_153 = arith.muli %mul3A_152, %select_n3A : i32
          %eq3A_154 = arith.constant 0 : i32
          %eq3A_155 = arith.cmpi eq, %while3A_146, %eq3A_154 : i32
          %sub3A_156 = arith.constant 1 : i32
          %sub3A_157 = arith.subi %mul3A_153, %sub3A_156 : i32
          %eq3A_158 = arith.cmpi eq, %while3A_146, %sub3A_157 : i32
          %add3A_159 = arith.addi %while3A_151, %select_n3A_14 : i32
          %sub3A_160 = arith.constant 1 : i32
          %sub3A_161 = arith.subi %while3A_151, %sub3A_160 : i32
          %select_n3A_162 = arith.constant true
          %select_n3A_163 = arith.select %select_n3A_162, %sub3A_161, %while3A_151 : i32
          %eq3A_164 = arith.constant -1 : i32
          %eq3A_165 = arith.cmpi eq, %select_n3A_163, %eq3A_164 : i32
          %sub3A_166 = arith.constant 1 : i32
          %sub3A_167 = arith.subi %select_n3A, %sub3A_166 : i32
          %select_n3A_168 = arith.select %eq3A_165, %sub3A_167, %select_n3A_163 : i32
          %add3A_169 = arith.addi %select_n3A_168, %select_n3A_14 : i32
          %add3A_170 = arith.constant 1 : i32
          %add3A_171 = arith.addi %while3A_151, %add3A_170 : i32
          %select_n3A_172 = arith.constant true
          %select_n3A_173 = arith.select %select_n3A_172, %add3A_171, %while3A_151 : i32
          %eq3A_174 = arith.cmpi eq, %select_n3A_173, %select_n3A : i32
          %select_n3A_175 = arith.constant 0 : i32
          %select_n3A_176 = arith.select %eq3A_174, %select_n3A_175, %select_n3A_173 : i32
          %add3A_177 = arith.addi %select_n3A_176, %select_n3A_14 : i32
          %add3A_178 = arith.constant 1 : i32
          %add3A_179 = arith.addi %select_n3A_176, %add3A_178 : i32
          %select_n3A_180 = arith.constant true
          %select_n3A_181 = arith.select %select_n3A_180, %add3A_179, %select_n3A_176 : i32
          %eq3A_182 = arith.cmpi eq, %select_n3A_181, %select_n3A : i32
          %select_n3A_183 = arith.constant 0 : i32
          %select_n3A_184 = arith.select %eq3A_182, %select_n3A_183, %select_n3A_181 : i32
          %add3A_185 = arith.addi %select_n3A_184, %select_n3A_14 : i32
          %ne3A = arith.cmpi ne, %add3A_159, %add3A_177 : i32
          %or3A = arith.constant false
          %or3A_186 = arith.ori %or3A, %ne3A : i1
          %or3A_187 = arith.constant false
          %or3A_188 = arith.ori %or3A_186, %or3A_187 : i1
          %or3A_189 = arith.constant false
          %or3A_190 = arith.ori %or3A_188, %or3A_189 : i1
          %sub3A_191 = arith.constant 2 : i32
          %sub3A_192 = arith.subi %mul3A_153, %sub3A_191 : i32
          %add3A_193 = arith.constant 1 : i32
          %add3A_194 = arith.addi %sub3A_192, %add3A_193 : i32
          %ge3A = arith.cmpi sge, %while3A_146, %add3A_194 : i32
          %not3A = arith.constant true
          %not3A_195 = arith.xori %ge3A, %not3A : i1
          %and3A = arith.andi %or3A_190, %not3A_195 : i1
          %convert_element_type3A_196 = arith.extui %and3A : i1 to i32
          %cond3A_197 = arith.constant 0 : i32
          %cond3A_198 = arith.cmpi ne, %convert_element_type3A_196, %cond3A_197 : i32
          scf.if %cond3A_198 {
            "tpu.trace_start"() <{level = 10 : i32, message = "ep_copy_in"}> : () -> ()
            %rem3A_321 = arith.constant 2 : i32
            %rem3A_322 = arith.remui %while3A_147, %rem3A_321 : i32
            %mul3A_323 = arith.constant 1 : i32
            %mul3A_324 = arith.muli %mul3A_323, %add3A_177 : i32
            %dma_start3A_325 = arith.constant 0 : i32
            %dma_start3A_326 = arith.constant 0 : i32
            %dma_start3A_327 = arith.constant 0 : i32
            %dma_start3A_328 = tpu.memref_slice %run_scoped3A[%rem3A_322, %dma_start3A_325, %dma_start3A_326, %dma_start3A_327] : memref<2x1x2x128xi32, #tpu.memory_space<vmem>> -> memref<1x1x2x128xi32, #tpu.memory_space<vmem>>
            %dma_start3A_329 = tpu.memref_squeeze %dma_start3A_328 : memref<1x1x2x128xi32, #tpu.memory_space<vmem>> -> memref<1x2x128xi32, #tpu.memory_space<vmem>>
            %dma_start3A_330 = arith.constant 0 : i32
            %dma_start3A_331 = arith.constant 0 : i32
            %dma_start3A_332 = tpu.memref_slice %arg3[%mul3A_324, %dma_start3A_330, %dma_start3A_331] : memref<625x2x128xi32, #tpu.memory_space<hbm>> -> memref<1x2x128xi32, #tpu.memory_space<hbm>>
            %dma_start3A_333 = tpu.memref_slice %run_scoped3A_17[%rem3A_322] : memref<2x!tpu.dma_semaphore, #tpu.memory_space<semaphore_mem>> -> memref<1x!tpu.dma_semaphore, #tpu.memory_space<semaphore_mem>>
            %dma_start3A_334 = tpu.memref_squeeze %dma_start3A_333 : memref<1x!tpu.dma_semaphore, #tpu.memory_space<semaphore_mem>> -> memref<!tpu.dma_semaphore, #tpu.memory_space<semaphore_mem>>
            %dma_start3A_335 = arith.constant 0 : i32
            %dma_start3A_336 = arith.constant 0 : i32
            %dma_start3A_337 = arith.constant 0 : i32
            %dma_start3A_338 = tpu.memref_slice %run_scoped3A[%rem3A_322, %dma_start3A_335, %dma_start3A_336, %dma_start3A_337] : memref<2x1x2x128xi32, #tpu.memory_space<vmem>> -> memref<1x1x2x128xi32, #tpu.memory_space<vmem>>
            %dma_start3A_339 = tpu.memref_squeeze %dma_start3A_338 : memref<1x1x2x128xi32, #tpu.memory_space<vmem>> -> memref<1x2x128xi32, #tpu.memory_space<vmem>>
            %dma_start3A_340 = arith.constant 0 : i32
            %dma_start3A_341 = arith.constant 0 : i32
            %dma_start3A_342 = tpu.memref_slice %arg3[%mul3A_324, %dma_start3A_340, %dma_start3A_341] : memref<625x2x128xi32, #tpu.memory_space<hbm>> -> memref<1x2x128xi32, #tpu.memory_space<hbm>>
            tpu.enqueue_dma source(%dma_start3A_342 : memref<1x2x128xi32, #tpu.memory_space<hbm>>) target(%dma_start3A_339 : memref<1x2x128xi32, #tpu.memory_space<vmem>>) target_semaphore(%dma_start3A_334 : memref<!tpu.dma_semaphore, #tpu.memory_space<semaphore_mem>>)
            "tpu.trace_stop"() : () -> ()
          } else {
          }
          %and3A_199 = arith.constant true
          %and3A_200 = arith.andi %and3A, %and3A_199 : i1
          %add3A_201 = arith.constant 1 : i32
          %add3A_202 = arith.addi %while3A_147, %add3A_201 : i32
          %select_n3A_203 = arith.select %and3A_200, %add3A_202, %while3A_147 : i32
          %ne3A_204 = arith.cmpi ne, %add3A_159, %add3A_177 : i32
          %or3A_205 = arith.constant false
          %or3A_206 = arith.ori %or3A_205, %ne3A_204 : i1
          %or3A_207 = arith.constant false
          %or3A_208 = arith.ori %or3A_206, %or3A_207 : i1
          %sub3A_209 = arith.constant 2 : i32
          %sub3A_210 = arith.subi %mul3A_153, %sub3A_209 : i32
          %add3A_211 = arith.constant 1 : i32
          %add3A_212 = arith.addi %sub3A_210, %add3A_211 : i32
          %ge3A_213 = arith.cmpi sge, %while3A_146, %add3A_212 : i32
          %not3A_214 = arith.constant true
          %not3A_215 = arith.xori %ge3A_213, %not3A_214 : i1
          %and3A_216 = arith.andi %or3A_208, %not3A_215 : i1
          %ne3A_217 = arith.cmpi ne, %add3A_159, %add3A_169 : i32
          %or3A_218 = arith.constant false
          %or3A_219 = arith.ori %or3A_218, %ne3A_217 : i1
          %or3A_220 = arith.constant false
          %or3A_221 = arith.ori %or3A_219, %or3A_220 : i1
          %or3A_222 = arith.constant false
          %or3A_223 = arith.ori %or3A_221, %or3A_222 : i1
          %or3A_224 = arith.ori %or3A_223, %eq3A_155 : i1
          %convert_element_type3A_225 = arith.extui %or3A_224 : i1 to i32
          %cond3A_226 = arith.constant 0 : i32
          %cond3A_227 = arith.cmpi ne, %convert_element_type3A_225, %cond3A_226 : i32
          scf.if %cond3A_227 {
            "tpu.trace_start"() <{level = 10 : i32, message = "ep_wait_in"}> : () -> ()
            %mul3A_321 = arith.constant 1 : i32
            %mul3A_322 = arith.muli %mul3A_321, %add3A_159 : i32
            %rem3A_323 = arith.constant 2 : i32
            %rem3A_324 = arith.remui %while3A_148, %rem3A_323 : i32
            %dma_wait3A = arith.constant 0 : i32
            %dma_wait3A_325 = arith.constant 0 : i32
            %dma_wait3A_326 = arith.constant 0 : i32
            %dma_wait3A_327 = tpu.memref_slice %run_scoped3A[%rem3A_324, %dma_wait3A, %dma_wait3A_325, %dma_wait3A_326] : memref<2x1x2x128xi32, #tpu.memory_space<vmem>> -> memref<1x1x2x128xi32, #tpu.memory_space<vmem>>
            %dma_wait3A_328 = tpu.memref_squeeze %dma_wait3A_327 : memref<1x1x2x128xi32, #tpu.memory_space<vmem>> -> memref<1x2x128xi32, #tpu.memory_space<vmem>>
            %dma_wait3A_329 = arith.constant 0 : i32
            %dma_wait3A_330 = arith.constant 0 : i32
            %dma_wait3A_331 = tpu.memref_slice %arg3[%mul3A_322, %dma_wait3A_329, %dma_wait3A_330] : memref<625x2x128xi32, #tpu.memory_space<hbm>> -> memref<1x2x128xi32, #tpu.memory_space<hbm>>
            %dma_wait3A_332 = tpu.memref_slice %run_scoped3A_17[%rem3A_324] : memref<2x!tpu.dma_semaphore, #tpu.memory_space<semaphore_mem>> -> memref<1x!tpu.dma_semaphore, #tpu.memory_space<semaphore_mem>>
            %dma_wait3A_333 = tpu.memref_squeeze %dma_wait3A_332 : memref<1x!tpu.dma_semaphore, #tpu.memory_space<semaphore_mem>> -> memref<!tpu.dma_semaphore, #tpu.memory_space<semaphore_mem>>
            %dma_wait3A_334 = arith.constant 0 : i32
            %dma_wait3A_335 = arith.constant 0 : i32
            %dma_wait3A_336 = arith.constant 0 : i32
            %dma_wait3A_337 = tpu.memref_slice %run_scoped3A[%rem3A_324, %dma_wait3A_334, %dma_wait3A_335, %dma_wait3A_336] : memref<2x1x2x128xi32, #tpu.memory_space<vmem>> -> memref<1x1x2x128xi32, #tpu.memory_space<vmem>>
            %dma_wait3A_338 = tpu.memref_squeeze %dma_wait3A_337 : memref<1x1x2x128xi32, #tpu.memory_space<vmem>> -> memref<1x2x128xi32, #tpu.memory_space<vmem>>
            %dma_wait3A_339 = arith.constant 0 : i32
            %dma_wait3A_340 = arith.constant 0 : i32
            %dma_wait3A_341 = tpu.memref_slice %arg3[%mul3A_322, %dma_wait3A_339, %dma_wait3A_340] : memref<625x2x128xi32, #tpu.memory_space<hbm>> -> memref<1x2x128xi32, #tpu.memory_space<hbm>>
            tpu.wait_dma2 semaphore(%dma_wait3A_333 : memref<!tpu.dma_semaphore, #tpu.memory_space<semaphore_mem>>) src(%dma_wait3A_341 : memref<1x2x128xi32, #tpu.memory_space<hbm>>) dst(%dma_wait3A_338 : memref<1x2x128xi32, #tpu.memory_space<vmem>>)
            "tpu.trace_stop"() : () -> ()
          } else {
          }
          %ne3A_228 = arith.cmpi ne, %add3A_159, %add3A_169 : i32
          %or3A_229 = arith.constant false
          %or3A_230 = arith.ori %or3A_229, %ne3A_228 : i1
          %or3A_231 = arith.constant false
          %or3A_232 = arith.ori %or3A_230, %or3A_231 : i1
          %or3A_233 = arith.ori %or3A_232, %eq3A_155 : i1
          %convert_element_type3A_234 = arith.extui %or3A_233 : i1 to i32
          %cond3A_235 = arith.constant 0 : i32
          %cond3A_236 = arith.cmpi ne, %convert_element_type3A_234, %cond3A_235 : i32
          scf.if %cond3A_236 {
          } else {
          }
          %rem3A_237 = arith.constant 2 : i32
          %rem3A_238 = arith.remui %while3A_148, %rem3A_237 : i32
          %rem3A_239 = arith.constant 2 : i32
          %rem3A_240 = arith.remui %while3A_149, %rem3A_239 : i32
          %run_scoped3A_241 = arith.constant 0 : i32
          %run_scoped3A_242 = arith.constant 0 : i32
          "tpu.trace_start"() <{level = 10 : i32, message = "ep_run_kernel"}> : () -> ()
          "tpu.region"() ({
            %run_scoped3A_321 = tpu.sem_alloc : memref<!tpu.dma_semaphore, #tpu.memory_space<semaphore_mem>>
            %dma_start3A_322 = arith.constant 0 : i32
            %dma_start3A_323 = arith.constant 0 : i32
            %dma_start3A_324 = tpu.memref_slice %run_scoped3A_18[%rem3A_240, %dma_start3A_322, %dma_start3A_323] : memref<2x256x128xi32, #tpu.memory_space<vmem>> -> memref<1x256x128xi32, #tpu.memory_space<vmem>>
            %dma_start3A_325 = tpu.memref_squeeze %dma_start3A_324 : memref<1x256x128xi32, #tpu.memory_space<vmem>> -> memref<256x128xi32, #tpu.memory_space<vmem>>
            %dma_start3A_326 = arith.constant 0 : i32
            %dma_start3A_327 = arith.constant 0 : i32
            %dma_start3A_328 = tpu.memref_slice %dma_start3A_325[%dma_start3A_326, %dma_start3A_327] : memref<256x128xi32, #tpu.memory_space<vmem>> -> memref<128x128xi32, #tpu.memory_space<vmem>>
            %dma_start3A_329 = arith.constant 0 : i32
            %dma_start3A_330 = arith.constant 0 : i32
            %dma_start3A_331 = arith.constant 0 : i32
            %dma_start3A_332 = tpu.memref_slice %run_scoped3A[%rem3A_238, %dma_start3A_329, %dma_start3A_330, %dma_start3A_331] : memref<2x1x2x128xi32, #tpu.memory_space<vmem>> -> memref<1x1x2x128xi32, #tpu.memory_space<vmem>>
            %dma_start3A_333 = tpu.memref_squeeze %dma_start3A_332 : memref<1x1x2x128xi32, #tpu.memory_space<vmem>> -> memref<1x2x128xi32, #tpu.memory_space<vmem>>
            %dma_start3A_334 = arith.constant 0 : i32
            %dma_start3A_335 = tpu.memref_slice %dma_start3A_333[%run_scoped3A_241, %run_scoped3A_242, %dma_start3A_334] : memref<1x2x128xi32, #tpu.memory_space<vmem>> -> memref<1x1x128xi32, #tpu.memory_space<vmem>>
            %dma_start3A_336 = tpu.memref_squeeze %dma_start3A_335 : memref<1x1x128xi32, #tpu.memory_space<vmem>> -> memref<128xi32, #tpu.memory_space<vmem>>
            %dma_start3A_337 = arith.constant 0 : i32
            %dma_start3A_338 = arith.constant 0 : i32
            %dma_start3A_339 = tpu.memref_slice %arg2[%dma_start3A_337, %dma_start3A_338] : memref<10000x128xi32, #tpu.memory_space<hbm>> -> memref<10000x128xi32, #tpu.memory_space<hbm>>
            tpu.enqueue_indirect_dma source(%dma_start3A_339 : memref<10000x128xi32, #tpu.memory_space<hbm>>) target(%dma_start3A_328 : memref<128x128xi32, #tpu.memory_space<vmem>>) offsets(%dma_start3A_336 : memref<128xi32, #tpu.memory_space<vmem>>) semaphore(%run_scoped3A_321 : memref<!tpu.dma_semaphore, #tpu.memory_space<semaphore_mem>>)
            %dma_wait3A = arith.constant 0 : i32
            %dma_wait3A_340 = arith.constant 0 : i32
            %dma_wait3A_341 = tpu.memref_slice %run_scoped3A_18[%rem3A_240, %dma_wait3A, %dma_wait3A_340] : memref<2x256x128xi32, #tpu.memory_space<vmem>> -> memref<1x256x128xi32, #tpu.memory_space<vmem>>
            %dma_wait3A_342 = tpu.memref_squeeze %dma_wait3A_341 : memref<1x256x128xi32, #tpu.memory_space<vmem>> -> memref<256x128xi32, #tpu.memory_space<vmem>>
            %dma_wait3A_343 = arith.constant 0 : i32
            %dma_wait3A_344 = arith.constant 0 : i32
            %dma_wait3A_345 = tpu.memref_slice %dma_wait3A_342[%dma_wait3A_343, %dma_wait3A_344] : memref<256x128xi32, #tpu.memory_space<vmem>> -> memref<128x128xi32, #tpu.memory_space<vmem>>
            %dma_wait3A_346 = arith.constant 0 : i32
            %dma_wait3A_347 = arith.constant 0 : i32
            %dma_wait3A_348 = arith.constant 0 : i32
            %dma_wait3A_349 = tpu.memref_slice %run_scoped3A[%rem3A_238, %dma_wait3A_346, %dma_wait3A_347, %dma_wait3A_348] : memref<2x1x2x128xi32, #tpu.memory_space<vmem>> -> memref<1x1x2x128xi32, #tpu.memory_space<vmem>>
            %dma_wait3A_350 = tpu.memref_squeeze %dma_wait3A_349 : memref<1x1x2x128xi32, #tpu.memory_space<vmem>> -> memref<1x2x128xi32, #tpu.memory_space<vmem>>
            %dma_wait3A_351 = arith.constant 0 : i32
            %dma_wait3A_352 = tpu.memref_slice %dma_wait3A_350[%run_scoped3A_241, %run_scoped3A_242, %dma_wait3A_351] : memref<1x2x128xi32, #tpu.memory_space<vmem>> -> memref<1x1x128xi32, #tpu.memory_space<vmem>>
            %dma_wait3A_353 = tpu.memref_squeeze %dma_wait3A_352 : memref<1x1x128xi32, #tpu.memory_space<vmem>> -> memref<128xi32, #tpu.memory_space<vmem>>
            %dma_wait3A_354 = arith.constant 0 : i32
            %dma_wait3A_355 = arith.constant 0 : i32
            %dma_wait3A_356 = tpu.memref_slice %arg2[%dma_wait3A_354, %dma_wait3A_355] : memref<10000x128xi32, #tpu.memory_space<hbm>> -> memref<10000x128xi32, #tpu.memory_space<hbm>>
            tpu.wait_indirect_dma semaphore(%run_scoped3A_321 : memref<!tpu.dma_semaphore, #tpu.memory_space<semaphore_mem>>) src(%dma_wait3A_356 : memref<10000x128xi32, #tpu.memory_space<hbm>>) dst(%dma_wait3A_345 : memref<128x128xi32, #tpu.memory_space<vmem>>)
            tpu.yield
          }) : () -> ()
          %run_scoped3A_243 = arith.constant 0 : i32
          %run_scoped3A_244 = arith.constant 1 : i32
          "tpu.region"() ({
            %run_scoped3A_321 = tpu.sem_alloc : memref<!tpu.dma_semaphore, #tpu.memory_space<semaphore_mem>>
            %dma_start3A_322 = arith.constant 0 : i32
            %dma_start3A_323 = arith.constant 0 : i32
            %dma_start3A_324 = tpu.memref_slice %run_scoped3A_18[%rem3A_240, %dma_start3A_322, %dma_start3A_323] : memref<2x256x128xi32, #tpu.memory_space<vmem>> -> memref<1x256x128xi32, #tpu.memory_space<vmem>>
            %dma_start3A_325 = tpu.memref_squeeze %dma_start3A_324 : memref<1x256x128xi32, #tpu.memory_space<vmem>> -> memref<256x128xi32, #tpu.memory_space<vmem>>
            %dma_start3A_326 = arith.constant 128 : i32
            %dma_start3A_327 = arith.constant 0 : i32
            %dma_start3A_328 = tpu.memref_slice %dma_start3A_325[%dma_start3A_326, %dma_start3A_327] : memref<256x128xi32, #tpu.memory_space<vmem>> -> memref<128x128xi32, #tpu.memory_space<vmem>>
            %dma_start3A_329 = arith.constant 0 : i32
            %dma_start3A_330 = arith.constant 0 : i32
            %dma_start3A_331 = arith.constant 0 : i32
            %dma_start3A_332 = tpu.memref_slice %run_scoped3A[%rem3A_238, %dma_start3A_329, %dma_start3A_330, %dma_start3A_331] : memref<2x1x2x128xi32, #tpu.memory_space<vmem>> -> memref<1x1x2x128xi32, #tpu.memory_space<vmem>>
            %dma_start3A_333 = tpu.memref_squeeze %dma_start3A_332 : memref<1x1x2x128xi32, #tpu.memory_space<vmem>> -> memref<1x2x128xi32, #tpu.memory_space<vmem>>
            %dma_start3A_334 = arith.constant 0 : i32
            %dma_start3A_335 = tpu.memref_slice %dma_start3A_333[%run_scoped3A_243, %run_scoped3A_244, %dma_start3A_334] : memref<1x2x128xi32, #tpu.memory_space<vmem>> -> memref<1x1x128xi32, #tpu.memory_space<vmem>>
            %dma_start3A_336 = tpu.memref_squeeze %dma_start3A_335 : memref<1x1x128xi32, #tpu.memory_space<vmem>> -> memref<128xi32, #tpu.memory_space<vmem>>
            %dma_start3A_337 = arith.constant 0 : i32
            %dma_start3A_338 = arith.constant 0 : i32
            %dma_start3A_339 = tpu.memref_slice %arg2[%dma_start3A_337, %dma_start3A_338] : memref<10000x128xi32, #tpu.memory_space<hbm>> -> memref<10000x128xi32, #tpu.memory_space<hbm>>
            tpu.enqueue_indirect_dma source(%dma_start3A_339 : memref<10000x128xi32, #tpu.memory_space<hbm>>) target(%dma_start3A_328 : memref<128x128xi32, #tpu.memory_space<vmem>>) offsets(%dma_start3A_336 : memref<128xi32, #tpu.memory_space<vmem>>) semaphore(%run_scoped3A_321 : memref<!tpu.dma_semaphore, #tpu.memory_space<semaphore_mem>>)
            %dma_wait3A = arith.constant 0 : i32
            %dma_wait3A_340 = arith.constant 0 : i32
            %dma_wait3A_341 = tpu.memref_slice %run_scoped3A_18[%rem3A_240, %dma_wait3A, %dma_wait3A_340] : memref<2x256x128xi32, #tpu.memory_space<vmem>> -> memref<1x256x128xi32, #tpu.memory_space<vmem>>
            %dma_wait3A_342 = tpu.memref_squeeze %dma_wait3A_341 : memref<1x256x128xi32, #tpu.memory_space<vmem>> -> memref<256x128xi32, #tpu.memory_space<vmem>>
            %dma_wait3A_343 = arith.constant 128 : i32
            %dma_wait3A_344 = arith.constant 0 : i32
            %dma_wait3A_345 = tpu.memref_slice %dma_wait3A_342[%dma_wait3A_343, %dma_wait3A_344] : memref<256x128xi32, #tpu.memory_space<vmem>> -> memref<128x128xi32, #tpu.memory_space<vmem>>
            %dma_wait3A_346 = arith.constant 0 : i32
            %dma_wait3A_347 = arith.constant 0 : i32
            %dma_wait3A_348 = arith.constant 0 : i32
            %dma_wait3A_349 = tpu.memref_slice %run_scoped3A[%rem3A_238, %dma_wait3A_346, %dma_wait3A_347, %dma_wait3A_348] : memref<2x1x2x128xi32, #tpu.memory_space<vmem>> -> memref<1x1x2x128xi32, #tpu.memory_space<vmem>>
            %dma_wait3A_350 = tpu.memref_squeeze %dma_wait3A_349 : memref<1x1x2x128xi32, #tpu.memory_space<vmem>> -> memref<1x2x128xi32, #tpu.memory_space<vmem>>
            %dma_wait3A_351 = arith.constant 0 : i32
            %dma_wait3A_352 = tpu.memref_slice %dma_wait3A_350[%run_scoped3A_243, %run_scoped3A_244, %dma_wait3A_351] : memref<1x2x128xi32, #tpu.memory_space<vmem>> -> memref<1x1x128xi32, #tpu.memory_space<vmem>>
            %dma_wait3A_353 = tpu.memref_squeeze %dma_wait3A_352 : memref<1x1x128xi32, #tpu.memory_space<vmem>> -> memref<128xi32, #tpu.memory_space<vmem>>
            %dma_wait3A_354 = arith.constant 0 : i32
            %dma_wait3A_355 = arith.constant 0 : i32
            %dma_wait3A_356 = tpu.memref_slice %arg2[%dma_wait3A_354, %dma_wait3A_355] : memref<10000x128xi32, #tpu.memory_space<hbm>> -> memref<10000x128xi32, #tpu.memory_space<hbm>>
            tpu.wait_indirect_dma semaphore(%run_scoped3A_321 : memref<!tpu.dma_semaphore, #tpu.memory_space<semaphore_mem>>) src(%dma_wait3A_356 : memref<10000x128xi32, #tpu.memory_space<hbm>>) dst(%dma_wait3A_345 : memref<128x128xi32, #tpu.memory_space<vmem>>)
            tpu.yield
          }) : () -> ()
          "tpu.trace_stop"() : () -> ()
          %ne3A_245 = arith.cmpi ne, %add3A_159, %add3A_177 : i32
          %or3A_246 = arith.constant false
          %or3A_247 = arith.ori %or3A_246, %ne3A_245 : i1
          %or3A_248 = arith.constant false
          %or3A_249 = arith.ori %or3A_247, %or3A_248 : i1
          %or3A_250 = arith.constant false
          %or3A_251 = arith.ori %or3A_249, %or3A_250 : i1
          %or3A_252 = arith.ori %or3A_251, %eq3A_158 : i1
          %convert_element_type3A_253 = arith.extui %or3A_252 : i1 to i32
          %cond3A_254 = arith.constant 0 : i32
          %cond3A_255 = arith.cmpi ne, %convert_element_type3A_253, %cond3A_254 : i32
          scf.if %cond3A_255 {
          } else {
          }
          %and3A_256 = arith.constant false
          %and3A_257 = arith.andi %or3A_252, %and3A_256 : i1
          %ne3A_258 = arith.cmpi ne, %add3A_159, %add3A_177 : i32
          %or3A_259 = arith.constant false
          %or3A_260 = arith.ori %or3A_259, %ne3A_258 : i1
          %or3A_261 = arith.constant false
          %or3A_262 = arith.ori %or3A_260, %or3A_261 : i1
          %or3A_263 = arith.ori %or3A_262, %eq3A_158 : i1
          %convert_element_type3A_264 = arith.extui %or3A_263 : i1 to i32
          %cond3A_265 = arith.constant 0 : i32
          %cond3A_266 = arith.cmpi ne, %convert_element_type3A_264, %cond3A_265 : i32
          scf.if %cond3A_266 {
            "tpu.trace_start"() <{level = 10 : i32, message = "ep_copy_out"}> : () -> ()
            %rem3A_321 = arith.constant 2 : i32
            %rem3A_322 = arith.remui %while3A_149, %rem3A_321 : i32
            %mul3A_323 = arith.constant 256 : i32
            %mul3A_324 = arith.muli %mul3A_323, %add3A_159 : i32
            %dma_start3A_325 = arith.constant 0 : i32
            %dma_start3A_326 = arith.constant 0 : i32
            %dma_start3A_327 = tpu.memref_slice %run_scoped3A_18[%rem3A_322, %dma_start3A_325, %dma_start3A_326] : memref<2x256x128xi32, #tpu.memory_space<vmem>> -> memref<1x256x128xi32, #tpu.memory_space<vmem>>
            %dma_start3A_328 = tpu.memref_squeeze %dma_start3A_327 : memref<1x256x128xi32, #tpu.memory_space<vmem>> -> memref<256x128xi32, #tpu.memory_space<vmem>>
            %dma_start3A_329 = arith.constant 0 : i32
            %dma_start3A_330 = tpu.memref_slice %arg4[%mul3A_324, %dma_start3A_329] : memref<160000x128xi32, #tpu.memory_space<hbm>> -> memref<256x128xi32, #tpu.memory_space<hbm>>
            %dma_start3A_331 = tpu.memref_slice %run_scoped3A_19[%rem3A_322] : memref<2x!tpu.dma_semaphore, #tpu.memory_space<semaphore_mem>> -> memref<1x!tpu.dma_semaphore, #tpu.memory_space<semaphore_mem>>
            %dma_start3A_332 = tpu.memref_squeeze %dma_start3A_331 : memref<1x!tpu.dma_semaphore, #tpu.memory_space<semaphore_mem>> -> memref<!tpu.dma_semaphore, #tpu.memory_space<semaphore_mem>>
            %dma_start3A_333 = arith.constant 0 : i32
            %dma_start3A_334 = tpu.memref_slice %arg4[%mul3A_324, %dma_start3A_333] : memref<160000x128xi32, #tpu.memory_space<hbm>> -> memref<256x128xi32, #tpu.memory_space<hbm>>
            %dma_start3A_335 = arith.constant 0 : i32
            %dma_start3A_336 = arith.constant 0 : i32
            %dma_start3A_337 = tpu.memref_slice %run_scoped3A_18[%rem3A_322, %dma_start3A_335, %dma_start3A_336] : memref<2x256x128xi32, #tpu.memory_space<vmem>> -> memref<1x256x128xi32, #tpu.memory_space<vmem>>
            %dma_start3A_338 = tpu.memref_squeeze %dma_start3A_337 : memref<1x256x128xi32, #tpu.memory_space<vmem>> -> memref<256x128xi32, #tpu.memory_space<vmem>>
            tpu.enqueue_dma source(%dma_start3A_338 : memref<256x128xi32, #tpu.memory_space<vmem>>) target(%dma_start3A_334 : memref<256x128xi32, #tpu.memory_space<hbm>>) target_semaphore(%dma_start3A_332 : memref<!tpu.dma_semaphore, #tpu.memory_space<semaphore_mem>>)
            "tpu.trace_stop"() : () -> ()
          } else {
          }
          %and3A_267 = arith.constant true
          %and3A_268 = arith.andi %or3A_263, %and3A_267 : i1
          %add3A_269 = arith.constant 1 : i32
          %add3A_270 = arith.addi %while3A_149, %add3A_269 : i32
          %select_n3A_271 = arith.select %and3A_268, %add3A_270, %while3A_149 : i32
          %ne3A_272 = arith.cmpi ne, %add3A_159, %add3A_169 : i32
          %or3A_273 = arith.constant false
          %or3A_274 = arith.ori %or3A_273, %ne3A_272 : i1
          %or3A_275 = arith.constant false
          %or3A_276 = arith.ori %or3A_274, %or3A_275 : i1
          %or3A_277 = arith.constant false
          %or3A_278 = arith.ori %or3A_276, %or3A_277 : i1
          %not3A_279 = arith.constant true
          %not3A_280 = arith.xori %eq3A_155, %not3A_279 : i1
          %and3A_281 = arith.andi %or3A_278, %not3A_280 : i1
          %convert_element_type3A_282 = arith.extui %and3A_281 : i1 to i32
          %cond3A_283 = arith.constant 0 : i32
          %cond3A_284 = arith.cmpi ne, %convert_element_type3A_282, %cond3A_283 : i32
          scf.if %cond3A_284 {
          } else {
          }
          %and3A_285 = arith.constant false
          %and3A_286 = arith.andi %and3A_281, %and3A_285 : i1
          %ne3A_287 = arith.cmpi ne, %add3A_159, %add3A_169 : i32
          %or3A_288 = arith.constant false
          %or3A_289 = arith.ori %or3A_288, %ne3A_287 : i1
          %or3A_290 = arith.constant false
          %or3A_291 = arith.ori %or3A_289, %or3A_290 : i1
          %not3A_292 = arith.constant true
          %not3A_293 = arith.xori %eq3A_155, %not3A_292 : i1
          %and3A_294 = arith.andi %or3A_291, %not3A_293 : i1
          %convert_element_type3A_295 = arith.extui %and3A_294 : i1 to i32
          %cond3A_296 = arith.constant 0 : i32
          %cond3A_297 = arith.cmpi ne, %convert_element_type3A_295, %cond3A_296 : i32
          scf.if %cond3A_297 {
            "tpu.trace_start"() <{level = 10 : i32, message = "ep_wait_out"}> : () -> ()
            %rem3A_321 = arith.constant 2 : i32
            %rem3A_322 = arith.remui %while3A_150, %rem3A_321 : i32
            %mul3A_323 = arith.constant 256 : i32
            %mul3A_324 = arith.muli %mul3A_323, %add3A_169 : i32
            %dma_wait3A = arith.constant 0 : i32
            %dma_wait3A_325 = arith.constant 0 : i32
            %dma_wait3A_326 = tpu.memref_slice %run_scoped3A_18[%rem3A_322, %dma_wait3A, %dma_wait3A_325] : memref<2x256x128xi32, #tpu.memory_space<vmem>> -> memref<1x256x128xi32, #tpu.memory_space<vmem>>
            %dma_wait3A_327 = tpu.memref_squeeze %dma_wait3A_326 : memref<1x256x128xi32, #tpu.memory_space<vmem>> -> memref<256x128xi32, #tpu.memory_space<vmem>>
            %dma_wait3A_328 = arith.constant 0 : i32
            %dma_wait3A_329 = tpu.memref_slice %arg4[%mul3A_324, %dma_wait3A_328] : memref<160000x128xi32, #tpu.memory_space<hbm>> -> memref<256x128xi32, #tpu.memory_space<hbm>>
            %dma_wait3A_330 = tpu.memref_slice %run_scoped3A_19[%rem3A_322] : memref<2x!tpu.dma_semaphore, #tpu.memory_space<semaphore_mem>> -> memref<1x!tpu.dma_semaphore, #tpu.memory_space<semaphore_mem>>
            %dma_wait3A_331 = tpu.memref_squeeze %dma_wait3A_330 : memref<1x!tpu.dma_semaphore, #tpu.memory_space<semaphore_mem>> -> memref<!tpu.dma_semaphore, #tpu.memory_space<semaphore_mem>>
            %dma_wait3A_332 = arith.constant 0 : i32
            %dma_wait3A_333 = tpu.memref_slice %arg4[%mul3A_324, %dma_wait3A_332] : memref<160000x128xi32, #tpu.memory_space<hbm>> -> memref<256x128xi32, #tpu.memory_space<hbm>>
            %dma_wait3A_334 = arith.constant 0 : i32
            %dma_wait3A_335 = arith.constant 0 : i32
            %dma_wait3A_336 = tpu.memref_slice %run_scoped3A_18[%rem3A_322, %dma_wait3A_334, %dma_wait3A_335] : memref<2x256x128xi32, #tpu.memory_space<vmem>> -> memref<1x256x128xi32, #tpu.memory_space<vmem>>
            %dma_wait3A_337 = tpu.memref_squeeze %dma_wait3A_336 : memref<1x256x128xi32, #tpu.memory_space<vmem>> -> memref<256x128xi32, #tpu.memory_space<vmem>>
            tpu.wait_dma2 semaphore(%dma_wait3A_331 : memref<!tpu.dma_semaphore, #tpu.memory_space<semaphore_mem>>) src(%dma_wait3A_337 : memref<256x128xi32, #tpu.memory_space<vmem>>) dst(%dma_wait3A_333 : memref<256x128xi32, #tpu.memory_space<hbm>>)
            "tpu.trace_stop"() : () -> ()
          } else {
          }
          %and3A_298 = arith.constant true
          %and3A_299 = arith.andi %and3A_294, %and3A_298 : i1
          %add3A_300 = arith.constant 1 : i32
          %add3A_301 = arith.addi %while3A_150, %add3A_300 : i32
          %select_n3A_302 = arith.select %and3A_299, %add3A_301, %while3A_150 : i32
          %ne3A_303 = arith.cmpi ne, %add3A_159, %add3A_177 : i32
          %or3A_304 = arith.constant false
          %or3A_305 = arith.ori %or3A_304, %ne3A_303 : i1
          %or3A_306 = arith.constant false
          %or3A_307 = arith.ori %or3A_305, %or3A_306 : i1
          %or3A_308 = arith.constant false
          %or3A_309 = arith.ori %or3A_307, %or3A_308 : i1
          %or3A_310 = arith.ori %or3A_309, %eq3A_158 : i1
          %add3A_311 = arith.constant 1 : i32
          %add3A_312 = arith.addi %while3A_148, %add3A_311 : i32
          %select_n3A_313 = arith.select %or3A_310, %add3A_312, %while3A_148 : i32
          %add3A_314 = arith.constant 1 : i32
          %add3A_315 = arith.addi %while3A_151, %add3A_314 : i32
          %select_n3A_316 = arith.constant true
          %select_n3A_317 = arith.select %select_n3A_316, %add3A_315, %while3A_151 : i32
          %eq3A_318 = arith.cmpi eq, %select_n3A_317, %select_n3A : i32
          %select_n3A_319 = arith.constant 0 : i32
          %select_n3A_320 = arith.select %eq3A_318, %select_n3A_319, %select_n3A_317 : i32
          scf.yield %select_n3A_203, %select_n3A_313, %select_n3A_271, %select_n3A_302, %select_n3A_320 : i32, i32, i32, i32, i32
        }
        %sub3A_95 = arith.constant 1 : i32
        %sub3A_96 = arith.subi %while3A_94#4, %sub3A_95 : i32
        %select_n3A_97 = arith.constant true
        %select_n3A_98 = arith.select %select_n3A_97, %sub3A_96, %while3A_94#4 : i32
        %eq3A_99 = arith.constant -1 : i32
        %eq3A_100 = arith.cmpi eq, %select_n3A_98, %eq3A_99 : i32
        %sub3A_101 = arith.constant 1 : i32
        %sub3A_102 = arith.subi %select_n3A, %sub3A_101 : i32
        %select_n3A_103 = arith.select %eq3A_100, %sub3A_102, %select_n3A_98 : i32
        %sub3A_104 = arith.constant 1 : i32
        %sub3A_105 = arith.subi %mul3A_16, %sub3A_104 : i32
        %mul3A_106 = arith.constant 1 : i32
        %mul3A_107 = arith.muli %mul3A_106, %select_n3A : i32
        %eq3A_108 = arith.constant 0 : i32
        %eq3A_109 = arith.cmpi eq, %sub3A_105, %eq3A_108 : i32
        %sub3A_110 = arith.constant 1 : i32
        %sub3A_111 = arith.subi %mul3A_107, %sub3A_110 : i32
        %eq3A_112 = arith.cmpi eq, %sub3A_105, %sub3A_111 : i32
        %add3A_113 = arith.addi %select_n3A_103, %select_n3A_14 : i32
        %sub3A_114 = arith.constant 1 : i32
        %sub3A_115 = arith.subi %select_n3A_103, %sub3A_114 : i32
        %select_n3A_116 = arith.constant true
        %select_n3A_117 = arith.select %select_n3A_116, %sub3A_115, %select_n3A_103 : i32
        %eq3A_118 = arith.constant -1 : i32
        %eq3A_119 = arith.cmpi eq, %select_n3A_117, %eq3A_118 : i32
        %sub3A_120 = arith.constant 1 : i32
        %sub3A_121 = arith.subi %select_n3A, %sub3A_120 : i32
        %select_n3A_122 = arith.select %eq3A_119, %sub3A_121, %select_n3A_117 : i32
        %add3A_123 = arith.addi %select_n3A_122, %select_n3A_14 : i32
        %add3A_124 = arith.constant 1 : i32
        %add3A_125 = arith.addi %select_n3A_103, %add3A_124 : i32
        %select_n3A_126 = arith.constant true
        %select_n3A_127 = arith.select %select_n3A_126, %add3A_125, %select_n3A_103 : i32
        %eq3A_128 = arith.cmpi eq, %select_n3A_127, %select_n3A : i32
        %select_n3A_129 = arith.constant 0 : i32
        %select_n3A_130 = arith.select %eq3A_128, %select_n3A_129, %select_n3A_127 : i32
        %add3A_131 = arith.addi %select_n3A_130, %select_n3A_14 : i32
        %add3A_132 = arith.constant 1 : i32
        %add3A_133 = arith.addi %select_n3A_130, %add3A_132 : i32
        %select_n3A_134 = arith.constant true
        %select_n3A_135 = arith.select %select_n3A_134, %add3A_133, %select_n3A_130 : i32
        %eq3A_136 = arith.cmpi eq, %select_n3A_135, %select_n3A : i32
        %select_n3A_137 = arith.constant 0 : i32
        %select_n3A_138 = arith.select %eq3A_136, %select_n3A_137, %select_n3A_135 : i32
        %add3A_139 = arith.addi %select_n3A_138, %select_n3A_14 : i32
        %convert_element_type3A_140 = arith.extui %eq3A_112 : i1 to i32
        %cond3A_141 = arith.constant 0 : i32
        %cond3A_142 = arith.cmpi ne, %convert_element_type3A_140, %cond3A_141 : i32
        scf.if %cond3A_142 {
        } else {
        }
        %convert_element_type3A_143 = arith.extui %eq3A_112 : i1 to i32
        %cond3A_144 = arith.constant 0 : i32
        %cond3A_145 = arith.cmpi ne, %convert_element_type3A_143, %cond3A_144 : i32
        scf.if %cond3A_145 {
          "tpu.trace_start"() <{level = 10 : i32, message = "ep_finalize"}> : () -> ()
          %rem3A_146 = arith.constant 2 : i32
          %rem3A_147 = arith.remui %while3A_94#3, %rem3A_146 : i32
          %mul3A_148 = arith.constant 256 : i32
          %mul3A_149 = arith.muli %mul3A_148, %add3A_113 : i32
          %dma_wait3A = arith.constant 0 : i32
          %dma_wait3A_150 = arith.constant 0 : i32
          %dma_wait3A_151 = tpu.memref_slice %run_scoped3A_18[%rem3A_147, %dma_wait3A, %dma_wait3A_150] : memref<2x256x128xi32, #tpu.memory_space<vmem>> -> memref<1x256x128xi32, #tpu.memory_space<vmem>>
          %dma_wait3A_152 = tpu.memref_squeeze %dma_wait3A_151 : memref<1x256x128xi32, #tpu.memory_space<vmem>> -> memref<256x128xi32, #tpu.memory_space<vmem>>
          %dma_wait3A_153 = arith.constant 0 : i32
          %dma_wait3A_154 = tpu.memref_slice %arg4[%mul3A_149, %dma_wait3A_153] : memref<160000x128xi32, #tpu.memory_space<hbm>> -> memref<256x128xi32, #tpu.memory_space<hbm>>
          %dma_wait3A_155 = tpu.memref_slice %run_scoped3A_19[%rem3A_147] : memref<2x!tpu.dma_semaphore, #tpu.memory_space<semaphore_mem>> -> memref<1x!tpu.dma_semaphore, #tpu.memory_space<semaphore_mem>>
          %dma_wait3A_156 = tpu.memref_squeeze %dma_wait3A_155 : memref<1x!tpu.dma_semaphore, #tpu.memory_space<semaphore_mem>> -> memref<!tpu.dma_semaphore, #tpu.memory_space<semaphore_mem>>
          %dma_wait3A_157 = arith.constant 0 : i32
          %dma_wait3A_158 = tpu.memref_slice %arg4[%mul3A_149, %dma_wait3A_157] : memref<160000x128xi32, #tpu.memory_space<hbm>> -> memref<256x128xi32, #tpu.memory_space<hbm>>
          %dma_wait3A_159 = arith.constant 0 : i32
          %dma_wait3A_160 = arith.constant 0 : i32
          %dma_wait3A_161 = tpu.memref_slice %run_scoped3A_18[%rem3A_147, %dma_wait3A_159, %dma_wait3A_160] : memref<2x256x128xi32, #tpu.memory_space<vmem>> -> memref<1x256x128xi32, #tpu.memory_space<vmem>>
          %dma_wait3A_162 = tpu.memref_squeeze %dma_wait3A_161 : memref<1x256x128xi32, #tpu.memory_space<vmem>> -> memref<256x128xi32, #tpu.memory_space<vmem>>
          tpu.wait_dma2 semaphore(%dma_wait3A_156 : memref<!tpu.dma_semaphore, #tpu.memory_space<semaphore_mem>>) src(%dma_wait3A_162 : memref<256x128xi32, #tpu.memory_space<vmem>>) dst(%dma_wait3A_158 : memref<256x128xi32, #tpu.memory_space<hbm>>)
          "tpu.trace_stop"() : () -> ()
        } else {
        }
      } else {
      }
      tpu.yield
    }) : () -> ()
    return
  }
}

#map = affine_map<(d0, d1) -> (0, 0)>
#map1 = affine_map<(d0, d1) -> (0, 0, 0)>
module attributes {stable_mosaic.version = 14 : i64} {
  func.func @k(%arg0: i32, %arg1: i32, %arg2: memref<160000x256xf32, #tpu.memory_space<hbm>>, %arg3: memref<1250x1x128xi32, #tpu.memory_space<hbm>>, %arg4: memref<10000x128xf32, #tpu.memory_space<hbm>>, %arg5: memref<10000x256xf32, #tpu.memory_space<hbm>>, %arg6: memref<10000x128xf32, #tpu.memory_space<vmem_shared>>) attributes {dimension_semantics = [#tpu.dimension_semantics<core_parallel>, #tpu.dimension_semantics<subcore_parallel>], iteration_bounds = array<i64: 2, 16>, scalar_prefetch = 0 : i64, scratch_operands = 1 : i64, tpu.core_type = #tpu.core_type<sc_vector_subcore>, window_params = [{transform_indices = #map}, {transform_indices = #map1}, {transform_indices = #map}, {transform_indices = #map}]} {
    %scan3A = arith.constant 0 : i32
    %scan3A_0 = arith.constant 4 : i32
    %scan3A_1 = arith.addi %scan3A, %scan3A_0 : i32
    %scan3A_2 = arith.constant 1 : i32
    scf.for %scan3A_20 = %scan3A to %scan3A_1 step %scan3A_2  : i32 {
      %mul3A_21 = arith.constant 1 : i32
      %mul3A_22 = arith.muli %scan3A_20, %mul3A_21 : i32
      %add3A_23 = arith.constant 0 : i32
      %add3A_24 = arith.addi %add3A_23, %mul3A_22 : i32
      %mul3A_25 = arith.constant 16 : i32
      %mul3A_26 = arith.muli %add3A_24, %mul3A_25 : i32
      %add3A_27 = arith.addi %mul3A_26, %arg1 : i32
      %lt3A_28 = arith.constant 50 : i32
      %lt3A_29 = arith.cmpi slt, %add3A_27, %lt3A_28 : i32
      %convert_element_type3A = arith.extui %lt3A_29 : i1 to i32
      %cond3A = arith.constant 0 : i32
      %cond3A_30 = arith.cmpi ne, %convert_element_type3A, %cond3A : i32
      scf.if %cond3A_30 {
        %mul3A_31 = arith.constant 200 : i32
        %mul3A_32 = arith.muli %add3A_27, %mul3A_31 : i32
        "tpu.region"() ({
          %run_scoped3A = tpu.sem_alloc : memref<!tpu.dma_semaphore, #tpu.memory_space<semaphore_mem>>
          %dma_start3A = arith.constant 0 : i32
          %dma_start3A_33 = tpu.memref_slice %arg6[%mul3A_32, %dma_start3A] : memref<10000x128xf32, #tpu.memory_space<vmem_shared>> -> memref<200x128xf32, #tpu.memory_space<vmem_shared>>
          %dma_start3A_34 = arith.constant 0 : i32
          %dma_start3A_35 = tpu.memref_slice %arg4[%mul3A_32, %dma_start3A_34] : memref<10000x128xf32, #tpu.memory_space<hbm>> -> memref<200x128xf32, #tpu.memory_space<hbm>>
          tpu.enqueue_dma source(%dma_start3A_35 : memref<200x128xf32, #tpu.memory_space<hbm>>) target(%dma_start3A_33 : memref<200x128xf32, #tpu.memory_space<vmem_shared>>) target_semaphore(%run_scoped3A : memref<!tpu.dma_semaphore, #tpu.memory_space<semaphore_mem>>)
          %dma_wait3A = arith.constant 0 : i32
          %dma_wait3A_36 = tpu.memref_slice %arg6[%mul3A_32, %dma_wait3A] : memref<10000x128xf32, #tpu.memory_space<vmem_shared>> -> memref<200x128xf32, #tpu.memory_space<vmem_shared>>
          %dma_wait3A_37 = arith.constant 0 : i32
          %dma_wait3A_38 = tpu.memref_slice %arg4[%mul3A_32, %dma_wait3A_37] : memref<10000x128xf32, #tpu.memory_space<hbm>> -> memref<200x128xf32, #tpu.memory_space<hbm>>
          tpu.wait_dma2 semaphore(%run_scoped3A : memref<!tpu.dma_semaphore, #tpu.memory_space<semaphore_mem>>) src(%dma_wait3A_38 : memref<200x128xf32, #tpu.memory_space<hbm>>) dst(%dma_wait3A_36 : memref<200x128xf32, #tpu.memory_space<vmem_shared>>)
          tpu.yield
        }) : () -> ()
      } else {
      }
    }
    %scan3A_3 = arith.constant 4 : i32
    %barrier3A = arith.constant 0 : index
    tpu.barrier barrier_id(%barrier3A)
    %lt3A = arith.constant 2 : i32
    %lt3A_4 = arith.cmpi slt, %arg1, %lt3A : i32
    %jit3A = arith.constant 79 : i32
    %jit3A_5 = arith.constant 78 : i32
    %select_n3A = arith.select %lt3A_4, %jit3A, %jit3A_5 : i32
    %lt3A_6 = arith.constant 2 : i32
    %lt3A_7 = arith.cmpi slt, %arg1, %lt3A_6 : i32
    %mul3A = arith.muli %arg1, %select_n3A : i32
    %mul3A_8 = arith.constant 78 : i32
    %mul3A_9 = arith.muli %arg1, %mul3A_8 : i32
    %add3A = arith.constant 2 : i32
    %add3A_10 = arith.addi %mul3A_9, %add3A : i32
    %select_n3A_11 = arith.select %lt3A_7, %mul3A, %add3A_10 : i32
    %mul3A_12 = arith.constant 1 : i32
    %mul3A_13 = arith.muli %mul3A_12, %select_n3A : i32
    "tpu.region"() ({
      %run_scoped3A = memref.alloca() : memref<2x1x1x128xi32, #tpu.memory_space<vmem>>
      %run_scoped3A_20 = tpu.sem_alloc : memref<2x!tpu.dma_semaphore, #tpu.memory_space<semaphore_mem>>
      %run_scoped3A_21 = memref.alloca() : memref<2x128x128xf32, #tpu.memory_space<vmem>>
      %run_scoped3A_22 = tpu.sem_alloc : memref<2x!tpu.dma_semaphore, #tpu.memory_space<semaphore_mem>>
      %gt3A = arith.constant 0 : i32
      %gt3A_23 = arith.cmpi sgt, %mul3A_13, %gt3A : i32
      %convert_element_type3A = arith.extui %gt3A_23 : i1 to i32
      %cond3A = arith.constant 0 : i32
      %cond3A_24 = arith.cmpi ne, %convert_element_type3A, %cond3A : i32
      scf.if %cond3A_24 {
        %mul3A_25 = arith.constant 1 : i32
        %mul3A_26 = arith.muli %mul3A_25, %select_n3A : i32
        %sub3A = arith.constant 1 : i32
        %sub3A_27 = arith.subi %mul3A_26, %sub3A : i32
        %eq3A = arith.constant 0 : i32
        %eq3A_28 = arith.cmpi eq, %sub3A_27, %eq3A : i32
        %add3A_29 = arith.constant 0 : i32
        %add3A_30 = arith.addi %add3A_29, %select_n3A_11 : i32
        %select_n3A_31 = arith.constant true
        %select_n3A_32 = arith.constant 0 : i32
        %select_n3A_33 = arith.constant -1 : i32
        %select_n3A_34 = arith.select %select_n3A_31, %select_n3A_33, %select_n3A_32 : i32
        %eq3A_35 = arith.constant -1 : i32
        %eq3A_36 = arith.cmpi eq, %select_n3A_34, %eq3A_35 : i32
        %sub3A_37 = arith.constant 1 : i32
        %sub3A_38 = arith.subi %select_n3A, %sub3A_37 : i32
        %select_n3A_39 = arith.select %eq3A_36, %sub3A_38, %select_n3A_34 : i32
        %add3A_40 = arith.addi %select_n3A_39, %select_n3A_11 : i32
        %select_n3A_41 = arith.constant true
        %select_n3A_42 = arith.constant 0 : i32
        %select_n3A_43 = arith.constant 1 : i32
        %select_n3A_44 = arith.select %select_n3A_41, %select_n3A_43, %select_n3A_42 : i32
        %eq3A_45 = arith.cmpi eq, %select_n3A_44, %select_n3A : i32
        %select_n3A_46 = arith.constant 0 : i32
        %select_n3A_47 = arith.select %eq3A_45, %select_n3A_46, %select_n3A_44 : i32
        %add3A_48 = arith.addi %select_n3A_47, %select_n3A_11 : i32
        %add3A_49 = arith.constant 1 : i32
        %add3A_50 = arith.addi %select_n3A_47, %add3A_49 : i32
        %select_n3A_51 = arith.constant true
        %select_n3A_52 = arith.select %select_n3A_51, %add3A_50, %select_n3A_47 : i32
        %eq3A_53 = arith.cmpi eq, %select_n3A_52, %select_n3A : i32
        %select_n3A_54 = arith.constant 0 : i32
        %select_n3A_55 = arith.select %eq3A_53, %select_n3A_54, %select_n3A_52 : i32
        %add3A_56 = arith.addi %select_n3A_55, %select_n3A_11 : i32
        "tpu.trace_start"() <{level = 10 : i32, message = "ep_initialize_0"}> : () -> ()
        %rem3A = arith.constant 0 : i32
        %rem3A_57 = arith.constant 2 : i32
        %rem3A_58 = arith.remui %rem3A, %rem3A_57 : i32
        %mul3A_59 = arith.constant 1 : i32
        %mul3A_60 = arith.muli %mul3A_59, %add3A_30 : i32
        %dma_start3A = arith.constant 0 : i32
        %dma_start3A_61 = arith.constant 0 : i32
        %dma_start3A_62 = arith.constant 0 : i32
        %dma_start3A_63 = tpu.memref_slice %run_scoped3A[%rem3A_58, %dma_start3A, %dma_start3A_61, %dma_start3A_62] : memref<2x1x1x128xi32, #tpu.memory_space<vmem>> -> memref<1x1x1x128xi32, #tpu.memory_space<vmem>>
        %dma_start3A_64 = tpu.memref_squeeze %dma_start3A_63 : memref<1x1x1x128xi32, #tpu.memory_space<vmem>> -> memref<1x1x128xi32, #tpu.memory_space<vmem>>
        %dma_start3A_65 = arith.constant 0 : i32
        %dma_start3A_66 = arith.constant 0 : i32
        %dma_start3A_67 = tpu.memref_slice %arg3[%mul3A_60, %dma_start3A_65, %dma_start3A_66] : memref<1250x1x128xi32, #tpu.memory_space<hbm>> -> memref<1x1x128xi32, #tpu.memory_space<hbm>>
        %dma_start3A_68 = tpu.memref_slice %run_scoped3A_20[%rem3A_58] : memref<2x!tpu.dma_semaphore, #tpu.memory_space<semaphore_mem>> -> memref<1x!tpu.dma_semaphore, #tpu.memory_space<semaphore_mem>>
        %dma_start3A_69 = tpu.memref_squeeze %dma_start3A_68 : memref<1x!tpu.dma_semaphore, #tpu.memory_space<semaphore_mem>> -> memref<!tpu.dma_semaphore, #tpu.memory_space<semaphore_mem>>
        %dma_start3A_70 = arith.constant 0 : i32
        %dma_start3A_71 = arith.constant 0 : i32
        %dma_start3A_72 = arith.constant 0 : i32
        %dma_start3A_73 = tpu.memref_slice %run_scoped3A[%rem3A_58, %dma_start3A_70, %dma_start3A_71, %dma_start3A_72] : memref<2x1x1x128xi32, #tpu.memory_space<vmem>> -> memref<1x1x1x128xi32, #tpu.memory_space<vmem>>
        %dma_start3A_74 = tpu.memref_squeeze %dma_start3A_73 : memref<1x1x1x128xi32, #tpu.memory_space<vmem>> -> memref<1x1x128xi32, #tpu.memory_space<vmem>>
        %dma_start3A_75 = arith.constant 0 : i32
        %dma_start3A_76 = arith.constant 0 : i32
        %dma_start3A_77 = tpu.memref_slice %arg3[%mul3A_60, %dma_start3A_75, %dma_start3A_76] : memref<1250x1x128xi32, #tpu.memory_space<hbm>> -> memref<1x1x128xi32, #tpu.memory_space<hbm>>
        tpu.enqueue_dma source(%dma_start3A_77 : memref<1x1x128xi32, #tpu.memory_space<hbm>>) target(%dma_start3A_74 : memref<1x1x128xi32, #tpu.memory_space<vmem>>) target_semaphore(%dma_start3A_69 : memref<!tpu.dma_semaphore, #tpu.memory_space<semaphore_mem>>)
        %add3A_78 = arith.constant 0 : i32
        %add3A_79 = arith.constant 1 : i32
        %add3A_80 = arith.addi %add3A_78, %add3A_79 : i32
        %select_n3A_81 = arith.constant true
        %select_n3A_82 = arith.constant 0 : i32
        %select_n3A_83 = arith.select %select_n3A_81, %add3A_80, %select_n3A_82 : i32
        %rem3A_84 = arith.constant 0 : i32
        %rem3A_85 = arith.constant 2 : i32
        %rem3A_86 = arith.remui %rem3A_84, %rem3A_85 : i32
        %mul3A_87 = arith.constant 128 : i32
        %mul3A_88 = arith.muli %mul3A_87, %add3A_30 : i32
        %mul3A_89 = arith.constant 128 : i32
        %mul3A_90 = arith.muli %mul3A_89, %arg0 : i32
        %dma_start3A_91 = arith.constant 0 : i32
        %dma_start3A_92 = arith.constant 0 : i32
        %dma_start3A_93 = tpu.memref_slice %run_scoped3A_21[%rem3A_86, %dma_start3A_91, %dma_start3A_92] : memref<2x128x128xf32, #tpu.memory_space<vmem>> -> memref<1x128x128xf32, #tpu.memory_space<vmem>>
        %dma_start3A_94 = tpu.memref_squeeze %dma_start3A_93 : memref<1x128x128xf32, #tpu.memory_space<vmem>> -> memref<128x128xf32, #tpu.memory_space<vmem>>
        %dma_start3A_95 = tpu.memref_slice %arg2[%mul3A_88, %mul3A_90] : memref<160000x256xf32, #tpu.memory_space<hbm>> -> memref<128x128xf32, #tpu.memory_space<hbm>>
        %dma_start3A_96 = tpu.memref_slice %run_scoped3A_22[%rem3A_86] : memref<2x!tpu.dma_semaphore, #tpu.memory_space<semaphore_mem>> -> memref<1x!tpu.dma_semaphore, #tpu.memory_space<semaphore_mem>>
        %dma_start3A_97 = tpu.memref_squeeze %dma_start3A_96 : memref<1x!tpu.dma_semaphore, #tpu.memory_space<semaphore_mem>> -> memref<!tpu.dma_semaphore, #tpu.memory_space<semaphore_mem>>
        %dma_start3A_98 = arith.constant 0 : i32
        %dma_start3A_99 = arith.constant 0 : i32
        %dma_start3A_100 = tpu.memref_slice %run_scoped3A_21[%rem3A_86, %dma_start3A_98, %dma_start3A_99] : memref<2x128x128xf32, #tpu.memory_space<vmem>> -> memref<1x128x128xf32, #tpu.memory_space<vmem>>
        %dma_start3A_101 = tpu.memref_squeeze %dma_start3A_100 : memref<1x128x128xf32, #tpu.memory_space<vmem>> -> memref<128x128xf32, #tpu.memory_space<vmem>>
        %dma_start3A_102 = tpu.memref_slice %arg2[%mul3A_88, %mul3A_90] : memref<160000x256xf32, #tpu.memory_space<hbm>> -> memref<128x128xf32, #tpu.memory_space<hbm>>
        tpu.enqueue_dma source(%dma_start3A_102 : memref<128x128xf32, #tpu.memory_space<hbm>>) target(%dma_start3A_101 : memref<128x128xf32, #tpu.memory_space<vmem>>) target_semaphore(%dma_start3A_97 : memref<!tpu.dma_semaphore, #tpu.memory_space<semaphore_mem>>)
        %add3A_103 = arith.constant 0 : i32
        %add3A_104 = arith.constant 1 : i32
        %add3A_105 = arith.addi %add3A_103, %add3A_104 : i32
        %select_n3A_106 = arith.constant true
        %select_n3A_107 = arith.constant 0 : i32
        %select_n3A_108 = arith.select %select_n3A_106, %add3A_105, %select_n3A_107 : i32
        %while3A = arith.constant 0 : i32
        %while3A_109 = arith.constant 0 : i32
        %while3A_110 = arith.constant 0 : i32
        %while3A_111 = arith.constant 0 : i32
        "tpu.trace_stop"() : () -> ()
        %while3A_112 = arith.subi %mul3A_13, %while3A : i32
        %while3A_113 = arith.addi %while3A, %while3A_112 : i32
        %while3A_114 = arith.constant 1 : i32
        %while3A_115 = arith.divsi %while3A_112, %while3A_114 : i32
        %while3A_116 = arith.muli %while3A_115, %while3A_114 : i32
        %while3A_117 = arith.addi %while3A, %while3A_116 : i32
        %while3A_118 = arith.constant 1 : i32
        %while3A_119:5 = scf.for %while3A_173 = %while3A to %while3A_117 step %while3A_118 iter_args(%while3A_174 = %select_n3A_83, %while3A_175 = %while3A_109, %while3A_176 = %select_n3A_108, %while3A_177 = %while3A_110, %while3A_178 = %while3A_111) -> (i32, i32, i32, i32, i32)  : i32 {
          %mul3A_179 = arith.constant 1 : i32
          %mul3A_180 = arith.muli %mul3A_179, %select_n3A : i32
          %eq3A_181 = arith.constant 0 : i32
          %eq3A_182 = arith.cmpi eq, %while3A_173, %eq3A_181 : i32
          %sub3A_183 = arith.constant 1 : i32
          %sub3A_184 = arith.subi %mul3A_180, %sub3A_183 : i32
          %eq3A_185 = arith.cmpi eq, %while3A_173, %sub3A_184 : i32
          %add3A_186 = arith.addi %while3A_178, %select_n3A_11 : i32
          %sub3A_187 = arith.constant 1 : i32
          %sub3A_188 = arith.subi %while3A_178, %sub3A_187 : i32
          %select_n3A_189 = arith.constant true
          %select_n3A_190 = arith.select %select_n3A_189, %sub3A_188, %while3A_178 : i32
          %eq3A_191 = arith.constant -1 : i32
          %eq3A_192 = arith.cmpi eq, %select_n3A_190, %eq3A_191 : i32
          %sub3A_193 = arith.constant 1 : i32
          %sub3A_194 = arith.subi %select_n3A, %sub3A_193 : i32
          %select_n3A_195 = arith.select %eq3A_192, %sub3A_194, %select_n3A_190 : i32
          %add3A_196 = arith.addi %select_n3A_195, %select_n3A_11 : i32
          %add3A_197 = arith.constant 1 : i32
          %add3A_198 = arith.addi %while3A_178, %add3A_197 : i32
          %select_n3A_199 = arith.constant true
          %select_n3A_200 = arith.select %select_n3A_199, %add3A_198, %while3A_178 : i32
          %eq3A_201 = arith.cmpi eq, %select_n3A_200, %select_n3A : i32
          %select_n3A_202 = arith.constant 0 : i32
          %select_n3A_203 = arith.select %eq3A_201, %select_n3A_202, %select_n3A_200 : i32
          %add3A_204 = arith.addi %select_n3A_203, %select_n3A_11 : i32
          %add3A_205 = arith.constant 1 : i32
          %add3A_206 = arith.addi %select_n3A_203, %add3A_205 : i32
          %select_n3A_207 = arith.constant true
          %select_n3A_208 = arith.select %select_n3A_207, %add3A_206, %select_n3A_203 : i32
          %eq3A_209 = arith.cmpi eq, %select_n3A_208, %select_n3A : i32
          %select_n3A_210 = arith.constant 0 : i32
          %select_n3A_211 = arith.select %eq3A_209, %select_n3A_210, %select_n3A_208 : i32
          %add3A_212 = arith.addi %select_n3A_211, %select_n3A_11 : i32
          %ne3A = arith.cmpi ne, %add3A_186, %add3A_204 : i32
          %or3A = arith.constant false
          %or3A_213 = arith.ori %or3A, %ne3A : i1
          %or3A_214 = arith.constant false
          %or3A_215 = arith.ori %or3A_213, %or3A_214 : i1
          %or3A_216 = arith.constant false
          %or3A_217 = arith.ori %or3A_215, %or3A_216 : i1
          %sub3A_218 = arith.constant 2 : i32
          %sub3A_219 = arith.subi %mul3A_180, %sub3A_218 : i32
          %add3A_220 = arith.constant 1 : i32
          %add3A_221 = arith.addi %sub3A_219, %add3A_220 : i32
          %ge3A = arith.cmpi sge, %while3A_173, %add3A_221 : i32
          %not3A = arith.constant true
          %not3A_222 = arith.xori %ge3A, %not3A : i1
          %and3A = arith.andi %or3A_217, %not3A_222 : i1
          %convert_element_type3A_223 = arith.extui %and3A : i1 to i32
          %cond3A_224 = arith.constant 0 : i32
          %cond3A_225 = arith.cmpi ne, %convert_element_type3A_223, %cond3A_224 : i32
          scf.if %cond3A_225 {
            "tpu.trace_start"() <{level = 10 : i32, message = "ep_copy_in"}> : () -> ()
            %rem3A_357 = arith.constant 2 : i32
            %rem3A_358 = arith.remui %while3A_174, %rem3A_357 : i32
            %mul3A_359 = arith.constant 1 : i32
            %mul3A_360 = arith.muli %mul3A_359, %add3A_204 : i32
            %dma_start3A_361 = arith.constant 0 : i32
            %dma_start3A_362 = arith.constant 0 : i32
            %dma_start3A_363 = arith.constant 0 : i32
            %dma_start3A_364 = tpu.memref_slice %run_scoped3A[%rem3A_358, %dma_start3A_361, %dma_start3A_362, %dma_start3A_363] : memref<2x1x1x128xi32, #tpu.memory_space<vmem>> -> memref<1x1x1x128xi32, #tpu.memory_space<vmem>>
            %dma_start3A_365 = tpu.memref_squeeze %dma_start3A_364 : memref<1x1x1x128xi32, #tpu.memory_space<vmem>> -> memref<1x1x128xi32, #tpu.memory_space<vmem>>
            %dma_start3A_366 = arith.constant 0 : i32
            %dma_start3A_367 = arith.constant 0 : i32
            %dma_start3A_368 = tpu.memref_slice %arg3[%mul3A_360, %dma_start3A_366, %dma_start3A_367] : memref<1250x1x128xi32, #tpu.memory_space<hbm>> -> memref<1x1x128xi32, #tpu.memory_space<hbm>>
            %dma_start3A_369 = tpu.memref_slice %run_scoped3A_20[%rem3A_358] : memref<2x!tpu.dma_semaphore, #tpu.memory_space<semaphore_mem>> -> memref<1x!tpu.dma_semaphore, #tpu.memory_space<semaphore_mem>>
            %dma_start3A_370 = tpu.memref_squeeze %dma_start3A_369 : memref<1x!tpu.dma_semaphore, #tpu.memory_space<semaphore_mem>> -> memref<!tpu.dma_semaphore, #tpu.memory_space<semaphore_mem>>
            %dma_start3A_371 = arith.constant 0 : i32
            %dma_start3A_372 = arith.constant 0 : i32
            %dma_start3A_373 = arith.constant 0 : i32
            %dma_start3A_374 = tpu.memref_slice %run_scoped3A[%rem3A_358, %dma_start3A_371, %dma_start3A_372, %dma_start3A_373] : memref<2x1x1x128xi32, #tpu.memory_space<vmem>> -> memref<1x1x1x128xi32, #tpu.memory_space<vmem>>
            %dma_start3A_375 = tpu.memref_squeeze %dma_start3A_374 : memref<1x1x1x128xi32, #tpu.memory_space<vmem>> -> memref<1x1x128xi32, #tpu.memory_space<vmem>>
            %dma_start3A_376 = arith.constant 0 : i32
            %dma_start3A_377 = arith.constant 0 : i32
            %dma_start3A_378 = tpu.memref_slice %arg3[%mul3A_360, %dma_start3A_376, %dma_start3A_377] : memref<1250x1x128xi32, #tpu.memory_space<hbm>> -> memref<1x1x128xi32, #tpu.memory_space<hbm>>
            tpu.enqueue_dma source(%dma_start3A_378 : memref<1x1x128xi32, #tpu.memory_space<hbm>>) target(%dma_start3A_375 : memref<1x1x128xi32, #tpu.memory_space<vmem>>) target_semaphore(%dma_start3A_370 : memref<!tpu.dma_semaphore, #tpu.memory_space<semaphore_mem>>)
            "tpu.trace_stop"() : () -> ()
          } else {
          }
          %and3A_226 = arith.constant true
          %and3A_227 = arith.andi %and3A, %and3A_226 : i1
          %add3A_228 = arith.constant 1 : i32
          %add3A_229 = arith.addi %while3A_174, %add3A_228 : i32
          %select_n3A_230 = arith.select %and3A_227, %add3A_229, %while3A_174 : i32
          %ne3A_231 = arith.cmpi ne, %add3A_186, %add3A_204 : i32
          %ne3A_232 = arith.cmpi ne, %arg0, %arg0 : i32
          %or3A_233 = arith.constant false
          %or3A_234 = arith.ori %or3A_233, %ne3A_231 : i1
          %or3A_235 = arith.ori %or3A_234, %ne3A_232 : i1
          %sub3A_236 = arith.constant 2 : i32
          %sub3A_237 = arith.subi %mul3A_180, %sub3A_236 : i32
          %add3A_238 = arith.constant 1 : i32
          %add3A_239 = arith.addi %sub3A_237, %add3A_238 : i32
          %ge3A_240 = arith.cmpi sge, %while3A_173, %add3A_239 : i32
          %not3A_241 = arith.constant true
          %not3A_242 = arith.xori %ge3A_240, %not3A_241 : i1
          %and3A_243 = arith.andi %or3A_235, %not3A_242 : i1
          %convert_element_type3A_244 = arith.extui %and3A_243 : i1 to i32
          %cond3A_245 = arith.constant 0 : i32
          %cond3A_246 = arith.cmpi ne, %convert_element_type3A_244, %cond3A_245 : i32
          scf.if %cond3A_246 {
            "tpu.trace_start"() <{level = 10 : i32, message = "ep_copy_in"}> : () -> ()
            %rem3A_357 = arith.constant 2 : i32
            %rem3A_358 = arith.remui %while3A_176, %rem3A_357 : i32
            %mul3A_359 = arith.constant 128 : i32
            %mul3A_360 = arith.muli %mul3A_359, %add3A_204 : i32
            %mul3A_361 = arith.constant 128 : i32
            %mul3A_362 = arith.muli %mul3A_361, %arg0 : i32
            %dma_start3A_363 = arith.constant 0 : i32
            %dma_start3A_364 = arith.constant 0 : i32
            %dma_start3A_365 = tpu.memref_slice %run_scoped3A_21[%rem3A_358, %dma_start3A_363, %dma_start3A_364] : memref<2x128x128xf32, #tpu.memory_space<vmem>> -> memref<1x128x128xf32, #tpu.memory_space<vmem>>
            %dma_start3A_366 = tpu.memref_squeeze %dma_start3A_365 : memref<1x128x128xf32, #tpu.memory_space<vmem>> -> memref<128x128xf32, #tpu.memory_space<vmem>>
            %dma_start3A_367 = tpu.memref_slice %arg2[%mul3A_360, %mul3A_362] : memref<160000x256xf32, #tpu.memory_space<hbm>> -> memref<128x128xf32, #tpu.memory_space<hbm>>
            %dma_start3A_368 = tpu.memref_slice %run_scoped3A_22[%rem3A_358] : memref<2x!tpu.dma_semaphore, #tpu.memory_space<semaphore_mem>> -> memref<1x!tpu.dma_semaphore, #tpu.memory_space<semaphore_mem>>
            %dma_start3A_369 = tpu.memref_squeeze %dma_start3A_368 : memref<1x!tpu.dma_semaphore, #tpu.memory_space<semaphore_mem>> -> memref<!tpu.dma_semaphore, #tpu.memory_space<semaphore_mem>>
            %dma_start3A_370 = arith.constant 0 : i32
            %dma_start3A_371 = arith.constant 0 : i32
            %dma_start3A_372 = tpu.memref_slice %run_scoped3A_21[%rem3A_358, %dma_start3A_370, %dma_start3A_371] : memref<2x128x128xf32, #tpu.memory_space<vmem>> -> memref<1x128x128xf32, #tpu.memory_space<vmem>>
            %dma_start3A_373 = tpu.memref_squeeze %dma_start3A_372 : memref<1x128x128xf32, #tpu.memory_space<vmem>> -> memref<128x128xf32, #tpu.memory_space<vmem>>
            %dma_start3A_374 = tpu.memref_slice %arg2[%mul3A_360, %mul3A_362] : memref<160000x256xf32, #tpu.memory_space<hbm>> -> memref<128x128xf32, #tpu.memory_space<hbm>>
            tpu.enqueue_dma source(%dma_start3A_374 : memref<128x128xf32, #tpu.memory_space<hbm>>) target(%dma_start3A_373 : memref<128x128xf32, #tpu.memory_space<vmem>>) target_semaphore(%dma_start3A_369 : memref<!tpu.dma_semaphore, #tpu.memory_space<semaphore_mem>>)
            "tpu.trace_stop"() : () -> ()
          } else {
          }
          %and3A_247 = arith.constant true
          %and3A_248 = arith.andi %and3A_243, %and3A_247 : i1
          %add3A_249 = arith.constant 1 : i32
          %add3A_250 = arith.addi %while3A_176, %add3A_249 : i32
          %select_n3A_251 = arith.select %and3A_248, %add3A_250, %while3A_176 : i32
          %ne3A_252 = arith.cmpi ne, %add3A_186, %add3A_196 : i32
          %or3A_253 = arith.constant false
          %or3A_254 = arith.ori %or3A_253, %ne3A_252 : i1
          %or3A_255 = arith.constant false
          %or3A_256 = arith.ori %or3A_254, %or3A_255 : i1
          %or3A_257 = arith.constant false
          %or3A_258 = arith.ori %or3A_256, %or3A_257 : i1
          %or3A_259 = arith.ori %or3A_258, %eq3A_182 : i1
          %convert_element_type3A_260 = arith.extui %or3A_259 : i1 to i32
          %cond3A_261 = arith.constant 0 : i32
          %cond3A_262 = arith.cmpi ne, %convert_element_type3A_260, %cond3A_261 : i32
          scf.if %cond3A_262 {
            "tpu.trace_start"() <{level = 10 : i32, message = "ep_wait_in"}> : () -> ()
            %mul3A_357 = arith.constant 1 : i32
            %mul3A_358 = arith.muli %mul3A_357, %add3A_186 : i32
            %rem3A_359 = arith.constant 2 : i32
            %rem3A_360 = arith.remui %while3A_175, %rem3A_359 : i32
            %dma_wait3A = arith.constant 0 : i32
            %dma_wait3A_361 = arith.constant 0 : i32
            %dma_wait3A_362 = arith.constant 0 : i32
            %dma_wait3A_363 = tpu.memref_slice %run_scoped3A[%rem3A_360, %dma_wait3A, %dma_wait3A_361, %dma_wait3A_362] : memref<2x1x1x128xi32, #tpu.memory_space<vmem>> -> memref<1x1x1x128xi32, #tpu.memory_space<vmem>>
            %dma_wait3A_364 = tpu.memref_squeeze %dma_wait3A_363 : memref<1x1x1x128xi32, #tpu.memory_space<vmem>> -> memref<1x1x128xi32, #tpu.memory_space<vmem>>
            %dma_wait3A_365 = arith.constant 0 : i32
            %dma_wait3A_366 = arith.constant 0 : i32
            %dma_wait3A_367 = tpu.memref_slice %arg3[%mul3A_358, %dma_wait3A_365, %dma_wait3A_366] : memref<1250x1x128xi32, #tpu.memory_space<hbm>> -> memref<1x1x128xi32, #tpu.memory_space<hbm>>
            %dma_wait3A_368 = tpu.memref_slice %run_scoped3A_20[%rem3A_360] : memref<2x!tpu.dma_semaphore, #tpu.memory_space<semaphore_mem>> -> memref<1x!tpu.dma_semaphore, #tpu.memory_space<semaphore_mem>>
            %dma_wait3A_369 = tpu.memref_squeeze %dma_wait3A_368 : memref<1x!tpu.dma_semaphore, #tpu.memory_space<semaphore_mem>> -> memref<!tpu.dma_semaphore, #tpu.memory_space<semaphore_mem>>
            %dma_wait3A_370 = arith.constant 0 : i32
            %dma_wait3A_371 = arith.constant 0 : i32
            %dma_wait3A_372 = arith.constant 0 : i32
            %dma_wait3A_373 = tpu.memref_slice %run_scoped3A[%rem3A_360, %dma_wait3A_370, %dma_wait3A_371, %dma_wait3A_372] : memref<2x1x1x128xi32, #tpu.memory_space<vmem>> -> memref<1x1x1x128xi32, #tpu.memory_space<vmem>>
            %dma_wait3A_374 = tpu.memref_squeeze %dma_wait3A_373 : memref<1x1x1x128xi32, #tpu.memory_space<vmem>> -> memref<1x1x128xi32, #tpu.memory_space<vmem>>
            %dma_wait3A_375 = arith.constant 0 : i32
            %dma_wait3A_376 = arith.constant 0 : i32
            %dma_wait3A_377 = tpu.memref_slice %arg3[%mul3A_358, %dma_wait3A_375, %dma_wait3A_376] : memref<1250x1x128xi32, #tpu.memory_space<hbm>> -> memref<1x1x128xi32, #tpu.memory_space<hbm>>
            tpu.wait_dma2 semaphore(%dma_wait3A_369 : memref<!tpu.dma_semaphore, #tpu.memory_space<semaphore_mem>>) src(%dma_wait3A_377 : memref<1x1x128xi32, #tpu.memory_space<hbm>>) dst(%dma_wait3A_374 : memref<1x1x128xi32, #tpu.memory_space<vmem>>)
            "tpu.trace_stop"() : () -> ()
          } else {
          }
          %ne3A_263 = arith.cmpi ne, %add3A_186, %add3A_196 : i32
          %ne3A_264 = arith.cmpi ne, %arg0, %arg0 : i32
          %or3A_265 = arith.constant false
          %or3A_266 = arith.ori %or3A_265, %ne3A_263 : i1
          %or3A_267 = arith.ori %or3A_266, %ne3A_264 : i1
          %or3A_268 = arith.ori %or3A_267, %eq3A_182 : i1
          %convert_element_type3A_269 = arith.extui %or3A_268 : i1 to i32
          %cond3A_270 = arith.constant 0 : i32
          %cond3A_271 = arith.cmpi ne, %convert_element_type3A_269, %cond3A_270 : i32
          scf.if %cond3A_271 {
            "tpu.trace_start"() <{level = 10 : i32, message = "ep_wait_in"}> : () -> ()
            %mul3A_357 = arith.constant 128 : i32
            %mul3A_358 = arith.muli %mul3A_357, %add3A_186 : i32
            %mul3A_359 = arith.constant 128 : i32
            %mul3A_360 = arith.muli %mul3A_359, %arg0 : i32
            %rem3A_361 = arith.constant 2 : i32
            %rem3A_362 = arith.remui %while3A_177, %rem3A_361 : i32
            %dma_wait3A = arith.constant 0 : i32
            %dma_wait3A_363 = arith.constant 0 : i32
            %dma_wait3A_364 = tpu.memref_slice %run_scoped3A_21[%rem3A_362, %dma_wait3A, %dma_wait3A_363] : memref<2x128x128xf32, #tpu.memory_space<vmem>> -> memref<1x128x128xf32, #tpu.memory_space<vmem>>
            %dma_wait3A_365 = tpu.memref_squeeze %dma_wait3A_364 : memref<1x128x128xf32, #tpu.memory_space<vmem>> -> memref<128x128xf32, #tpu.memory_space<vmem>>
            %dma_wait3A_366 = tpu.memref_slice %arg2[%mul3A_358, %mul3A_360] : memref<160000x256xf32, #tpu.memory_space<hbm>> -> memref<128x128xf32, #tpu.memory_space<hbm>>
            %dma_wait3A_367 = tpu.memref_slice %run_scoped3A_22[%rem3A_362] : memref<2x!tpu.dma_semaphore, #tpu.memory_space<semaphore_mem>> -> memref<1x!tpu.dma_semaphore, #tpu.memory_space<semaphore_mem>>
            %dma_wait3A_368 = tpu.memref_squeeze %dma_wait3A_367 : memref<1x!tpu.dma_semaphore, #tpu.memory_space<semaphore_mem>> -> memref<!tpu.dma_semaphore, #tpu.memory_space<semaphore_mem>>
            %dma_wait3A_369 = arith.constant 0 : i32
            %dma_wait3A_370 = arith.constant 0 : i32
            %dma_wait3A_371 = tpu.memref_slice %run_scoped3A_21[%rem3A_362, %dma_wait3A_369, %dma_wait3A_370] : memref<2x128x128xf32, #tpu.memory_space<vmem>> -> memref<1x128x128xf32, #tpu.memory_space<vmem>>
            %dma_wait3A_372 = tpu.memref_squeeze %dma_wait3A_371 : memref<1x128x128xf32, #tpu.memory_space<vmem>> -> memref<128x128xf32, #tpu.memory_space<vmem>>
            %dma_wait3A_373 = tpu.memref_slice %arg2[%mul3A_358, %mul3A_360] : memref<160000x256xf32, #tpu.memory_space<hbm>> -> memref<128x128xf32, #tpu.memory_space<hbm>>
            tpu.wait_dma2 semaphore(%dma_wait3A_368 : memref<!tpu.dma_semaphore, #tpu.memory_space<semaphore_mem>>) src(%dma_wait3A_373 : memref<128x128xf32, #tpu.memory_space<hbm>>) dst(%dma_wait3A_372 : memref<128x128xf32, #tpu.memory_space<vmem>>)
            "tpu.trace_stop"() : () -> ()
          } else {
          }
          %rem3A_272 = arith.constant 2 : i32
          %rem3A_273 = arith.remui %while3A_175, %rem3A_272 : i32
          %rem3A_274 = arith.constant 2 : i32
          %rem3A_275 = arith.remui %while3A_177, %rem3A_274 : i32
          %run_scoped3A_276 = arith.constant 0 : i32
          %run_scoped3A_277 = arith.constant 0 : i32
          "tpu.trace_start"() <{level = 10 : i32, message = "ep_run_kernel"}> : () -> ()
          "tpu.region"() ({
            %run_scoped3A_357 = tpu.sem_alloc : memref<!tpu.dma_semaphore, #tpu.memory_space<semaphore_mem>>
            %dma_start3A_358 = arith.constant 0 : i32
            %dma_start3A_359 = arith.constant 0 : i32
            %dma_start3A_360 = tpu.memref_slice %run_scoped3A_21[%rem3A_275, %dma_start3A_358, %dma_start3A_359] : memref<2x128x128xf32, #tpu.memory_space<vmem>> -> memref<1x128x128xf32, #tpu.memory_space<vmem>>
            %dma_start3A_361 = tpu.memref_squeeze %dma_start3A_360 : memref<1x128x128xf32, #tpu.memory_space<vmem>> -> memref<128x128xf32, #tpu.memory_space<vmem>>
            %dma_start3A_362 = arith.constant 0 : i32
            %dma_start3A_363 = arith.constant 0 : i32
            %dma_start3A_364 = arith.constant 0 : i32
            %dma_start3A_365 = tpu.memref_slice %run_scoped3A[%rem3A_273, %dma_start3A_362, %dma_start3A_363, %dma_start3A_364] : memref<2x1x1x128xi32, #tpu.memory_space<vmem>> -> memref<1x1x1x128xi32, #tpu.memory_space<vmem>>
            %dma_start3A_366 = tpu.memref_squeeze %dma_start3A_365 : memref<1x1x1x128xi32, #tpu.memory_space<vmem>> -> memref<1x1x128xi32, #tpu.memory_space<vmem>>
            %dma_start3A_367 = arith.constant 0 : i32
            %dma_start3A_368 = tpu.memref_slice %dma_start3A_366[%run_scoped3A_276, %run_scoped3A_277, %dma_start3A_367] : memref<1x1x128xi32, #tpu.memory_space<vmem>> -> memref<1x1x128xi32, #tpu.memory_space<vmem>>
            %dma_start3A_369 = tpu.memref_squeeze %dma_start3A_368 : memref<1x1x128xi32, #tpu.memory_space<vmem>> -> memref<128xi32, #tpu.memory_space<vmem>>
            %dma_start3A_370 = arith.constant 0 : i32
            %dma_start3A_371 = arith.constant 0 : i32
            %dma_start3A_372 = tpu.memref_slice %arg6[%dma_start3A_370, %dma_start3A_371] : memref<10000x128xf32, #tpu.memory_space<vmem_shared>> -> memref<10000x128xf32, #tpu.memory_space<vmem_shared>>
            tpu.enqueue_indirect_dma source(%dma_start3A_361 : memref<128x128xf32, #tpu.memory_space<vmem>>) target(%dma_start3A_372 : memref<10000x128xf32, #tpu.memory_space<vmem_shared>>) offsets(%dma_start3A_369 : memref<128xi32, #tpu.memory_space<vmem>>) semaphore(%run_scoped3A_357 : memref<!tpu.dma_semaphore, #tpu.memory_space<semaphore_mem>>) {add = true}
            %dma_wait3A = arith.constant 0 : i32
            %dma_wait3A_373 = arith.constant 0 : i32
            %dma_wait3A_374 = tpu.memref_slice %run_scoped3A_21[%rem3A_275, %dma_wait3A, %dma_wait3A_373] : memref<2x128x128xf32, #tpu.memory_space<vmem>> -> memref<1x128x128xf32, #tpu.memory_space<vmem>>
            %dma_wait3A_375 = tpu.memref_squeeze %dma_wait3A_374 : memref<1x128x128xf32, #tpu.memory_space<vmem>> -> memref<128x128xf32, #tpu.memory_space<vmem>>
            %dma_wait3A_376 = arith.constant 0 : i32
            %dma_wait3A_377 = arith.constant 0 : i32
            %dma_wait3A_378 = arith.constant 0 : i32
            %dma_wait3A_379 = tpu.memref_slice %run_scoped3A[%rem3A_273, %dma_wait3A_376, %dma_wait3A_377, %dma_wait3A_378] : memref<2x1x1x128xi32, #tpu.memory_space<vmem>> -> memref<1x1x1x128xi32, #tpu.memory_space<vmem>>
            %dma_wait3A_380 = tpu.memref_squeeze %dma_wait3A_379 : memref<1x1x1x128xi32, #tpu.memory_space<vmem>> -> memref<1x1x128xi32, #tpu.memory_space<vmem>>
            %dma_wait3A_381 = arith.constant 0 : i32
            %dma_wait3A_382 = tpu.memref_slice %dma_wait3A_380[%run_scoped3A_276, %run_scoped3A_277, %dma_wait3A_381] : memref<1x1x128xi32, #tpu.memory_space<vmem>> -> memref<1x1x128xi32, #tpu.memory_space<vmem>>
            %dma_wait3A_383 = tpu.memref_squeeze %dma_wait3A_382 : memref<1x1x128xi32, #tpu.memory_space<vmem>> -> memref<128xi32, #tpu.memory_space<vmem>>
            %dma_wait3A_384 = arith.constant 0 : i32
            %dma_wait3A_385 = arith.constant 0 : i32
            %dma_wait3A_386 = tpu.memref_slice %arg6[%dma_wait3A_384, %dma_wait3A_385] : memref<10000x128xf32, #tpu.memory_space<vmem_shared>> -> memref<10000x128xf32, #tpu.memory_space<vmem_shared>>
            tpu.wait_indirect_dma semaphore(%run_scoped3A_357 : memref<!tpu.dma_semaphore, #tpu.memory_space<semaphore_mem>>) src(%dma_wait3A_375 : memref<128x128xf32, #tpu.memory_space<vmem>>) dst(%dma_wait3A_386 : memref<10000x128xf32, #tpu.memory_space<vmem_shared>>)
            tpu.yield
          }) : () -> ()
          "tpu.trace_stop"() : () -> ()
          %ne3A_278 = arith.cmpi ne, %add3A_186, %add3A_204 : i32
          %or3A_279 = arith.constant false
          %or3A_280 = arith.ori %or3A_279, %ne3A_278 : i1
          %or3A_281 = arith.constant false
          %or3A_282 = arith.ori %or3A_280, %or3A_281 : i1
          %or3A_283 = arith.constant false
          %or3A_284 = arith.ori %or3A_282, %or3A_283 : i1
          %or3A_285 = arith.ori %or3A_284, %eq3A_185 : i1
          %convert_element_type3A_286 = arith.extui %or3A_285 : i1 to i32
          %cond3A_287 = arith.constant 0 : i32
          %cond3A_288 = arith.cmpi ne, %convert_element_type3A_286, %cond3A_287 : i32
          scf.if %cond3A_288 {
          } else {
          }
          %and3A_289 = arith.constant false
          %and3A_290 = arith.andi %or3A_285, %and3A_289 : i1
          %ne3A_291 = arith.cmpi ne, %add3A_186, %add3A_204 : i32
          %ne3A_292 = arith.cmpi ne, %arg0, %arg0 : i32
          %or3A_293 = arith.constant false
          %or3A_294 = arith.ori %or3A_293, %ne3A_291 : i1
          %or3A_295 = arith.ori %or3A_294, %ne3A_292 : i1
          %or3A_296 = arith.ori %or3A_295, %eq3A_185 : i1
          %convert_element_type3A_297 = arith.extui %or3A_296 : i1 to i32
          %cond3A_298 = arith.constant 0 : i32
          %cond3A_299 = arith.cmpi ne, %convert_element_type3A_297, %cond3A_298 : i32
          scf.if %cond3A_299 {
          } else {
          }
          %and3A_300 = arith.constant false
          %and3A_301 = arith.andi %or3A_296, %and3A_300 : i1
          %ne3A_302 = arith.cmpi ne, %add3A_186, %add3A_196 : i32
          %or3A_303 = arith.constant false
          %or3A_304 = arith.ori %or3A_303, %ne3A_302 : i1
          %or3A_305 = arith.constant false
          %or3A_306 = arith.ori %or3A_304, %or3A_305 : i1
          %or3A_307 = arith.constant false
          %or3A_308 = arith.ori %or3A_306, %or3A_307 : i1
          %not3A_309 = arith.constant true
          %not3A_310 = arith.xori %eq3A_182, %not3A_309 : i1
          %and3A_311 = arith.andi %or3A_308, %not3A_310 : i1
          %convert_element_type3A_312 = arith.extui %and3A_311 : i1 to i32
          %cond3A_313 = arith.constant 0 : i32
          %cond3A_314 = arith.cmpi ne, %convert_element_type3A_312, %cond3A_313 : i32
          scf.if %cond3A_314 {
          } else {
          }
          %and3A_315 = arith.constant false
          %and3A_316 = arith.andi %and3A_311, %and3A_315 : i1
          %ne3A_317 = arith.cmpi ne, %add3A_186, %add3A_196 : i32
          %ne3A_318 = arith.cmpi ne, %arg0, %arg0 : i32
          %or3A_319 = arith.constant false
          %or3A_320 = arith.ori %or3A_319, %ne3A_317 : i1
          %or3A_321 = arith.ori %or3A_320, %ne3A_318 : i1
          %not3A_322 = arith.constant true
          %not3A_323 = arith.xori %eq3A_182, %not3A_322 : i1
          %and3A_324 = arith.andi %or3A_321, %not3A_323 : i1
          %convert_element_type3A_325 = arith.extui %and3A_324 : i1 to i32
          %cond3A_326 = arith.constant 0 : i32
          %cond3A_327 = arith.cmpi ne, %convert_element_type3A_325, %cond3A_326 : i32
          scf.if %cond3A_327 {
          } else {
          }
          %and3A_328 = arith.constant false
          %and3A_329 = arith.andi %and3A_324, %and3A_328 : i1
          %ne3A_330 = arith.cmpi ne, %add3A_186, %add3A_204 : i32
          %or3A_331 = arith.constant false
          %or3A_332 = arith.ori %or3A_331, %ne3A_330 : i1
          %or3A_333 = arith.constant false
          %or3A_334 = arith.ori %or3A_332, %or3A_333 : i1
          %or3A_335 = arith.constant false
          %or3A_336 = arith.ori %or3A_334, %or3A_335 : i1
          %or3A_337 = arith.ori %or3A_336, %eq3A_185 : i1
          %add3A_338 = arith.constant 1 : i32
          %add3A_339 = arith.addi %while3A_175, %add3A_338 : i32
          %select_n3A_340 = arith.select %or3A_337, %add3A_339, %while3A_175 : i32
          %ne3A_341 = arith.cmpi ne, %add3A_186, %add3A_204 : i32
          %ne3A_342 = arith.cmpi ne, %arg0, %arg0 : i32
          %or3A_343 = arith.constant false
          %or3A_344 = arith.ori %or3A_343, %ne3A_341 : i1
          %or3A_345 = arith.ori %or3A_344, %ne3A_342 : i1
          %or3A_346 = arith.ori %or3A_345, %eq3A_185 : i1
          %add3A_347 = arith.constant 1 : i32
          %add3A_348 = arith.addi %while3A_177, %add3A_347 : i32
          %select_n3A_349 = arith.select %or3A_346, %add3A_348, %while3A_177 : i32
          %add3A_350 = arith.constant 1 : i32
          %add3A_351 = arith.addi %while3A_178, %add3A_350 : i32
          %select_n3A_352 = arith.constant true
          %select_n3A_353 = arith.select %select_n3A_352, %add3A_351, %while3A_178 : i32
          %eq3A_354 = arith.cmpi eq, %select_n3A_353, %select_n3A : i32
          %select_n3A_355 = arith.constant 0 : i32
          %select_n3A_356 = arith.select %eq3A_354, %select_n3A_355, %select_n3A_353 : i32
          scf.yield %select_n3A_230, %select_n3A_340, %select_n3A_251, %select_n3A_349, %select_n3A_356 : i32, i32, i32, i32, i32
        }
        %while3A_120 = arith.constant 1 : i32
        %while3A_121:5 = scf.for %while3A_173 = %while3A_117 to %while3A_113 step %while3A_120 iter_args(%while3A_174 = %while3A_119#0, %while3A_175 = %while3A_119#1, %while3A_176 = %while3A_119#2, %while3A_177 = %while3A_119#3, %while3A_178 = %while3A_119#4) -> (i32, i32, i32, i32, i32)  : i32 {
          %mul3A_179 = arith.constant 1 : i32
          %mul3A_180 = arith.muli %mul3A_179, %select_n3A : i32
          %eq3A_181 = arith.constant 0 : i32
          %eq3A_182 = arith.cmpi eq, %while3A_173, %eq3A_181 : i32
          %sub3A_183 = arith.constant 1 : i32
          %sub3A_184 = arith.subi %mul3A_180, %sub3A_183 : i32
          %eq3A_185 = arith.cmpi eq, %while3A_173, %sub3A_184 : i32
          %add3A_186 = arith.addi %while3A_178, %select_n3A_11 : i32
          %sub3A_187 = arith.constant 1 : i32
          %sub3A_188 = arith.subi %while3A_178, %sub3A_187 : i32
          %select_n3A_189 = arith.constant true
          %select_n3A_190 = arith.select %select_n3A_189, %sub3A_188, %while3A_178 : i32
          %eq3A_191 = arith.constant -1 : i32
          %eq3A_192 = arith.cmpi eq, %select_n3A_190, %eq3A_191 : i32
          %sub3A_193 = arith.constant 1 : i32
          %sub3A_194 = arith.subi %select_n3A, %sub3A_193 : i32
          %select_n3A_195 = arith.select %eq3A_192, %sub3A_194, %select_n3A_190 : i32
          %add3A_196 = arith.addi %select_n3A_195, %select_n3A_11 : i32
          %add3A_197 = arith.constant 1 : i32
          %add3A_198 = arith.addi %while3A_178, %add3A_197 : i32
          %select_n3A_199 = arith.constant true
          %select_n3A_200 = arith.select %select_n3A_199, %add3A_198, %while3A_178 : i32
          %eq3A_201 = arith.cmpi eq, %select_n3A_200, %select_n3A : i32
          %select_n3A_202 = arith.constant 0 : i32
          %select_n3A_203 = arith.select %eq3A_201, %select_n3A_202, %select_n3A_200 : i32
          %add3A_204 = arith.addi %select_n3A_203, %select_n3A_11 : i32
          %add3A_205 = arith.constant 1 : i32
          %add3A_206 = arith.addi %select_n3A_203, %add3A_205 : i32
          %select_n3A_207 = arith.constant true
          %select_n3A_208 = arith.select %select_n3A_207, %add3A_206, %select_n3A_203 : i32
          %eq3A_209 = arith.cmpi eq, %select_n3A_208, %select_n3A : i32
          %select_n3A_210 = arith.constant 0 : i32
          %select_n3A_211 = arith.select %eq3A_209, %select_n3A_210, %select_n3A_208 : i32
          %add3A_212 = arith.addi %select_n3A_211, %select_n3A_11 : i32
          %ne3A = arith.cmpi ne, %add3A_186, %add3A_204 : i32
          %or3A = arith.constant false
          %or3A_213 = arith.ori %or3A, %ne3A : i1
          %or3A_214 = arith.constant false
          %or3A_215 = arith.ori %or3A_213, %or3A_214 : i1
          %or3A_216 = arith.constant false
          %or3A_217 = arith.ori %or3A_215, %or3A_216 : i1
          %sub3A_218 = arith.constant 2 : i32
          %sub3A_219 = arith.subi %mul3A_180, %sub3A_218 : i32
          %add3A_220 = arith.constant 1 : i32
          %add3A_221 = arith.addi %sub3A_219, %add3A_220 : i32
          %ge3A = arith.cmpi sge, %while3A_173, %add3A_221 : i32
          %not3A = arith.constant true
          %not3A_222 = arith.xori %ge3A, %not3A : i1
          %and3A = arith.andi %or3A_217, %not3A_222 : i1
          %convert_element_type3A_223 = arith.extui %and3A : i1 to i32
          %cond3A_224 = arith.constant 0 : i32
          %cond3A_225 = arith.cmpi ne, %convert_element_type3A_223, %cond3A_224 : i32
          scf.if %cond3A_225 {
            "tpu.trace_start"() <{level = 10 : i32, message = "ep_copy_in"}> : () -> ()
            %rem3A_357 = arith.constant 2 : i32
            %rem3A_358 = arith.remui %while3A_174, %rem3A_357 : i32
            %mul3A_359 = arith.constant 1 : i32
            %mul3A_360 = arith.muli %mul3A_359, %add3A_204 : i32
            %dma_start3A_361 = arith.constant 0 : i32
            %dma_start3A_362 = arith.constant 0 : i32
            %dma_start3A_363 = arith.constant 0 : i32
            %dma_start3A_364 = tpu.memref_slice %run_scoped3A[%rem3A_358, %dma_start3A_361, %dma_start3A_362, %dma_start3A_363] : memref<2x1x1x128xi32, #tpu.memory_space<vmem>> -> memref<1x1x1x128xi32, #tpu.memory_space<vmem>>
            %dma_start3A_365 = tpu.memref_squeeze %dma_start3A_364 : memref<1x1x1x128xi32, #tpu.memory_space<vmem>> -> memref<1x1x128xi32, #tpu.memory_space<vmem>>
            %dma_start3A_366 = arith.constant 0 : i32
            %dma_start3A_367 = arith.constant 0 : i32
            %dma_start3A_368 = tpu.memref_slice %arg3[%mul3A_360, %dma_start3A_366, %dma_start3A_367] : memref<1250x1x128xi32, #tpu.memory_space<hbm>> -> memref<1x1x128xi32, #tpu.memory_space<hbm>>
            %dma_start3A_369 = tpu.memref_slice %run_scoped3A_20[%rem3A_358] : memref<2x!tpu.dma_semaphore, #tpu.memory_space<semaphore_mem>> -> memref<1x!tpu.dma_semaphore, #tpu.memory_space<semaphore_mem>>
            %dma_start3A_370 = tpu.memref_squeeze %dma_start3A_369 : memref<1x!tpu.dma_semaphore, #tpu.memory_space<semaphore_mem>> -> memref<!tpu.dma_semaphore, #tpu.memory_space<semaphore_mem>>
            %dma_start3A_371 = arith.constant 0 : i32
            %dma_start3A_372 = arith.constant 0 : i32
            %dma_start3A_373 = arith.constant 0 : i32
            %dma_start3A_374 = tpu.memref_slice %run_scoped3A[%rem3A_358, %dma_start3A_371, %dma_start3A_372, %dma_start3A_373] : memref<2x1x1x128xi32, #tpu.memory_space<vmem>> -> memref<1x1x1x128xi32, #tpu.memory_space<vmem>>
            %dma_start3A_375 = tpu.memref_squeeze %dma_start3A_374 : memref<1x1x1x128xi32, #tpu.memory_space<vmem>> -> memref<1x1x128xi32, #tpu.memory_space<vmem>>
            %dma_start3A_376 = arith.constant 0 : i32
            %dma_start3A_377 = arith.constant 0 : i32
            %dma_start3A_378 = tpu.memref_slice %arg3[%mul3A_360, %dma_start3A_376, %dma_start3A_377] : memref<1250x1x128xi32, #tpu.memory_space<hbm>> -> memref<1x1x128xi32, #tpu.memory_space<hbm>>
            tpu.enqueue_dma source(%dma_start3A_378 : memref<1x1x128xi32, #tpu.memory_space<hbm>>) target(%dma_start3A_375 : memref<1x1x128xi32, #tpu.memory_space<vmem>>) target_semaphore(%dma_start3A_370 : memref<!tpu.dma_semaphore, #tpu.memory_space<semaphore_mem>>)
            "tpu.trace_stop"() : () -> ()
          } else {
          }
          %and3A_226 = arith.constant true
          %and3A_227 = arith.andi %and3A, %and3A_226 : i1
          %add3A_228 = arith.constant 1 : i32
          %add3A_229 = arith.addi %while3A_174, %add3A_228 : i32
          %select_n3A_230 = arith.select %and3A_227, %add3A_229, %while3A_174 : i32
          %ne3A_231 = arith.cmpi ne, %add3A_186, %add3A_204 : i32
          %ne3A_232 = arith.cmpi ne, %arg0, %arg0 : i32
          %or3A_233 = arith.constant false
          %or3A_234 = arith.ori %or3A_233, %ne3A_231 : i1
          %or3A_235 = arith.ori %or3A_234, %ne3A_232 : i1
          %sub3A_236 = arith.constant 2 : i32
          %sub3A_237 = arith.subi %mul3A_180, %sub3A_236 : i32
          %add3A_238 = arith.constant 1 : i32
          %add3A_239 = arith.addi %sub3A_237, %add3A_238 : i32
          %ge3A_240 = arith.cmpi sge, %while3A_173, %add3A_239 : i32
          %not3A_241 = arith.constant true
          %not3A_242 = arith.xori %ge3A_240, %not3A_241 : i1
          %and3A_243 = arith.andi %or3A_235, %not3A_242 : i1
          %convert_element_type3A_244 = arith.extui %and3A_243 : i1 to i32
          %cond3A_245 = arith.constant 0 : i32
          %cond3A_246 = arith.cmpi ne, %convert_element_type3A_244, %cond3A_245 : i32
          scf.if %cond3A_246 {
            "tpu.trace_start"() <{level = 10 : i32, message = "ep_copy_in"}> : () -> ()
            %rem3A_357 = arith.constant 2 : i32
            %rem3A_358 = arith.remui %while3A_176, %rem3A_357 : i32
            %mul3A_359 = arith.constant 128 : i32
            %mul3A_360 = arith.muli %mul3A_359, %add3A_204 : i32
            %mul3A_361 = arith.constant 128 : i32
            %mul3A_362 = arith.muli %mul3A_361, %arg0 : i32
            %dma_start3A_363 = arith.constant 0 : i32
            %dma_start3A_364 = arith.constant 0 : i32
            %dma_start3A_365 = tpu.memref_slice %run_scoped3A_21[%rem3A_358, %dma_start3A_363, %dma_start3A_364] : memref<2x128x128xf32, #tpu.memory_space<vmem>> -> memref<1x128x128xf32, #tpu.memory_space<vmem>>
            %dma_start3A_366 = tpu.memref_squeeze %dma_start3A_365 : memref<1x128x128xf32, #tpu.memory_space<vmem>> -> memref<128x128xf32, #tpu.memory_space<vmem>>
            %dma_start3A_367 = tpu.memref_slice %arg2[%mul3A_360, %mul3A_362] : memref<160000x256xf32, #tpu.memory_space<hbm>> -> memref<128x128xf32, #tpu.memory_space<hbm>>
            %dma_start3A_368 = tpu.memref_slice %run_scoped3A_22[%rem3A_358] : memref<2x!tpu.dma_semaphore, #tpu.memory_space<semaphore_mem>> -> memref<1x!tpu.dma_semaphore, #tpu.memory_space<semaphore_mem>>
            %dma_start3A_369 = tpu.memref_squeeze %dma_start3A_368 : memref<1x!tpu.dma_semaphore, #tpu.memory_space<semaphore_mem>> -> memref<!tpu.dma_semaphore, #tpu.memory_space<semaphore_mem>>
            %dma_start3A_370 = arith.constant 0 : i32
            %dma_start3A_371 = arith.constant 0 : i32
            %dma_start3A_372 = tpu.memref_slice %run_scoped3A_21[%rem3A_358, %dma_start3A_370, %dma_start3A_371] : memref<2x128x128xf32, #tpu.memory_space<vmem>> -> memref<1x128x128xf32, #tpu.memory_space<vmem>>
            %dma_start3A_373 = tpu.memref_squeeze %dma_start3A_372 : memref<1x128x128xf32, #tpu.memory_space<vmem>> -> memref<128x128xf32, #tpu.memory_space<vmem>>
            %dma_start3A_374 = tpu.memref_slice %arg2[%mul3A_360, %mul3A_362] : memref<160000x256xf32, #tpu.memory_space<hbm>> -> memref<128x128xf32, #tpu.memory_space<hbm>>
            tpu.enqueue_dma source(%dma_start3A_374 : memref<128x128xf32, #tpu.memory_space<hbm>>) target(%dma_start3A_373 : memref<128x128xf32, #tpu.memory_space<vmem>>) target_semaphore(%dma_start3A_369 : memref<!tpu.dma_semaphore, #tpu.memory_space<semaphore_mem>>)
            "tpu.trace_stop"() : () -> ()
          } else {
          }
          %and3A_247 = arith.constant true
          %and3A_248 = arith.andi %and3A_243, %and3A_247 : i1
          %add3A_249 = arith.constant 1 : i32
          %add3A_250 = arith.addi %while3A_176, %add3A_249 : i32
          %select_n3A_251 = arith.select %and3A_248, %add3A_250, %while3A_176 : i32
          %ne3A_252 = arith.cmpi ne, %add3A_186, %add3A_196 : i32
          %or3A_253 = arith.constant false
          %or3A_254 = arith.ori %or3A_253, %ne3A_252 : i1
          %or3A_255 = arith.constant false
          %or3A_256 = arith.ori %or3A_254, %or3A_255 : i1
          %or3A_257 = arith.constant false
          %or3A_258 = arith.ori %or3A_256, %or3A_257 : i1
          %or3A_259 = arith.ori %or3A_258, %eq3A_182 : i1
          %convert_element_type3A_260 = arith.extui %or3A_259 : i1 to i32
          %cond3A_261 = arith.constant 0 : i32
          %cond3A_262 = arith.cmpi ne, %convert_element_type3A_260, %cond3A_261 : i32
          scf.if %cond3A_262 {
            "tpu.trace_start"() <{level = 10 : i32, message = "ep_wait_in"}> : () -> ()
            %mul3A_357 = arith.constant 1 : i32
            %mul3A_358 = arith.muli %mul3A_357, %add3A_186 : i32
            %rem3A_359 = arith.constant 2 : i32
            %rem3A_360 = arith.remui %while3A_175, %rem3A_359 : i32
            %dma_wait3A = arith.constant 0 : i32
            %dma_wait3A_361 = arith.constant 0 : i32
            %dma_wait3A_362 = arith.constant 0 : i32
            %dma_wait3A_363 = tpu.memref_slice %run_scoped3A[%rem3A_360, %dma_wait3A, %dma_wait3A_361, %dma_wait3A_362] : memref<2x1x1x128xi32, #tpu.memory_space<vmem>> -> memref<1x1x1x128xi32, #tpu.memory_space<vmem>>
            %dma_wait3A_364 = tpu.memref_squeeze %dma_wait3A_363 : memref<1x1x1x128xi32, #tpu.memory_space<vmem>> -> memref<1x1x128xi32, #tpu.memory_space<vmem>>
            %dma_wait3A_365 = arith.constant 0 : i32
            %dma_wait3A_366 = arith.constant 0 : i32
            %dma_wait3A_367 = tpu.memref_slice %arg3[%mul3A_358, %dma_wait3A_365, %dma_wait3A_366] : memref<1250x1x128xi32, #tpu.memory_space<hbm>> -> memref<1x1x128xi32, #tpu.memory_space<hbm>>
            %dma_wait3A_368 = tpu.memref_slice %run_scoped3A_20[%rem3A_360] : memref<2x!tpu.dma_semaphore, #tpu.memory_space<semaphore_mem>> -> memref<1x!tpu.dma_semaphore, #tpu.memory_space<semaphore_mem>>
            %dma_wait3A_369 = tpu.memref_squeeze %dma_wait3A_368 : memref<1x!tpu.dma_semaphore, #tpu.memory_space<semaphore_mem>> -> memref<!tpu.dma_semaphore, #tpu.memory_space<semaphore_mem>>
            %dma_wait3A_370 = arith.constant 0 : i32
            %dma_wait3A_371 = arith.constant 0 : i32
            %dma_wait3A_372 = arith.constant 0 : i32
            %dma_wait3A_373 = tpu.memref_slice %run_scoped3A[%rem3A_360, %dma_wait3A_370, %dma_wait3A_371, %dma_wait3A_372] : memref<2x1x1x128xi32, #tpu.memory_space<vmem>> -> memref<1x1x1x128xi32, #tpu.memory_space<vmem>>
            %dma_wait3A_374 = tpu.memref_squeeze %dma_wait3A_373 : memref<1x1x1x128xi32, #tpu.memory_space<vmem>> -> memref<1x1x128xi32, #tpu.memory_space<vmem>>
            %dma_wait3A_375 = arith.constant 0 : i32
            %dma_wait3A_376 = arith.constant 0 : i32
            %dma_wait3A_377 = tpu.memref_slice %arg3[%mul3A_358, %dma_wait3A_375, %dma_wait3A_376] : memref<1250x1x128xi32, #tpu.memory_space<hbm>> -> memref<1x1x128xi32, #tpu.memory_space<hbm>>
            tpu.wait_dma2 semaphore(%dma_wait3A_369 : memref<!tpu.dma_semaphore, #tpu.memory_space<semaphore_mem>>) src(%dma_wait3A_377 : memref<1x1x128xi32, #tpu.memory_space<hbm>>) dst(%dma_wait3A_374 : memref<1x1x128xi32, #tpu.memory_space<vmem>>)
            "tpu.trace_stop"() : () -> ()
          } else {
          }
          %ne3A_263 = arith.cmpi ne, %add3A_186, %add3A_196 : i32
          %ne3A_264 = arith.cmpi ne, %arg0, %arg0 : i32
          %or3A_265 = arith.constant false
          %or3A_266 = arith.ori %or3A_265, %ne3A_263 : i1
          %or3A_267 = arith.ori %or3A_266, %ne3A_264 : i1
          %or3A_268 = arith.ori %or3A_267, %eq3A_182 : i1
          %convert_element_type3A_269 = arith.extui %or3A_268 : i1 to i32
          %cond3A_270 = arith.constant 0 : i32
          %cond3A_271 = arith.cmpi ne, %convert_element_type3A_269, %cond3A_270 : i32
          scf.if %cond3A_271 {
            "tpu.trace_start"() <{level = 10 : i32, message = "ep_wait_in"}> : () -> ()
            %mul3A_357 = arith.constant 128 : i32
            %mul3A_358 = arith.muli %mul3A_357, %add3A_186 : i32
            %mul3A_359 = arith.constant 128 : i32
            %mul3A_360 = arith.muli %mul3A_359, %arg0 : i32
            %rem3A_361 = arith.constant 2 : i32
            %rem3A_362 = arith.remui %while3A_177, %rem3A_361 : i32
            %dma_wait3A = arith.constant 0 : i32
            %dma_wait3A_363 = arith.constant 0 : i32
            %dma_wait3A_364 = tpu.memref_slice %run_scoped3A_21[%rem3A_362, %dma_wait3A, %dma_wait3A_363] : memref<2x128x128xf32, #tpu.memory_space<vmem>> -> memref<1x128x128xf32, #tpu.memory_space<vmem>>
            %dma_wait3A_365 = tpu.memref_squeeze %dma_wait3A_364 : memref<1x128x128xf32, #tpu.memory_space<vmem>> -> memref<128x128xf32, #tpu.memory_space<vmem>>
            %dma_wait3A_366 = tpu.memref_slice %arg2[%mul3A_358, %mul3A_360] : memref<160000x256xf32, #tpu.memory_space<hbm>> -> memref<128x128xf32, #tpu.memory_space<hbm>>
            %dma_wait3A_367 = tpu.memref_slice %run_scoped3A_22[%rem3A_362] : memref<2x!tpu.dma_semaphore, #tpu.memory_space<semaphore_mem>> -> memref<1x!tpu.dma_semaphore, #tpu.memory_space<semaphore_mem>>
            %dma_wait3A_368 = tpu.memref_squeeze %dma_wait3A_367 : memref<1x!tpu.dma_semaphore, #tpu.memory_space<semaphore_mem>> -> memref<!tpu.dma_semaphore, #tpu.memory_space<semaphore_mem>>
            %dma_wait3A_369 = arith.constant 0 : i32
            %dma_wait3A_370 = arith.constant 0 : i32
            %dma_wait3A_371 = tpu.memref_slice %run_scoped3A_21[%rem3A_362, %dma_wait3A_369, %dma_wait3A_370] : memref<2x128x128xf32, #tpu.memory_space<vmem>> -> memref<1x128x128xf32, #tpu.memory_space<vmem>>
            %dma_wait3A_372 = tpu.memref_squeeze %dma_wait3A_371 : memref<1x128x128xf32, #tpu.memory_space<vmem>> -> memref<128x128xf32, #tpu.memory_space<vmem>>
            %dma_wait3A_373 = tpu.memref_slice %arg2[%mul3A_358, %mul3A_360] : memref<160000x256xf32, #tpu.memory_space<hbm>> -> memref<128x128xf32, #tpu.memory_space<hbm>>
            tpu.wait_dma2 semaphore(%dma_wait3A_368 : memref<!tpu.dma_semaphore, #tpu.memory_space<semaphore_mem>>) src(%dma_wait3A_373 : memref<128x128xf32, #tpu.memory_space<hbm>>) dst(%dma_wait3A_372 : memref<128x128xf32, #tpu.memory_space<vmem>>)
            "tpu.trace_stop"() : () -> ()
          } else {
          }
          %rem3A_272 = arith.constant 2 : i32
          %rem3A_273 = arith.remui %while3A_175, %rem3A_272 : i32
          %rem3A_274 = arith.constant 2 : i32
          %rem3A_275 = arith.remui %while3A_177, %rem3A_274 : i32
          %run_scoped3A_276 = arith.constant 0 : i32
          %run_scoped3A_277 = arith.constant 0 : i32
          "tpu.trace_start"() <{level = 10 : i32, message = "ep_run_kernel"}> : () -> ()
          "tpu.region"() ({
            %run_scoped3A_357 = tpu.sem_alloc : memref<!tpu.dma_semaphore, #tpu.memory_space<semaphore_mem>>
            %dma_start3A_358 = arith.constant 0 : i32
            %dma_start3A_359 = arith.constant 0 : i32
            %dma_start3A_360 = tpu.memref_slice %run_scoped3A_21[%rem3A_275, %dma_start3A_358, %dma_start3A_359] : memref<2x128x128xf32, #tpu.memory_space<vmem>> -> memref<1x128x128xf32, #tpu.memory_space<vmem>>
            %dma_start3A_361 = tpu.memref_squeeze %dma_start3A_360 : memref<1x128x128xf32, #tpu.memory_space<vmem>> -> memref<128x128xf32, #tpu.memory_space<vmem>>
            %dma_start3A_362 = arith.constant 0 : i32
            %dma_start3A_363 = arith.constant 0 : i32
            %dma_start3A_364 = arith.constant 0 : i32
            %dma_start3A_365 = tpu.memref_slice %run_scoped3A[%rem3A_273, %dma_start3A_362, %dma_start3A_363, %dma_start3A_364] : memref<2x1x1x128xi32, #tpu.memory_space<vmem>> -> memref<1x1x1x128xi32, #tpu.memory_space<vmem>>
            %dma_start3A_366 = tpu.memref_squeeze %dma_start3A_365 : memref<1x1x1x128xi32, #tpu.memory_space<vmem>> -> memref<1x1x128xi32, #tpu.memory_space<vmem>>
            %dma_start3A_367 = arith.constant 0 : i32
            %dma_start3A_368 = tpu.memref_slice %dma_start3A_366[%run_scoped3A_276, %run_scoped3A_277, %dma_start3A_367] : memref<1x1x128xi32, #tpu.memory_space<vmem>> -> memref<1x1x128xi32, #tpu.memory_space<vmem>>
            %dma_start3A_369 = tpu.memref_squeeze %dma_start3A_368 : memref<1x1x128xi32, #tpu.memory_space<vmem>> -> memref<128xi32, #tpu.memory_space<vmem>>
            %dma_start3A_370 = arith.constant 0 : i32
            %dma_start3A_371 = arith.constant 0 : i32
            %dma_start3A_372 = tpu.memref_slice %arg6[%dma_start3A_370, %dma_start3A_371] : memref<10000x128xf32, #tpu.memory_space<vmem_shared>> -> memref<10000x128xf32, #tpu.memory_space<vmem_shared>>
            tpu.enqueue_indirect_dma source(%dma_start3A_361 : memref<128x128xf32, #tpu.memory_space<vmem>>) target(%dma_start3A_372 : memref<10000x128xf32, #tpu.memory_space<vmem_shared>>) offsets(%dma_start3A_369 : memref<128xi32, #tpu.memory_space<vmem>>) semaphore(%run_scoped3A_357 : memref<!tpu.dma_semaphore, #tpu.memory_space<semaphore_mem>>) {add = true}
            %dma_wait3A = arith.constant 0 : i32
            %dma_wait3A_373 = arith.constant 0 : i32
            %dma_wait3A_374 = tpu.memref_slice %run_scoped3A_21[%rem3A_275, %dma_wait3A, %dma_wait3A_373] : memref<2x128x128xf32, #tpu.memory_space<vmem>> -> memref<1x128x128xf32, #tpu.memory_space<vmem>>
            %dma_wait3A_375 = tpu.memref_squeeze %dma_wait3A_374 : memref<1x128x128xf32, #tpu.memory_space<vmem>> -> memref<128x128xf32, #tpu.memory_space<vmem>>
            %dma_wait3A_376 = arith.constant 0 : i32
            %dma_wait3A_377 = arith.constant 0 : i32
            %dma_wait3A_378 = arith.constant 0 : i32
            %dma_wait3A_379 = tpu.memref_slice %run_scoped3A[%rem3A_273, %dma_wait3A_376, %dma_wait3A_377, %dma_wait3A_378] : memref<2x1x1x128xi32, #tpu.memory_space<vmem>> -> memref<1x1x1x128xi32, #tpu.memory_space<vmem>>
            %dma_wait3A_380 = tpu.memref_squeeze %dma_wait3A_379 : memref<1x1x1x128xi32, #tpu.memory_space<vmem>> -> memref<1x1x128xi32, #tpu.memory_space<vmem>>
            %dma_wait3A_381 = arith.constant 0 : i32
            %dma_wait3A_382 = tpu.memref_slice %dma_wait3A_380[%run_scoped3A_276, %run_scoped3A_277, %dma_wait3A_381] : memref<1x1x128xi32, #tpu.memory_space<vmem>> -> memref<1x1x128xi32, #tpu.memory_space<vmem>>
            %dma_wait3A_383 = tpu.memref_squeeze %dma_wait3A_382 : memref<1x1x128xi32, #tpu.memory_space<vmem>> -> memref<128xi32, #tpu.memory_space<vmem>>
            %dma_wait3A_384 = arith.constant 0 : i32
            %dma_wait3A_385 = arith.constant 0 : i32
            %dma_wait3A_386 = tpu.memref_slice %arg6[%dma_wait3A_384, %dma_wait3A_385] : memref<10000x128xf32, #tpu.memory_space<vmem_shared>> -> memref<10000x128xf32, #tpu.memory_space<vmem_shared>>
            tpu.wait_indirect_dma semaphore(%run_scoped3A_357 : memref<!tpu.dma_semaphore, #tpu.memory_space<semaphore_mem>>) src(%dma_wait3A_375 : memref<128x128xf32, #tpu.memory_space<vmem>>) dst(%dma_wait3A_386 : memref<10000x128xf32, #tpu.memory_space<vmem_shared>>)
            tpu.yield
          }) : () -> ()
          "tpu.trace_stop"() : () -> ()
          %ne3A_278 = arith.cmpi ne, %add3A_186, %add3A_204 : i32
          %or3A_279 = arith.constant false
          %or3A_280 = arith.ori %or3A_279, %ne3A_278 : i1
          %or3A_281 = arith.constant false
          %or3A_282 = arith.ori %or3A_280, %or3A_281 : i1
          %or3A_283 = arith.constant false
          %or3A_284 = arith.ori %or3A_282, %or3A_283 : i1
          %or3A_285 = arith.ori %or3A_284, %eq3A_185 : i1
          %convert_element_type3A_286 = arith.extui %or3A_285 : i1 to i32
          %cond3A_287 = arith.constant 0 : i32
          %cond3A_288 = arith.cmpi ne, %convert_element_type3A_286, %cond3A_287 : i32
          scf.if %cond3A_288 {
          } else {
          }
          %and3A_289 = arith.constant false
          %and3A_290 = arith.andi %or3A_285, %and3A_289 : i1
          %ne3A_291 = arith.cmpi ne, %add3A_186, %add3A_204 : i32
          %ne3A_292 = arith.cmpi ne, %arg0, %arg0 : i32
          %or3A_293 = arith.constant false
          %or3A_294 = arith.ori %or3A_293, %ne3A_291 : i1
          %or3A_295 = arith.ori %or3A_294, %ne3A_292 : i1
          %or3A_296 = arith.ori %or3A_295, %eq3A_185 : i1
          %convert_element_type3A_297 = arith.extui %or3A_296 : i1 to i32
          %cond3A_298 = arith.constant 0 : i32
          %cond3A_299 = arith.cmpi ne, %convert_element_type3A_297, %cond3A_298 : i32
          scf.if %cond3A_299 {
          } else {
          }
          %and3A_300 = arith.constant false
          %and3A_301 = arith.andi %or3A_296, %and3A_300 : i1
          %ne3A_302 = arith.cmpi ne, %add3A_186, %add3A_196 : i32
          %or3A_303 = arith.constant false
          %or3A_304 = arith.ori %or3A_303, %ne3A_302 : i1
          %or3A_305 = arith.constant false
          %or3A_306 = arith.ori %or3A_304, %or3A_305 : i1
          %or3A_307 = arith.constant false
          %or3A_308 = arith.ori %or3A_306, %or3A_307 : i1
          %not3A_309 = arith.constant true
          %not3A_310 = arith.xori %eq3A_182, %not3A_309 : i1
          %and3A_311 = arith.andi %or3A_308, %not3A_310 : i1
          %convert_element_type3A_312 = arith.extui %and3A_311 : i1 to i32
          %cond3A_313 = arith.constant 0 : i32
          %cond3A_314 = arith.cmpi ne, %convert_element_type3A_312, %cond3A_313 : i32
          scf.if %cond3A_314 {
          } else {
          }
          %and3A_315 = arith.constant false
          %and3A_316 = arith.andi %and3A_311, %and3A_315 : i1
          %ne3A_317 = arith.cmpi ne, %add3A_186, %add3A_196 : i32
          %ne3A_318 = arith.cmpi ne, %arg0, %arg0 : i32
          %or3A_319 = arith.constant false
          %or3A_320 = arith.ori %or3A_319, %ne3A_317 : i1
          %or3A_321 = arith.ori %or3A_320, %ne3A_318 : i1
          %not3A_322 = arith.constant true
          %not3A_323 = arith.xori %eq3A_182, %not3A_322 : i1
          %and3A_324 = arith.andi %or3A_321, %not3A_323 : i1
          %convert_element_type3A_325 = arith.extui %and3A_324 : i1 to i32
          %cond3A_326 = arith.constant 0 : i32
          %cond3A_327 = arith.cmpi ne, %convert_element_type3A_325, %cond3A_326 : i32
          scf.if %cond3A_327 {
          } else {
          }
          %and3A_328 = arith.constant false
          %and3A_329 = arith.andi %and3A_324, %and3A_328 : i1
          %ne3A_330 = arith.cmpi ne, %add3A_186, %add3A_204 : i32
          %or3A_331 = arith.constant false
          %or3A_332 = arith.ori %or3A_331, %ne3A_330 : i1
          %or3A_333 = arith.constant false
          %or3A_334 = arith.ori %or3A_332, %or3A_333 : i1
          %or3A_335 = arith.constant false
          %or3A_336 = arith.ori %or3A_334, %or3A_335 : i1
          %or3A_337 = arith.ori %or3A_336, %eq3A_185 : i1
          %add3A_338 = arith.constant 1 : i32
          %add3A_339 = arith.addi %while3A_175, %add3A_338 : i32
          %select_n3A_340 = arith.select %or3A_337, %add3A_339, %while3A_175 : i32
          %ne3A_341 = arith.cmpi ne, %add3A_186, %add3A_204 : i32
          %ne3A_342 = arith.cmpi ne, %arg0, %arg0 : i32
          %or3A_343 = arith.constant false
          %or3A_344 = arith.ori %or3A_343, %ne3A_341 : i1
          %or3A_345 = arith.ori %or3A_344, %ne3A_342 : i1
          %or3A_346 = arith.ori %or3A_345, %eq3A_185 : i1
          %add3A_347 = arith.constant 1 : i32
          %add3A_348 = arith.addi %while3A_177, %add3A_347 : i32
          %select_n3A_349 = arith.select %or3A_346, %add3A_348, %while3A_177 : i32
          %add3A_350 = arith.constant 1 : i32
          %add3A_351 = arith.addi %while3A_178, %add3A_350 : i32
          %select_n3A_352 = arith.constant true
          %select_n3A_353 = arith.select %select_n3A_352, %add3A_351, %while3A_178 : i32
          %eq3A_354 = arith.cmpi eq, %select_n3A_353, %select_n3A : i32
          %select_n3A_355 = arith.constant 0 : i32
          %select_n3A_356 = arith.select %eq3A_354, %select_n3A_355, %select_n3A_353 : i32
          scf.yield %select_n3A_230, %select_n3A_340, %select_n3A_251, %select_n3A_349, %select_n3A_356 : i32, i32, i32, i32, i32
        }
        %sub3A_122 = arith.constant 1 : i32
        %sub3A_123 = arith.subi %while3A_121#4, %sub3A_122 : i32
        %select_n3A_124 = arith.constant true
        %select_n3A_125 = arith.select %select_n3A_124, %sub3A_123, %while3A_121#4 : i32
        %eq3A_126 = arith.constant -1 : i32
        %eq3A_127 = arith.cmpi eq, %select_n3A_125, %eq3A_126 : i32
        %sub3A_128 = arith.constant 1 : i32
        %sub3A_129 = arith.subi %select_n3A, %sub3A_128 : i32
        %select_n3A_130 = arith.select %eq3A_127, %sub3A_129, %select_n3A_125 : i32
        %sub3A_131 = arith.constant 1 : i32
        %sub3A_132 = arith.subi %mul3A_13, %sub3A_131 : i32
        %mul3A_133 = arith.constant 1 : i32
        %mul3A_134 = arith.muli %mul3A_133, %select_n3A : i32
        %eq3A_135 = arith.constant 0 : i32
        %eq3A_136 = arith.cmpi eq, %sub3A_132, %eq3A_135 : i32
        %sub3A_137 = arith.constant 1 : i32
        %sub3A_138 = arith.subi %mul3A_134, %sub3A_137 : i32
        %eq3A_139 = arith.cmpi eq, %sub3A_132, %sub3A_138 : i32
        %add3A_140 = arith.addi %select_n3A_130, %select_n3A_11 : i32
        %sub3A_141 = arith.constant 1 : i32
        %sub3A_142 = arith.subi %select_n3A_130, %sub3A_141 : i32
        %select_n3A_143 = arith.constant true
        %select_n3A_144 = arith.select %select_n3A_143, %sub3A_142, %select_n3A_130 : i32
        %eq3A_145 = arith.constant -1 : i32
        %eq3A_146 = arith.cmpi eq, %select_n3A_144, %eq3A_145 : i32
        %sub3A_147 = arith.constant 1 : i32
        %sub3A_148 = arith.subi %select_n3A, %sub3A_147 : i32
        %select_n3A_149 = arith.select %eq3A_146, %sub3A_148, %select_n3A_144 : i32
        %add3A_150 = arith.addi %select_n3A_149, %select_n3A_11 : i32
        %add3A_151 = arith.constant 1 : i32
        %add3A_152 = arith.addi %select_n3A_130, %add3A_151 : i32
        %select_n3A_153 = arith.constant true
        %select_n3A_154 = arith.select %select_n3A_153, %add3A_152, %select_n3A_130 : i32
        %eq3A_155 = arith.cmpi eq, %select_n3A_154, %select_n3A : i32
        %select_n3A_156 = arith.constant 0 : i32
        %select_n3A_157 = arith.select %eq3A_155, %select_n3A_156, %select_n3A_154 : i32
        %add3A_158 = arith.addi %select_n3A_157, %select_n3A_11 : i32
        %add3A_159 = arith.constant 1 : i32
        %add3A_160 = arith.addi %select_n3A_157, %add3A_159 : i32
        %select_n3A_161 = arith.constant true
        %select_n3A_162 = arith.select %select_n3A_161, %add3A_160, %select_n3A_157 : i32
        %eq3A_163 = arith.cmpi eq, %select_n3A_162, %select_n3A : i32
        %select_n3A_164 = arith.constant 0 : i32
        %select_n3A_165 = arith.select %eq3A_163, %select_n3A_164, %select_n3A_162 : i32
        %add3A_166 = arith.addi %select_n3A_165, %select_n3A_11 : i32
        %convert_element_type3A_167 = arith.extui %eq3A_139 : i1 to i32
        %cond3A_168 = arith.constant 0 : i32
        %cond3A_169 = arith.cmpi ne, %convert_element_type3A_167, %cond3A_168 : i32
        scf.if %cond3A_169 {
        } else {
        }
        %convert_element_type3A_170 = arith.extui %eq3A_139 : i1 to i32
        %cond3A_171 = arith.constant 0 : i32
        %cond3A_172 = arith.cmpi ne, %convert_element_type3A_170, %cond3A_171 : i32
        scf.if %cond3A_172 {
        } else {
        }
      } else {
      }
      tpu.yield
    }) : () -> ()
    %barrier3A_14 = arith.constant 0 : index
    tpu.barrier barrier_id(%barrier3A_14)
    %scan3A_15 = arith.constant 0 : i32
    %scan3A_16 = arith.constant 4 : i32
    %scan3A_17 = arith.addi %scan3A_15, %scan3A_16 : i32
    %scan3A_18 = arith.constant 1 : i32
    scf.for %scan3A_20 = %scan3A_15 to %scan3A_17 step %scan3A_18  : i32 {
      %mul3A_21 = arith.constant 1 : i32
      %mul3A_22 = arith.muli %scan3A_20, %mul3A_21 : i32
      %add3A_23 = arith.constant 0 : i32
      %add3A_24 = arith.addi %add3A_23, %mul3A_22 : i32
      %mul3A_25 = arith.constant 16 : i32
      %mul3A_26 = arith.muli %add3A_24, %mul3A_25 : i32
      %add3A_27 = arith.addi %mul3A_26, %arg1 : i32
      %lt3A_28 = arith.constant 50 : i32
      %lt3A_29 = arith.cmpi slt, %add3A_27, %lt3A_28 : i32
      %convert_element_type3A = arith.extui %lt3A_29 : i1 to i32
      %cond3A = arith.constant 0 : i32
      %cond3A_30 = arith.cmpi ne, %convert_element_type3A, %cond3A : i32
      scf.if %cond3A_30 {
        %mul3A_31 = arith.constant 200 : i32
        %mul3A_32 = arith.muli %add3A_27, %mul3A_31 : i32
        %mul3A_33 = arith.constant 128 : i32
        %mul3A_34 = arith.muli %arg0, %mul3A_33 : i32
        "tpu.region"() ({
          %run_scoped3A = tpu.sem_alloc : memref<!tpu.dma_semaphore, #tpu.memory_space<semaphore_mem>>
          %dma_start3A = tpu.memref_slice %arg5[%mul3A_32, %mul3A_34] : memref<10000x256xf32, #tpu.memory_space<hbm>> -> memref<200x128xf32, #tpu.memory_space<hbm>>
          %dma_start3A_35 = arith.constant 0 : i32
          %dma_start3A_36 = tpu.memref_slice %arg6[%mul3A_32, %dma_start3A_35] : memref<10000x128xf32, #tpu.memory_space<vmem_shared>> -> memref<200x128xf32, #tpu.memory_space<vmem_shared>>
          tpu.enqueue_dma source(%dma_start3A_36 : memref<200x128xf32, #tpu.memory_space<vmem_shared>>) target(%dma_start3A : memref<200x128xf32, #tpu.memory_space<hbm>>) target_semaphore(%run_scoped3A : memref<!tpu.dma_semaphore, #tpu.memory_space<semaphore_mem>>)
          %dma_wait3A = tpu.memref_slice %arg5[%mul3A_32, %mul3A_34] : memref<10000x256xf32, #tpu.memory_space<hbm>> -> memref<200x128xf32, #tpu.memory_space<hbm>>
          %dma_wait3A_37 = arith.constant 0 : i32
          %dma_wait3A_38 = tpu.memref_slice %arg6[%mul3A_32, %dma_wait3A_37] : memref<10000x128xf32, #tpu.memory_space<vmem_shared>> -> memref<200x128xf32, #tpu.memory_space<vmem_shared>>
          tpu.wait_dma2 semaphore(%run_scoped3A : memref<!tpu.dma_semaphore, #tpu.memory_space<semaphore_mem>>) src(%dma_wait3A_38 : memref<200x128xf32, #tpu.memory_space<vmem_shared>>) dst(%dma_wait3A : memref<200x128xf32, #tpu.memory_space<hbm>>)
          tpu.yield
        }) : () -> ()
      } else {
      }
    }
    %scan3A_19 = arith.constant 4 : i32
    return
  }
}

module attributes {stable_mosaic.version = 14 : i64} {
  func.func @body(%arg0: i32, %arg1: memref<2000x256xf32, #tpu.memory_space<vmem>>, %arg2: memref<256x256xf32, #tpu.memory_space<vmem>>, %arg3: memref<256x256xf32, #tpu.memory_space<vmem>>, %arg4: memref<1x256xf32, #tpu.memory_space<vmem>>, %arg5: memref<1x256xf32, #tpu.memory_space<vmem>>, %arg6: memref<2000x128xi32, #tpu.memory_space<vmem>>, %arg7: memref<2000x256xf32, #tpu.memory_space<vmem>>) attributes {dimension_semantics = [#tpu.dimension_semantics<arbitrary>], iteration_bounds = array<i64: 5>, scalar_prefetch = 0 : i64, scratch_operands = 0 : i64, tpu.core_type = #tpu.core_type<tc>, window_params = [{transform_indices = @transform_0, window_bounds = array<i64: 2000, 256>}, {pipeline_mode = #tpu.pipeline_mode<synchronous>, transform_indices = @transform_1, window_bounds = array<i64: 256, 256>}, {pipeline_mode = #tpu.pipeline_mode<synchronous>, transform_indices = @transform_2, window_bounds = array<i64: 256, 256>}, {pipeline_mode = #tpu.pipeline_mode<synchronous>, transform_indices = @transform_3, window_bounds = array<i64: 1, 256>}, {pipeline_mode = #tpu.pipeline_mode<synchronous>, transform_indices = @transform_4, window_bounds = array<i64: 1, 256>}, {transform_indices = @transform_5, window_bounds = array<i64: 2000, 128>}, {transform_indices = @transform_6, window_bounds = array<i64: 2000, 256>}]} {
    %get3A = arith.constant 0 : index
    %get3A_0 = arith.constant 0 : index
    %get3A_1 = vector.load %arg1[%get3A, %get3A_0] : memref<2000x256xf32, #tpu.memory_space<vmem>>, vector<2000x256xf32>
    %get3A_2 = arith.constant 0 : index
    %get3A_3 = arith.constant 0 : index
    %get3A_4 = vector.load %arg2[%get3A_2, %get3A_3] : memref<256x256xf32, #tpu.memory_space<vmem>>, vector<256x256xf32>
    %dot_general3A = arith.constant dense<0.000000e+00> : vector<2000x256xf32>
    %dot_general3A_5 = tpu.matmul %get3A_1, %get3A_4, %dot_general3A {dimension_numbers = #tpu.dot_dimension_numbers<[1], [0], [0], [1], [0, 0, 1, 1], [], []>, transpose_lhs_hint = false} : vector<2000x256xf32>, vector<256x256xf32>, vector<2000x256xf32> -> vector<2000x256xf32>
    %get3A_6 = arith.constant 0 : index
    %get3A_7 = arith.constant 0 : index
    %get3A_8 = vector.load %arg4[%get3A_6, %get3A_7] : memref<1x256xf32, #tpu.memory_space<vmem>>, vector<1x256xf32>
    %add3A = vector.broadcast %get3A_8 : vector<1x256xf32> to vector<2000x256xf32>
    %add3A_9 = arith.addf %dot_general3A_5, %add3A : vector<2000x256xf32>
    %slice3A = vector.extract_strided_slice %add3A_9 {offsets = [0, 0], sizes = [2000, 128], strides = [1, 1]} : vector<2000x256xf32> to vector<2000x128xf32>
    %bitcast_convert_type3A = tpu.bitcast %slice3A : vector<2000x128xf32> -> vector<2000x128xi32>
    %add3A_10 = arith.constant 32767 : i32
    %add3A_11 = vector.broadcast %add3A_10 : i32 to vector<2000x128xi32>
    %add3A_12 = arith.addi %bitcast_convert_type3A, %add3A_11 : vector<2000x128xi32>
    %shift_right_logical3A = arith.constant 16 : i32
    %shift_right_logical3A_13 = vector.broadcast %shift_right_logical3A : i32 to vector<2000x128xi32>
    %shift_right_logical3A_14 = arith.shrui %bitcast_convert_type3A, %shift_right_logical3A_13 : vector<2000x128xi32>
    %and3A = arith.constant 1 : i32
    %and3A_15 = vector.broadcast %and3A : i32 to vector<2000x128xi32>
    %and3A_16 = arith.andi %shift_right_logical3A_14, %and3A_15 : vector<2000x128xi32>
    %add3A_17 = arith.addi %add3A_12, %and3A_16 : vector<2000x128xi32>
    %and3A_18 = arith.constant -65536 : i32
    %and3A_19 = vector.broadcast %and3A_18 : i32 to vector<2000x128xi32>
    %and3A_20 = arith.andi %add3A_17, %and3A_19 : vector<2000x128xi32>
    %shift_right_logical3A_21 = arith.constant 16 : i32
    %shift_right_logical3A_22 = vector.broadcast %shift_right_logical3A_21 : i32 to vector<2000x128xi32>
    %shift_right_logical3A_23 = arith.shrui %and3A_20, %shift_right_logical3A_22 : vector<2000x128xi32>
    %slice3A_24 = vector.extract_strided_slice %add3A_9 {offsets = [0, 128], sizes = [2000, 128], strides = [1, 1]} : vector<2000x256xf32> to vector<2000x128xf32>
    %bitcast_convert_type3A_25 = tpu.bitcast %slice3A_24 : vector<2000x128xf32> -> vector<2000x128xi32>
    %add3A_26 = arith.constant 32767 : i32
    %add3A_27 = vector.broadcast %add3A_26 : i32 to vector<2000x128xi32>
    %add3A_28 = arith.addi %bitcast_convert_type3A_25, %add3A_27 : vector<2000x128xi32>
    %shift_right_logical3A_29 = arith.constant 16 : i32
    %shift_right_logical3A_30 = vector.broadcast %shift_right_logical3A_29 : i32 to vector<2000x128xi32>
    %shift_right_logical3A_31 = arith.shrui %bitcast_convert_type3A_25, %shift_right_logical3A_30 : vector<2000x128xi32>
    %and3A_32 = arith.constant 1 : i32
    %and3A_33 = vector.broadcast %and3A_32 : i32 to vector<2000x128xi32>
    %and3A_34 = arith.andi %shift_right_logical3A_31, %and3A_33 : vector<2000x128xi32>
    %add3A_35 = arith.addi %add3A_28, %and3A_34 : vector<2000x128xi32>
    %and3A_36 = arith.constant -65536 : i32
    %and3A_37 = vector.broadcast %and3A_36 : i32 to vector<2000x128xi32>
    %and3A_38 = arith.andi %add3A_35, %and3A_37 : vector<2000x128xi32>
    %or3A = arith.ori %shift_right_logical3A_23, %and3A_38 : vector<2000x128xi32>
    %swap3A = arith.constant 0 : index
    %swap3A_39 = arith.constant 0 : index
    %swap3A_40 = vector.load %arg6[%swap3A, %swap3A_39] : memref<2000x128xi32, #tpu.memory_space<vmem>>, vector<2000x128xi32>
    tpu.vector_store %arg6[%swap3A, %swap3A_39], %or3A {strides = array<i32>} : memref<2000x128xi32, #tpu.memory_space<vmem>>, vector<2000x128xi32>,
    %get3A_41 = arith.constant 0 : index
    %get3A_42 = arith.constant 0 : index
    %get3A_43 = vector.load %arg3[%get3A_41, %get3A_42] : memref<256x256xf32, #tpu.memory_space<vmem>>, vector<256x256xf32>
    %dot_general3A_44 = arith.constant dense<0.000000e+00> : vector<2000x256xf32>
    %dot_general3A_45 = tpu.matmul %get3A_1, %get3A_43, %dot_general3A_44 {dimension_numbers = #tpu.dot_dimension_numbers<[1], [0], [0], [1], [0, 0, 1, 1], [], []>, transpose_lhs_hint = false} : vector<2000x256xf32>, vector<256x256xf32>, vector<2000x256xf32> -> vector<2000x256xf32>
    %get3A_46 = arith.constant 0 : index
    %get3A_47 = arith.constant 0 : index
    %get3A_48 = vector.load %arg5[%get3A_46, %get3A_47] : memref<1x256xf32, #tpu.memory_space<vmem>>, vector<1x256xf32>
    %add3A_49 = vector.broadcast %get3A_48 : vector<1x256xf32> to vector<2000x256xf32>
    %add3A_50 = arith.addf %dot_general3A_45, %add3A_49 : vector<2000x256xf32>
    %max3A = arith.constant 0.000000e+00 : f32
    %max3A_51 = vector.broadcast %max3A : f32 to vector<2000x256xf32>
    %max3A_52 = arith.maximumf %add3A_50, %max3A_51 : vector<2000x256xf32>
    %swap3A_53 = arith.constant 0 : index
    %swap3A_54 = arith.constant 0 : index
    %swap3A_55 = vector.load %arg7[%swap3A_53, %swap3A_54] : memref<2000x256xf32, #tpu.memory_space<vmem>>, vector<2000x256xf32>
    tpu.vector_store %arg7[%swap3A_53, %swap3A_54], %max3A_52 {strides = array<i32>} : memref<2000x256xf32, #tpu.memory_space<vmem>>, vector<2000x256xf32>,
    return
  }
  func.func @transform_0(%arg0: i32) -> (i32, i32) {
    %c0_i32 = arith.constant 0 : i32
    %c0_i32_0 = arith.constant 0 : i32
    return %arg0, %c0_i32 : i32, i32
  }
  func.func @transform_1(%arg0: i32) -> (i32, i32) {
    %c0_i32 = arith.constant 0 : i32
    %c0_i32_0 = arith.constant 0 : i32
    %c0_i32_1 = arith.constant 0 : i32
    return %c0_i32, %c0_i32_0 : i32, i32
  }
  func.func @transform_2(%arg0: i32) -> (i32, i32) {
    %c0_i32 = arith.constant 0 : i32
    %c0_i32_0 = arith.constant 0 : i32
    %c0_i32_1 = arith.constant 0 : i32
    return %c0_i32, %c0_i32_0 : i32, i32
  }
  func.func @transform_3(%arg0: i32) -> (i32, i32) {
    %c0_i32 = arith.constant 0 : i32
    %c0_i32_0 = arith.constant 0 : i32
    %c0_i32_1 = arith.constant 0 : i32
    return %c0_i32, %c0_i32_0 : i32, i32
  }
  func.func @transform_4(%arg0: i32) -> (i32, i32) {
    %c0_i32 = arith.constant 0 : i32
    %c0_i32_0 = arith.constant 0 : i32
    %c0_i32_1 = arith.constant 0 : i32
    return %c0_i32, %c0_i32_0 : i32, i32
  }
  func.func @transform_5(%arg0: i32) -> (i32, i32) {
    %c0_i32 = arith.constant 0 : i32
    %c0_i32_0 = arith.constant 0 : i32
    return %arg0, %c0_i32 : i32, i32
  }
  func.func @transform_6(%arg0: i32) -> (i32, i32) {
    %c0_i32 = arith.constant 0 : i32
    %c0_i32_0 = arith.constant 0 : i32
    return %arg0, %c0_i32 : i32, i32
  }
}

module attributes {stable_mosaic.version = 14 : i64} {
  func.func @body(%arg0: i32, %arg1: memref<2000x256xf32, #tpu.memory_space<vmem>>, %arg2: memref<256x256xf32, #tpu.memory_space<vmem>>, %arg3: memref<2000x128xi32, #tpu.memory_space<vmem>>, %arg4: memref<2000x256xf32, #tpu.memory_space<vmem>>) attributes {dimension_semantics = [#tpu.dimension_semantics<arbitrary>], iteration_bounds = array<i64: 80>, scalar_prefetch = 0 : i64, scratch_operands = 0 : i64, tpu.core_type = #tpu.core_type<tc>, window_params = [{transform_indices = @transform_0, window_bounds = array<i64: 2000, 256>}, {pipeline_mode = #tpu.pipeline_mode<synchronous>, transform_indices = @transform_1, window_bounds = array<i64: 256, 256>}, {transform_indices = @transform_2, window_bounds = array<i64: 2000, 128>}, {transform_indices = @transform_3, window_bounds = array<i64: 2000, 256>}]} {
    %get3A = arith.constant 0 : index
    %get3A_0 = arith.constant 0 : index
    %get3A_1 = vector.load %arg1[%get3A, %get3A_0] : memref<2000x256xf32, #tpu.memory_space<vmem>>, vector<2000x256xf32>
    %get3A_2 = arith.constant 0 : index
    %get3A_3 = arith.constant 0 : index
    %get3A_4 = vector.load %arg2[%get3A_2, %get3A_3] : memref<256x256xf32, #tpu.memory_space<vmem>>, vector<256x256xf32>
    %dot_general3A = arith.constant dense<0.000000e+00> : vector<2000x256xf32>
    %dot_general3A_5 = tpu.matmul %get3A_1, %get3A_4, %dot_general3A {dimension_numbers = #tpu.dot_dimension_numbers<[1], [0], [0], [1], [0, 0, 1, 1], [], []>, transpose_lhs_hint = false} : vector<2000x256xf32>, vector<256x256xf32>, vector<2000x256xf32> -> vector<2000x256xf32>
    %get3A_6 = arith.constant 0 : index
    %get3A_7 = arith.constant 0 : index
    %get3A_8 = vector.load %arg3[%get3A_6, %get3A_7] : memref<2000x128xi32, #tpu.memory_space<vmem>>, vector<2000x128xi32>
    %shift_left3A = arith.constant 16 : i32
    %shift_left3A_9 = vector.broadcast %shift_left3A : i32 to vector<2000x128xi32>
    %shift_left3A_10 = arith.shli %get3A_8, %shift_left3A_9 : vector<2000x128xi32>
    %bitcast_convert_type3A = tpu.bitcast %shift_left3A_10 : vector<2000x128xi32> -> vector<2000x128xf32>
    %and3A = arith.constant -65536 : i32
    %and3A_11 = vector.broadcast %and3A : i32 to vector<2000x128xi32>
    %and3A_12 = arith.andi %get3A_8, %and3A_11 : vector<2000x128xi32>
    %bitcast_convert_type3A_13 = tpu.bitcast %and3A_12 : vector<2000x128xi32> -> vector<2000x128xf32>
    %slice3A = vector.extract_strided_slice %dot_general3A_5 {offsets = [0, 0], sizes = [2000, 128], strides = [1, 1]} : vector<2000x256xf32> to vector<2000x128xf32>
    %add3A = arith.addf %slice3A, %bitcast_convert_type3A : vector<2000x128xf32>
    %max3A = arith.constant 0.000000e+00 : f32
    %max3A_14 = vector.broadcast %max3A : f32 to vector<2000x128xf32>
    %max3A_15 = arith.maximumf %add3A, %max3A_14 : vector<2000x128xf32>
    %swap3A = arith.constant 0 : index
    %swap3A_16 = arith.constant 0 : index
    %swap3A_17 = vector.load %arg4[%swap3A, %swap3A_16] : memref<2000x256xf32, #tpu.memory_space<vmem>>, vector<2000x128xf32>
    tpu.vector_store %arg4[%swap3A, %swap3A_16], %max3A_15 {strides = array<i32>} : memref<2000x256xf32, #tpu.memory_space<vmem>>, vector<2000x128xf32>,
    %slice3A_18 = vector.extract_strided_slice %dot_general3A_5 {offsets = [0, 128], sizes = [2000, 128], strides = [1, 1]} : vector<2000x256xf32> to vector<2000x128xf32>
    %add3A_19 = arith.addf %slice3A_18, %bitcast_convert_type3A_13 : vector<2000x128xf32>
    %max3A_20 = arith.constant 0.000000e+00 : f32
    %max3A_21 = vector.broadcast %max3A_20 : f32 to vector<2000x128xf32>
    %max3A_22 = arith.maximumf %add3A_19, %max3A_21 : vector<2000x128xf32>
    %swap3A_23 = arith.constant 0 : index
    %swap3A_24 = arith.constant 128 : index
    %swap3A_25 = vector.load %arg4[%swap3A_23, %swap3A_24] : memref<2000x256xf32, #tpu.memory_space<vmem>>, vector<2000x128xf32>
    tpu.vector_store %arg4[%swap3A_23, %swap3A_24], %max3A_22 {strides = array<i32>} : memref<2000x256xf32, #tpu.memory_space<vmem>>, vector<2000x128xf32>,
    return
  }
  func.func @transform_0(%arg0: i32) -> (i32, i32) {
    %c0_i32 = arith.constant 0 : i32
    %c0_i32_0 = arith.constant 0 : i32
    return %arg0, %c0_i32 : i32, i32
  }
  func.func @transform_1(%arg0: i32) -> (i32, i32) {
    %c0_i32 = arith.constant 0 : i32
    %c0_i32_0 = arith.constant 0 : i32
    %c0_i32_1 = arith.constant 0 : i32
    return %c0_i32, %c0_i32_0 : i32, i32
  }
  func.func @transform_2(%arg0: i32) -> (i32, i32) {
    %c0_i32 = arith.constant 0 : i32
    %c0_i32_0 = arith.constant 0 : i32
    return %arg0, %c0_i32 : i32, i32
  }
  func.func @transform_3(%arg0: i32) -> (i32, i32) {
    %c0_i32 = arith.constant 0 : i32
    %c0_i32_0 = arith.constant 0 : i32
    return %arg0, %c0_i32 : i32, i32
  }
}

</mosaic_0001>

<sc_bundles>
// kernel: kernel.6.cloned.1.call-start
scs
__scs_entry_jumppad:
0x0: {  	(pc) =	sbr.rel $0x88, $3  }
0x1: {  	(tag) =	ssettag $0x0;
	lr =	simm.s32 $0x1  }
0x2: {  	[smem:$0x3F9B] =	sst lr;
	_ =	strace $0xD0000000  }
0x3: {  	_ = 	snop  }
0x4: {  	_ = 	snop  }
0x5: {  	_ = 	snop  }
0x6: {  	_ = 	snop  }
0x7: {  	_ = 	snop  }
__scs_overlays_trampoline_lowered:
0x8: {  	[smem:$0x3FAA] =	sst s0  }
0x9: {  	[smem:$0x3FAB] =	sst s1  }
0xa: {  	[smem:$0x3FAC] =	sst s2  }
0xb: {  	[smem:$0x3FAD] =	sst s3  }
0xc: {  	[smem:$0x3FAE] =	sst s4  }
0xd: {  	[smem:$0x3FAF] =	sst s5  }
0xe: {  	[smem:$0x3FB0] =	sst s6  }
0xf: {  	[smem:$0x3FB1] =	sst s7  }
0x10: {  	[smem:$0x3FB2] =	sst s8  }
0x11: {  	[smem:$0x3FB3] =	sst s9;
	s0 =	simm.s32 @!p0 $0x0  }
0x12: {  	s1 =	sld [smem:$0x3F99];
	s0 =	simm.s32 @p0 $0x1  }
0x13: {  	[smem:$0x3FB4] =	sst s0;
	s0 =	simm.s32 @!p1 $0x0  }
0x14: {  	s2 =	sld [smem:$0x3F98];
	s0 =	simm.s32 @p1 $0x1  }
0x15: {  	[smem:$0x3FB5] =	sst s0;
	s0 =	simm.s32 @!p2 $0x0  }
0x16: {  	s3 =	sld [smem:$0x3FDB];
	s0 =	simm.s32 @p2 $0x1  }
0x17: {  	s4 =	simm.s32 $0x1BF5;
	[smem:$0x3FB7] =	sst s0  }
0x18: {  	s0 =	sld [smem:$0x3F9A];
	_ =	swait.ge [sflag:s4], $0x0  }
0x19: {  	s7 =	sld [smem:$0x3F9B]  }
0x1a: {  	s8 =	sadd.s32 $0xFFFFE003, lr  }
0x1b: {  	s9 =	sadd.s32 $0xFFFFFEF7, lr;
	s5 =	simm.s32 $0xFFFFFFFF;
	p2 =	slt.u32 s8, $0xFFFFF086  }
0x1c: {  	p1 =	slt.u32 s9, $0xF7A;
	s5 =	simm.s32 @!p2 $0x0  }
0x1d: {  	s5 =	simm.s32 @p1 $0x1;
	p0 =	seq.s32 s7, s2  }
0x1e: {  	s7 =	smul.u32 @!p0 $0xF7A, s2;
	p2 =	seq.s32 @!p0 s5, $0x0  }
0x1f: {  	s9 =	smul.u32 $0xF7A, s1;
	s8 =	simm.s32 @!p0 $0x1BF5;
	p2 =	por !p2, p0  }
0x20: {  	[sflag:s8] =	ssyncset.s32 @!p0 $0xFFFFF086;
	s6 =	sadd.s32 @!p0 s3, s7;
	s7 =	simm.s32 @!p0 $0x108  }
0x21: {  	s3 =	sadd.s32 s3, s9;
	s6 =	sadd.s32 @!p0 $0x88, s6;
	s7 =	simm.s32 @p2 $0x1082  }
0x22: {  	[simem:s7], [sflag:s8] =	dma.local @!p0 [hbm:s6], $0xF7A  }
0x23: {  	s9 =	sor.u32 $0xD0000000, s2;
	s6 =	simm.s32 $0x108;
	_ =	swait.ge @!p0 [sflag:s8], $0x0  }
0x24: {  	s3 =	sadd.s32 $0x88, s3;
	s6 =	simm.s32 @!p1 $0x1082;
	[sflag:s4] =	ssyncset.s32 $0xFFFFF086  }
0x25: {  	[simem:s6], [sflag:s4] =	dma.local [hbm:s3], $0xF7A  }
0x26: {  	[smem:$0x3F9B] =	sst s1;
	(tag) =	ssettag s2;
	_ =	strace s9  }
0x27: {  	s1 =	sld [smem:$0x3FAB]  }
0x28: {  	s2 =	sld [smem:$0x3FAC]  }
0x29: {  	s4 =	sld [smem:$0x3FAE]  }
0x2a: {  	p0 =	seq.s32 s5, $0x0;
	s5 =	sld [smem:$0x3FAF]  }
0x2b: {  	s6 =	sld [smem:$0x3FB0]  }
0x2c: {  	s7 =	sld [smem:$0x3FB1]  }
0x2d: {  	s3 =	simm.s32 $0x108;
	s8 =	sld [smem:$0x3FB2]  }
0x2e: {  	s3 =	simm.s32 @!p0 $0x1082;
	s9 =	sld [smem:$0x3FB3]  }
0x2f: {  	lr =	sadd.s32 s0, s3;
	s0 =	sld [smem:$0x3FAA]  }
0x30: {  	s3 =	sld [smem:$0x3FAD]  }
0x31: {  	[smem:$0x3FB6] =	sst s10  }
0x32: {  	s10 =	sld [smem:$0x3FB4];
	_ =	sdelay $0x3  }
0x33: {  	p0 =	seq.s32 s10, $0x1;
	s10 =	sld [smem:$0x3FB6];
	_ =	sdelay $0x3  }
0x34: {  	[smem:$0x3FB6] =	sst s10  }
0x35: {  	s10 =	sld [smem:$0x3FB5];
	_ =	sdelay $0x3  }
0x36: {  	p1 =	seq.s32 s10, $0x1;
	s10 =	sld [smem:$0x3FB6];
	_ =	sdelay $0x3  }
0x37: {  	[smem:$0x3FB6] =	sst s10  }
0x38: {  	s10 =	sld [smem:$0x3FB7]  }
0x39: {  	_ = 	snop;
	(pc) =	sbr.ind lr, $3  }
0x3a: {  	_ = 	snop  }
0x3b: {  	_ = 	snop  }
0x3c: {  	p2 =	seq.s32 s10, $0x1;
	s10 =	sld [smem:$0x3FB6]  }
0x3d: {  	_ =	shalt  }
0x3e: {  	_ =	shalt  }
0x3f: {  	_ =	shalt  }
0x40: {  	_ =	shalt  }
0x41: {  	_ =	shalt  }
0x42: {  	_ =	shalt  }
0x43: {  	_ =	shalt  }
0x44: {  	_ =	shalt  }
0x45: {  	_ =	shalt  }
0x46: {  	_ =	shalt  }
0x47: {  	_ =	shalt  }
0x48: {  	_ =	shalt  }
0x49: {  	_ =	shalt  }
0x4a: {  	_ =	shalt  }
0x4b: {  	_ =	shalt  }
0x4c: {  	_ =	shalt  }
0x4d: {  	_ =	shalt  }
0x4e: {  	_ =	shalt  }
0x4f: {  	_ =	shalt  }
0x50: {  	_ =	shalt  }
0x51: {  	_ =	shalt  }
0x52: {  	_ =	shalt  }
0x53: {  	_ =	shalt  }
0x54: {  	_ =	shalt  }
0x55: {  	_ =	shalt  }
0x56: {  	_ =	shalt  }
0x57: {  	_ =	shalt  }
0x58: {  	_ =	shalt  }
0x59: {  	_ =	shalt  }
0x5a: {  	_ =	shalt  }
0x5b: {  	_ =	shalt  }
0x5c: {  	_ =	shalt  }
0x5d: {  	_ =	shalt  }
0x5e: {  	_ =	shalt  }
0x5f: {  	_ =	shalt  }
0x60: {  	_ =	shalt  }
0x61: {  	_ =	shalt  }
0x62: {  	_ =	shalt  }
0x63: {  	_ =	shalt  }
0x64: {  	_ =	shalt  }
0x65: {  	_ =	shalt  }
0x66: {  	_ =	shalt  }
0x67: {  	_ =	shalt  }
0x68: {  	_ =	shalt  }
0x69: {  	_ =	shalt  }
0x6a: {  	_ =	shalt  }
0x6b: {  	_ =	shalt  }
0x6c: {  	_ =	shalt  }
0x6d: {  	_ =	shalt  }
0x6e: {  	_ =	shalt  }
0x6f: {  	_ =	shalt  }
0x70: {  	_ =	shalt  }
0x71: {  	_ =	shalt  }
0x72: {  	_ =	shalt  }
0x73: {  	_ =	shalt  }
0x74: {  	_ =	shalt  }
0x75: {  	_ =	shalt  }
0x76: {  	_ =	shalt  }
0x77: {  	_ =	shalt  }
0x78: {  	_ =	shalt  }
0x79: {  	_ =	shalt  }
0x7a: {  	_ =	shalt  }
0x7b: {  	_ =	shalt  }
0x7c: {  	_ =	shalt  }
0x7d: {  	_ =	shalt  }
0x7e: {  	_ =	shalt  }
0x7f: {  	_ =	shalt  }
0x80: {  	_ =	shalt  }
0x81: {  	_ =	shalt  }
0x82: {  	_ =	shalt  }
0x83: {  	_ =	shalt  }
0x84: {  	_ =	shalt  }
0x85: {  	_ =	shalt  }
0x86: {  	_ =	shalt  }
0x87: {  	_ =	shalt  }
.Lfunc_end0:
.L_simem_size_0:
called_computation_lowered:
.L_overlay_start_0:
0x88: {  	s2 =	sld [smem:$0x3FD9]  }
0x89: {  	s3 =	sld [smem:$0x3FFE];
	_ =	sdelay $0x1  }
0x8a: {  	s1 =	srdreg.scid  }
0x8b: {  	s0 =	sand.u32 $0x1, s1  }
0x8c: {  	s14 =	sshll.u32 s0, $0xA;
	s2 =	sadd.s32 s3, s2  }
0x8d: {  	s2 =	sadd.s32 s2, s14  }
0x8e: {  	[smem:$0x3FC2] =	sst s2  }
0x8f: {  	_ = 	snop  }
0x90: {  	s2 =	sld [smem:$0x3FD0];
	_ =	sdelay $0x2  }
0x91: {  	s4 =	simm.s32 $0xA;
	s5 =	simm.s32 $0x10;
	s15 =	sld [smem:$0x3FC9]  }
0x92: {  	[smem:s5], [sflag:s4] =	dma.local [hbm:s2], $0x1  }
0x93: {  	_ =	swait.eq [sflag:s4], $0x1  }
0x94: {  	[sflag:s4] =	ssyncset.done $0x0  }
0x95: {  	s16 =	sld [smem:$0x10];
	[sflag:s4] =	ssyncadd.s32 $0xFFFFFFFF  }
0x96: {  	s17 =	sld [smem:$0x11];
	(tm) =	ssettm $0x1  }
0x97: {  	s18 =	sld [smem:$0x3FFB];
	_ =	sdelay $0x3  }
0x98: {  	_ =	strace s18  }
0x99: {  	s5 =	sld [smem:$0x3FFC];
	_ =	sdelay $0x3  }
0x9a: {  	_ =	strace s5  }
0x9b: {  	s5 =	sld [smem:$0x3FFD];
	_ =	sdelay $0x3  }
0x9c: {  	_ =	strace s5  }
0x9d: {  	_ =	strace $0x8FFFFFFF  }
0x9e: {  	s19 =	sld [smem:$0x3FDB];
	_ =	sdelay $0x1  }
0x9f: {  	s6 =	simm.s32 $_scs_section_size  }
0xa0: {  	s7 =	simm.s32 $_size__tile_overlayer_lowered;
	s8 =	simm.s32 $_tile_overlayer_lowered  }
0xa1: {  	s22 =	simm.s32 $0x1BFF;
	s21 =	sshll.u32 s8, $0x1;
	s5 =	sadd.s32 s6, s19  }
0xa2: {  	s9 =	simm.s32 $0x0;
	s20 =	sshll.u32 s7, $0x1;
	s7 =	sadd.s32 s21, s5  }
0xa3: {  	[timem:s9], [sflag:s22] =	dma.local [hbm:s7], s20  }
0xa4: {  	_ =	swait.ge [sflag:s22], s20  }
0xa5: {  	s6 =	ssub.s32 $0x0, s20;
	[sflag:s22] =	ssyncset.done $0x0  }
0xa6: {  	[sflag:s22] =	ssyncadd.s32 s6;
	_ =	sdelay $0x1  }
0xa7: {  	s23 =	simm.s32 $0x1B8B  }
0xa8: {  	_ =	swait.ge [sflag:s23], $0x1  }
0xa9: {  	[sflag:s23] =	ssyncset.done $0x0  }
0xaa: {  	s25 =	simm.s32 $0x1B8E;
	s24 =	sld [smem:$0x3FFE];
	[sflag:s23] =	ssyncadd.s32 $0xFFFFFFFF  }
0xab: {  	s26 =	simm.s32 $execute0_lowered;
	[smem:$0x3FD2] =	sst s25  }
0xac: {  	s7 =	sshll.u32 s26, $0x1;
	_ =	strace $0x80000046;
	[dreg:$0x1] =	wrdreg $0xFFFFFFFF  }
0xad: {  	s28 =	simm.s32 $_size_execute0_lowered;
	s5 =	sadd.s32 s5, s7;
	[dreg:$0x0] =	wrdreg $0x0  }
0xae: {  	s7 =	sshll.u32 s28, $0x1;
	[dreg:$0x2] =	wrdreg s5  }
0xaf: {  	[dreg:$0x3] =	wrdreg s7  }
0xb0: {  	[dreg:$0x4] =	wrdreg $0xC0  }
0xb1: {  	_ =	task [dreg:s9], $0x5FFFF  }
0xb2: {  	[dreg:$0x1] =	wrdreg $0xFFFFFFFF  }
0xb3: {  	[dreg:$0x0] =	wrdreg $0x60  }
0xb4: {  	[dreg:$0x2] =	wrdreg s15  }
0xb5: {  	[dreg:$0x3] =	wrdreg s24  }
0xb6: {  	[dreg:$0x4] =	wrdreg s16  }
0xb7: {  	[dreg:$0x5] =	wrdreg s17  }
0xb8: {  	[dreg:$0x6] =	wrdreg $0x0  }
0xb9: {  	[dreg:$0x7] =	wrdreg $0x9  }
0xba: {  	_ =	task.clear_ibuf [dreg:s9], $0x8FFFF;
	_ =	strace $0x90000046  }
0xbb: {  	s29 =	simm.s32 $0x9;
	_ =	strace $0x8000004E  }
0xbc: {  	_ =	swait.ge [sflag:s29], $0x1  }
0xbd: {  	[sflag:s29] =	ssyncadd.s32 $0xFFFFFFFF  }
0xbe: {  	_ =	strace $0x9000004E  }
0xbf: {  	_ =	sfence  }
0xc0: {  	s30 =	sld [smem:$0x0];
	_ =	sdelay $0x2  }
0xc1: {  	s31 =	sshll.u32 s1, $0xD;
	s1 =	sshrl.u32 s1, $0x2  }
0xc2: {  	s3 =	sand.u32 $0x4000, s31;
	s1 =	sadd.s32 s1, s30  }
0xc3: {  	s0 =	sor.u32 s3, s0;
	s1 =	sshll.u32 s1, $0x11  }
0xc4: {  	s0 =	sor.u32 s1, s0  }
0xc5: {  	s0 =	sadd.s32 $0x8F2B, s0  }
0xc6: {  	[sflag:s0] =	ssyncadd.remote.s32 $0x1  }
0xc7: {  	_ =	sfence.sel $0xFFFF  }
0xc8: {  	[dreg:$0x0] =	wrdreg $0xFFFFFFFF;
	(pc) =	sbr.abs _section_cstart, $3  }
0xc9: {  	[dreg:$0x1] =	wrdreg $0xFFFFFFFF  }
0xca: {  	_ =	task.clear_ibuf [dreg:s9], $0x2FFFF;
	_ =	strace $0x9FFFFFFF  }
0xcb: {  	(tm) =	ssettm $0x7FFFFFFF  }
tec
execute0_lowered:
.L_overlay_start_1:
0x0: {  	(tag) =	ssettag $0x1  }
0x1: {  	s1 =	rddreg [dreg:$0x0];
	s19 =	stileid.u32  }
0x2: {  	s0 =	rddreg [dreg:$0x1];
	s7 =	smul.u32 $0x4E, s19  }
0x3: {  	s3 =	rddreg [dreg:$0x2];
	s9 =	smul.u32 $0x4F, s19  }
0x4: {  	s4 =	rddreg [dreg:$0x3];
	s20 =	smul.u32 $0x19000, s19  }
0x5: {  	s2 =	rddreg [dreg:$0x4];
	s28 =	simm.s32 $0x0;
	s12 =	smul.u32 $0xC80, s19  }
0x6: {  	s5 =	srdreg.scid;
	s13 =	sor.u32 $0x10, s19;
	s24 =	smul.u32 $0xC800, s19  }
0x7: {  	s6 =	simm.s32 $0x4F;
	s30 =	simm.s32 $0x0;
	s14 =	smul.u32 $0x19000, s13  }
0x8: {  	[smem:$0x7FF] =	sst s28;
	s16 =	sor.u32 $0x20, s19;
	s15 =	smul.u32 $0xC80, s13  }
0x9: {  	s8 =	sand.u32 $0x1, s5;
	s5 =	sadd.s32 $0x1A00, s0;
	s17 =	smul.u32 $0xC80, s16  }
0xa: {  	p0 =	slt.u32 s19, $0x2;
	_ =	strace $0x80000047;
	s26 =	smul.u32 $0xC800, s13  }
0xb: {  	s18 =	ssub.s32 $0x2, s8;
	s6 =	simm.s32 @!p0 $0x4E;
	s31 =	smul.u32 $0xC800, s16  }
0xc: {  	s8 =	sshll.u32 s8, $0xA;
	s16 =	smul.u32 $0x19000, s16;
	s10 =	sshrl.u32 s18, $0x1  }
0xd: {  	s7 =	sadd.s32 $0x2, s7;
	s12 =	sadd.s32 s3, s12;
	s0 =	ssub.s32 s18, s10  }
0xe: {  	s7 =	smov.u32 @p0 s9;
	s18 =	sor.u32 $0x30, s19;
	[dreg:$0x9] =	wrdreg s12  }
0xf: {  	s25 =	sadd.s32 s3, s15;
	s29 =	sadd.s32 s3, s17;
	s9 =	sshrl.u32 s20, $0x2  }
0x10: {  	s17 =	sor.u32 s8, s26;
	s20 =	sor.u32 s8, s31;
	s26 =	sshrl.u32 s14, $0x2  }
0x11: {  	s21 =	sshll.u32 s7, $0x4;
	s11 =	sshll.u32 s7, $0xF;
	[dreg:$0xa] =	wrdreg s25  }
0x12: {  	s23 =	smul.u32 $0xC80, s18;
	s0 =	smax.u32 s0, $0x1;
	[dreg:$0xb] =	wrdreg s29  }
0x13: {  	s15 =	smul.u32 $0xC800, s18;
	s12 =	sshrl.u32 s20, $0x3;
	p0 =	sgt.u32 s18, $0x31  }
0x14: {  	s25 =	sadd.s32 s9, s2;
	s29 =	sshrl.u32 s16, $0x2;
	s11 =	sor.u32 s8, s11  }
0x15: {  	s10 =	sadd.s32 s5, s21;
	[dreg:$0x8] =	wrdreg s0;
	s0 =	sor.u32 s8, s24  }
0x16: {  	s21 =	sadd.s32 s4, s12;
	s24 =	smul.u32 $0x19000, s18;
	[dreg:$0x11] =	wrdreg s25  }
0x17: {  	s11 =	sshrl.u32 s11, $0x3;
	[dreg:$0x6] =	wrdreg s10;
	s3 =	sadd.s32 s3, s23  }
0x18: {  	s0 =	sshrl.u32 s0, $0x3;
	[dreg:$0xf] =	wrdreg s21;
	s23 =	sshll.u32 s19, $0x6  }
0x19: {  	s22 =	sadd.s32 s1, s11;
	[dreg:$0xc] =	wrdreg s3;
	s0 =	sadd.s32 s4, s0  }
0x1a: {  	s3 =	sor.u32 s8, s15;
	[dreg:$0xd] =	wrdreg s0;
	s0 =	sshrl.u32 s17, $0x3  }
0x1b: {  	[dreg:$0x7] =	wrdreg s22;
	s3 =	sshrl.u32 s3, $0x3;
	s0 =	sadd.s32 s4, s0  }
0x1c: {  	s11 =	sadd.s32 $0xFFFFFFFF, s6;
	s22 =	sadd.s32 s4, s3;
	[dreg:$0xe] =	wrdreg s0  }
0x1d: {  	s3 =	sshrl.u32 s24, $0x2;
	[dreg:$0x10] =	wrdreg s22;
	s0 =	sadd.s32 s26, s2  }
0x1e: {  	s22 =	sor.u32 $0x1C01, s23;
	s31 =	sadd.s32 s3, s2;
	[dreg:$0x12] =	wrdreg s0  }
0x1f: {  	s26 =	simm.s32 $0x1;
	s0 =	sadd.s32 s29, s2;
	[dreg:$0x14] =	wrdreg s31  }
0x20: {  	s3 =	simm.s32 $0x5;
	[dreg:$0x13] =	wrdreg s0;
	s0 =	simm.s32 $0x80  }
.LBB2_1:
0x21: {  	s4 =	rddreg [dreg:$0x11]  }
0x22: {  	s17 =	rddreg [dreg:$0x9];
	s29 =	sshrl.u32 s4, $0x3  }
0x23: {  	[spmem:s29], [sflag:s22] =	dma.local [hbm:s17], $0xC80  }
0x24: {  	_ =	swait.ge [sflag:s26], $0xC80  }
0x25: {  	[sflag:s26] =	ssyncset.done $0x0;
	s18 =	rddreg [dreg:$0x12]  }
0x26: {  	s19 =	rddreg [dreg:$0xa];
	[sflag:s26] =	ssyncadd.s32 $0xFFFFF380;
	s10 =	sshrl.u32 s18, $0x3  }
0x27: {  	[spmem:s10], [sflag:s22] =	dma.local [hbm:s19], $0xC80  }
0x28: {  	_ =	swait.ge [sflag:s26], $0xC80  }
0x29: {  	[sflag:s26] =	ssyncset.done $0x0;
	s20 =	rddreg [dreg:$0x13]  }
0x2a: {  	s21 =	rddreg [dreg:$0xb];
	[sflag:s26] =	ssyncadd.s32 $0xFFFFF380;
	s12 =	sshrl.u32 s20, $0x3  }
0x2b: {  	[spmem:s12], [sflag:s22] =	dma.local [hbm:s21], $0xC80  }
0x2c: {  	_ =	swait.ge [sflag:s26], $0xC80  }
0x2d: {  	s31 =	simm.s32 @!p0 $0x1;
	[sflag:s26] =	ssyncset.done $0x0;
	s4 =	rddreg [dreg:$0x14]  }
0x2e: {  	[sflag:s26] =	ssyncadd.s32 $0xFFFFF380;
	s9 =	sshrl.u32 @!p0 s4, $0x3;
	s4 =	rddreg [dreg:$0xc]  }
0x2f: {  	[spmem:s9], [sflag:s22] =	dma.local @!p0 [hbm:s4], $0xC80  }
0x30: {  	_ =	swait.ge @!p0 [sflag:s31], $0xC80  }
0x31: {  	[sflag:s31] =	ssyncset.done @!p0 $0x0  }
0x32: {  	s13 =	simm.s32 $0x13880;
	[sflag:s31] =	ssyncadd.s32 @!p0 $0xFFFFF380  }
0x33: {  	s25 =	simm.s32 $0x400;
	s14 =	simm.s32 $0x800;
	[bflag:$0x0] =	sbarrier.arrive $0xFFFF  }
0x34: {  	p2 =	sne.s32 s11, $0x1;
	p1 =	seq.s32 s6, $0x1;
	_ =	strace $0x80000048  }
.Ltmp0:
0x35: {  	s19 =	simm.s32 $0x1;
	s23 =	rddreg [dreg:$0x6];
	(pc) =	sbr.rel @!p2 .LBB2_2-.Ltmp0, $4  }
0x36: {  	[tilespmem:s13], [sflag:$0x1] =	stream.linear.gather [hbm4b:s23+s28], $0x80, $0x200038;
	[tilespmem:$0x1B980] =	vst v63  }
0x37: {  	s15 =	simm.s32 $0x13980;
	s19 =	simm.s32 @p1 $0x0;
	s24 =	rddreg [dreg:$0x7]  }
0x38: {  	[tilespmem:s15], [sflag:$0x3] =	stream.strided.gather [hbm4b:s24+s25], $0x4000, s14, s25, $0x200038;
	[tilespmem:$0x1B980] =	vst v63  }
0x39: {  	p1 =	por $0x0, $0x0;
	s15 =	simm.s32 $0x1;
	_ =	strace $0x90000048  }
0x3a: {  	s31 =	smov.u32 s12;
	s12 =	smov.u32 s10;
	s10 =	smov.u32 s9  }
0x3b: {  	s9 =	smov.u32 s29;
	p1 =	seq.s32 s19, $0x0;
	s23 =	sand.u32 $0x1, s28  }
0x3c: {  	s25 =	simm.s32 $0x0;
	s29 =	simm.s32 $0x0;
	p2 =	sne.s32 s11, $0x2  }
0x3d: {  	s13 =	sand.u32 @!p1 $0x1, s26;
	s14 =	sadd.s32 @!p1 s7, s19;
	s20 =	simm.s32 @!p1 $0x0  }
0x3e: {  	_ =	strace @!p1 $0x80000049;
	s15 =	sshll.u32 @!p1 s13, $0x7;
	s16 =	sshll.u32 @!p1 s14, $0x4  }
0x3f: {  	s14 =	sshll.u32 @!p1 s14, $0xF;
	s17 =	sadd.s32 @!p1 $0x1, s13;
	s18 =	sshll.u32 @!p1 s13, $0xE  }
0x40: {  	s13 =	sadd.s32 @!p1 $0x3, s13;
	s16 =	sand.u32 @!p1 $0x1FFFFFF0, s16;
	s14 =	sor.u32 @!p1 s8, s14  }
0x41: {  	s15 =	sadd.s32 @!p1 $0x13880, s15;
	s14 =	sshrl.u32 @!p1 s14, $0x3;
	s16 =	sadd.s32 @!p1 s5, s16  }
0x42: {  	[tilespmem:s15], [sflag:s17] =	stream.linear.gather @!p1 [hbm4b:s16+s20], $0x80, $0x200038;
	[tilespmem:$0x1B980] =	vst v63  }
0x43: {  	s18 =	sor.u32 @!p1 $0x13980, s18;
	s14 =	sadd.s32 @!p1 s1, s14;
	_ =	strace @!p1 $0x90000049  }
0x44: {  	s15 =	simm.s32 @!p1 $0x400;
	s16 =	simm.s32 @!p1 $0x800;
	_ =	strace @!p1 $0x8000004A  }
0x45: {  	[tilespmem:s18], [sflag:s13] =	stream.strided.gather @!p1 [hbm4b:s14+s15], $0x4000, s16, s15, $0x200038;
	[tilespmem:$0x1B980] =	vst v63  }
0x46: {  	p3 =	sne.s32 s19, $0x0;
	s21 =	simm.s32 $0x1;
	_ =	strace @!p1 $0x9000004A  }
0x47: {  	s24 =	sadd.s32 $0x1, s23;
	s28 =	sand.u32 $0x4000, s25;
	_ =	strace $0x8000004B  }
0x48: {  	s21 =	simm.s32 @!p3 $0x0;
	s17 =	sadd.s32 $0x3, s23;
	_ =	swait.ge [sflag:s24], $0x80  }
0x49: {  	s13 =	simm.s32 @!p1 $0x1;
	s16 =	simm.s32 @!p1 $0x2;
	[sflag:s24] =	ssyncset.done $0x0  }
0x4a: {  	s15 =	simm.s32 $0x2;
	s13 =	simm.s32 @p1 $0x0;
	[sflag:s24] =	ssyncadd.s32 $0xFFFFFF80  }
0x4b: {  	s18 =	simm.s32 $0x0;
	s14 =	sadd.s32 $0x1, s13;
	_ =	strace $0x9000004B  }
.Ltmp1:
0x4c: {  	s13 =	sand.u32 $0x80, s29;
	_ =	strace $0x8000004C;
	(pc) =	sbr.rel @!p2 .LBB2_4-.Ltmp1, $4  }
0x4d: {  	s23 =	sadd.s32 $0x13880, s13;
	s13 =	sadd.s32 $0x1, s19;
	_ =	swait.ge [sflag:s17], $0x4000  }
0x4e: {  	s16 =	smov.u32 @p1 s26;
	p1 =	seq.s32 s13, s6;
	[sflag:s17] =	ssyncset.done $0x0  }
0x4f: {  	s24 =	sor.u32 $0x13980, s28;
	s13 =	simm.s32 @p1 $0x0;
	[sflag:s17] =	ssyncadd.s32 $0xFFFFC000  }
0x50: {  	p1 =	por $0x1, $0x1;
	s17 =	simm.s32 $0x0;
	_ =	strace $0x9000004C  }
.LBB2_5:
0x51: {  	s20 =	smov.u32 s16  }
0x52: {  	p2 =	seq.s32 s19, s13;
	s18 =	sadd.s32 s21, s18;
	s17 =	sadd.s32 s21, s17  }
0x53: {  	s16 =	sadd.s32 @!p2 s7, s13;
	s21 =	sand.u32 @!p2 $0x1, s20;
	_ =	strace $0x8000004D  }
0x54: {  	s25 =	sshll.u32 @!p2 s21, $0x7;
	s28 =	sshll.u32 @!p2 s16, $0x4;
	s16 =	sshll.u32 @!p2 s16, $0xF  }
0x55: {  	s21 =	sadd.s32 @!p2 $0x1, s21;
	s25 =	sadd.s32 @!p2 $0x13880, s25;
	s28 =	sand.u32 @!p2 $0x1FFFFFF0, s28  }
0x56: {  	[spmem:s2] =	stream.indirect.scatter.add.f32 [tilespmem:s24], [sflag:$0x5], $0x80, s23, s0, $0x2000b8;
	[tilespmem:$0x1B980] =	vst v63  }
0x57: {  	s16 =	sor.u32 @!p2 s8, s16;
	s23 =	sand.u32 @!p2 $0x1, s14;
	_ =	swait.ge [sflag:s3], $0x4000  }
0x58: {  	s16 =	sshrl.u32 @!p2 s16, $0x3;
	s24 =	sshll.u32 @!p2 s23, $0xE;
	[sflag:s3] =	ssyncset.done $0x0  }
0x59: {  	s29 =	simm.s32 @!p2 $0x0;
	s28 =	sadd.s32 @!p2 s5, s28;
	[sflag:s3] =	ssyncadd.s32 $0xFFFFC000  }
0x5a: {  	s16 =	sadd.s32 @!p2 s1, s16;
	s24 =	sor.u32 @!p2 $0x13980, s24;
	_ =	strace $0x9000004D  }
0x5b: {  	s4 =	simm.s32 @!p2 $0x400;
	s23 =	sadd.s32 @!p2 $0x3, s23;
	_ =	strace @!p2 $0x80000049  }
0x5c: {  	[tilespmem:s25], [sflag:s21] =	stream.linear.gather @!p2 [hbm4b:s28+s29], $0x80, $0x200038;
	[tilespmem:$0x1B980] =	vst v63  }
0x5d: {  	s15 =	sadd.s32 $0x1, s15;
	s21 =	simm.s32 @!p2 $0x1  }
0x5e: {  	s25 =	sand.u32 $0x1, s18;
	_ =	strace @!p2 $0x90000049;
	s21 =	simm.s32 @p2 $0x0  }
0x5f: {  	s28 =	simm.s32 @!p2 $0x800;
	_ =	strace @!p2 $0x8000004A;
	s14 =	sadd.s32 s14, s21  }
0x60: {  	[tilespmem:s24], [sflag:s23] =	stream.strided.gather @!p2 [hbm4b:s16+s4], $0x4000, s28, s4, $0x200038;
	[tilespmem:$0x1B980] =	vst v63  }
0x61: {  	s21 =	sshll.u32 s17, $0xE;
	s16 =	sadd.s32 @!p2 $0x1, s20;
	_ =	strace @!p2 $0x9000004A  }
0x62: {  	s4 =	sadd.s32 $0x1, s25;
	s16 =	smov.u32 @p2 s20;
	_ =	strace $0x8000004B  }
0x63: {  	s21 =	sand.u32 $0x4000, s21;
	s20 =	sand.u32 $0x1, s17;
	_ =	swait.ge [sflag:s4], $0x80  }
0x64: {  	s23 =	sshll.u32 s18, $0x7;
	s25 =	smov.u32 s19;
	[sflag:s4] =	ssyncset.done $0x0  }
0x65: {  	s19 =	smov.u32 s13;
	[sflag:s4] =	ssyncadd.s32 $0xFFFFFF80;
	s4 =	sand.u32 $0x80, s23  }
0x66: {  	p2 =	sne.s32 s11, s15;
	s24 =	sor.u32 $0x13980, s21;
	_ =	strace $0x9000004B  }
.Ltmp2:
0x67: {  	s20 =	sadd.s32 $0x3, s20;
	_ =	strace $0x8000004C;
	(pc) =	sbr.rel @p2 .LBB2_5-.Ltmp2, $4  }
0x68: {  	p4 =	sne.s32 s25, s13;
	s23 =	sadd.s32 $0x13880, s4;
	_ =	swait.ge [sflag:s20], $0x4000  }
0x69: {  	s21 =	simm.s32 $0x1;
	s4 =	sadd.s32 $0x1, s13;
	[sflag:s20] =	ssyncset.done $0x0  }
0x6a: {  	p3 =	seq.s32 s4, s6;
	s13 =	smov.u32 s4;
	[sflag:s20] =	ssyncadd.s32 $0xFFFFC000  }
0x6b: {  	s21 =	simm.s32 @!p4 $0x0;
	s13 =	simm.s32 @p3 $0x0;
	_ =	strace $0x9000004C  }
0x6c: {  	s20 =	smov.u32 s19;
	s19 =	smov.u32 s13  }
0x6d: {  	s28 =	simm.s32 $0x0;
	s29 =	smov.u32 s9;
	s9 =	smov.u32 s10  }
0x6e: {  	s10 =	smov.u32 s12;
	s12 =	smov.u32 s31;
	s31 =	simm.s32 @!p0 $0x1  }
.LBB2_7:
0x6f: {  	p2 =	seq.s32 s20, s19;
	_ =	strace @p1 $0x8000004D  }
0x70: {  	[spmem:s2] =	stream.indirect.scatter.add.f32 @p1 [tilespmem:s24], [sflag:$0x5], $0x80, s23, s0, $0x2000b8;
	[tilespmem:$0x1B980] =	vst v63  }
0x71: {  	s4 =	sand.u32 @!p2 $0x1, s16;
	_ =	swait.ge @p1 [sflag:s3], $0x4000  }
0x72: {  	s13 =	sadd.s32 @!p2 s7, s19;
	s25 =	simm.s32 @!p2 $0x0;
	[sflag:s3] =	ssyncset.done @p1 $0x0  }
0x73: {  	s23 =	sshll.u32 @!p2 s4, $0x7;
	s24 =	sshll.u32 @!p2 s13, $0x4;
	[sflag:s3] =	ssyncadd.s32 @p1 $0xFFFFC000  }
0x74: {  	s4 =	sadd.s32 @!p2 $0x1, s4;
	s24 =	sand.u32 @!p2 $0x1FFFFFF0, s24;
	_ =	strace @p1 $0x9000004D  }
0x75: {  	s23 =	sadd.s32 @!p2 $0x13880, s23;
	s24 =	sadd.s32 @!p2 s5, s24;
	_ =	strace @!p2 $0x80000049  }
0x76: {  	[tilespmem:s23], [sflag:s4] =	stream.linear.gather @!p2 [hbm4b:s24+s25], $0x80, $0x200038;
	[tilespmem:$0x1B980] =	vst v63  }
0x77: {  	s4 =	sshll.u32 @!p2 s13, $0xF;
	s13 =	sand.u32 @!p2 $0x1, s14;
	s24 =	simm.s32 @!p2 $0x400  }
0x78: {  	s25 =	simm.s32 @!p2 $0x800;
	s4 =	sor.u32 @!p2 s8, s4;
	s23 =	sshll.u32 @!p2 s13, $0xE  }
0x79: {  	s13 =	sadd.s32 @!p2 $0x3, s13;
	_ =	strace @!p2 $0x90000049;
	s4 =	sshrl.u32 @!p2 s4, $0x3  }
0x7a: {  	s23 =	sor.u32 @!p2 $0x13980, s23;
	_ =	strace @!p2 $0x8000004A;
	s4 =	sadd.s32 @!p2 s1, s4  }
0x7b: {  	[tilespmem:s23], [sflag:s13] =	stream.strided.gather @!p2 [hbm4b:s4+s24], $0x4000, s25, s24, $0x200038;
	[tilespmem:$0x1B980] =	vst v63  }
0x7c: {  	s4 =	sadd.s32 @p1 s21, s18;
	s13 =	simm.s32 $0x0  }
0x7d: {  	s13 =	smov.u32 @p1 s4  }
0x7e: {  	_ =	strace @!p2 $0x9000004A;
	s4 =	sand.u32 $0x1, s13  }
0x7f: {  	_ =	strace $0x8000004B;
	s4 =	sadd.s32 $0x1, s4  }
0x80: {  	_ =	swait.ge [sflag:s4], $0x80  }
0x81: {  	s18 =	sadd.s32 @p1 s21, s17;
	s17 =	simm.s32 $0x0;
	[sflag:s4] =	ssyncset.done $0x0  }
0x82: {  	s17 =	smov.u32 @p1 s18;
	[sflag:s4] =	ssyncadd.s32 $0xFFFFFF80  }
0x83: {  	s21 =	sand.u32 $0x1, s17;
	_ =	strace $0x9000004B  }
0x84: {  	s4 =	sadd.s32 $0x3, s21;
	_ =	strace $0x8000004C  }
0x85: {  	_ =	swait.ge [sflag:s4], $0x4000  }
0x86: {  	[sflag:s4] =	ssyncset.done $0x0  }
0x87: {  	s18 =	sshll.u32 s17, $0xE;
	s23 =	sshll.u32 s13, $0x7;
	[sflag:s4] =	ssyncadd.s32 $0xFFFFC000  }
0x88: {  	s24 =	sand.u32 $0x4000, s18;
	s25 =	sand.u32 $0x80, s23;
	_ =	strace $0x9000004C  }
0x89: {  	s18 =	sadd.s32 $0x13880, s25;
	s4 =	sor.u32 $0x13980, s24;
	_ =	strace $0x8000004D  }
0x8a: {  	[spmem:s2] =	stream.indirect.scatter.add.f32 [tilespmem:s4], [sflag:$0x5], $0x80, s18, s0, $0x2000b8;
	[tilespmem:$0x1B980] =	vst v63  }
0x8b: {  	s4 =	sadd.s32 $0x1, s19  }
0x8c: {  	p1 =	seq.s32 s4, s6  }
0x8d: {  	_ =	swait.ge [sflag:s3], $0x4000;
	s4 =	simm.s32 @p1 $0x0;
	p1 =	sge.u32 s15, s11  }
0x8e: {  	[sflag:s3] =	ssyncset.done $0x0;
	p3 =	seq.s32 @!p1 s19, s4  }
0x8f: {  	s15 =	sadd.s32 @!p2 $0x1, s16;
	[sflag:s3] =	ssyncadd.s32 $0xFFFFC000;
	p1 =	por p3, p1  }
0x90: {  	s15 =	smov.u32 @p2 s16;
	_ =	strace $0x9000004D;
	s4 =	sadd.s32 @!p1 s7, s4  }
0x91: {  	s15 =	sand.u32 @!p1 $0x1, s15;
	_ =	strace @!p1 $0x80000049;
	s18 =	sshll.u32 @!p1 s4, $0x4  }
0x92: {  	s21 =	simm.s32 @!p1 $0x0;
	s16 =	sshll.u32 @!p1 s15, $0x7;
	s18 =	sand.u32 @!p1 $0x1FFFFFF0, s18  }
0x93: {  	s15 =	sadd.s32 @!p1 $0x1, s15;
	s16 =	sadd.s32 @!p1 $0x13880, s16;
	s18 =	sadd.s32 @!p1 s5, s18  }
0x94: {  	[tilespmem:s16], [sflag:s15] =	stream.linear.gather @!p1 [hbm4b:s18+s21], $0x80, $0x200038;
	[tilespmem:$0x1B980] =	vst v63  }
0x95: {  	s4 =	sshll.u32 @!p1 s4, $0xF;
	s15 =	simm.s32 @!p2 $0x1  }
0x96: {  	s4 =	sor.u32 @!p1 s8, s4;
	s15 =	simm.s32 @p2 $0x0  }
0x97: {  	s4 =	sshrl.u32 @!p1 s4, $0x3;
	s14 =	sadd.s32 s14, s15  }
0x98: {  	s4 =	sadd.s32 @!p1 s1, s4;
	s16 =	simm.s32 @!p1 $0x400;
	s14 =	sand.u32 @!p1 $0x1, s14  }
0x99: {  	s18 =	simm.s32 @!p1 $0x800;
	_ =	strace @!p1 $0x90000049;
	s15 =	sshll.u32 @!p1 s14, $0xE  }
0x9a: {  	_ =	strace @!p1 $0x8000004A;
	s14 =	sadd.s32 @!p1 $0x3, s14;
	s15 =	sor.u32 @!p1 $0x13980, s15  }
0x9b: {  	[tilespmem:s15], [sflag:s14] =	stream.strided.gather @!p1 [hbm4b:s4+s16], $0x4000, s18, s16, $0x200038;
	[tilespmem:$0x1B980] =	vst v63  }
0x9c: {  	p2 =	sne.s32 s20, s19;
	s4 =	simm.s32 $0x1  }
0x9d: {  	s4 =	simm.s32 @!p2 $0x0  }
0x9e: {  	s13 =	sadd.s32 s4, s13  }
0x9f: {  	_ =	strace @!p1 $0x9000004A;
	s18 =	sand.u32 $0x1, s13  }
0xa0: {  	_ =	strace $0x8000004B;
	s14 =	sadd.s32 $0x1, s18  }
0xa1: {  	_ =	swait.ge [sflag:s14], $0x80  }
0xa2: {  	[sflag:s14] =	ssyncset.done $0x0  }
0xa3: {  	s4 =	sadd.s32 s4, s17;
	[sflag:s14] =	ssyncadd.s32 $0xFFFFFF80  }
0xa4: {  	s19 =	sand.u32 $0x1, s4;
	_ =	strace $0x9000004B  }
0xa5: {  	s14 =	sadd.s32 $0x3, s19;
	_ =	strace $0x8000004C  }
0xa6: {  	_ =	swait.ge [sflag:s14], $0x4000  }
0xa7: {  	[sflag:s14] =	ssyncset.done $0x0  }
0xa8: {  	s4 =	sshll.u32 s4, $0xE;
	s13 =	sshll.u32 s13, $0x7;
	[sflag:s14] =	ssyncadd.s32 $0xFFFFC000  }
0xa9: {  	s4 =	sand.u32 $0x4000, s4;
	s13 =	sand.u32 $0x80, s13;
	_ =	strace $0x9000004C  }
0xaa: {  	s4 =	sor.u32 $0x13980, s4;
	s13 =	sadd.s32 $0x13880, s13;
	_ =	strace $0x8000004D  }
0xab: {  	[spmem:s2] =	stream.indirect.scatter.add.f32 [tilespmem:s4], [sflag:$0x5], $0x80, s13, s0, $0x2000b8;
	[tilespmem:$0x1B980] =	vst v63  }
0xac: {  	_ =	swait.ge [sflag:s3], $0x4000  }
0xad: {  	[sflag:s3] =	ssyncset.done $0x0  }
0xae: {  	[sflag:s3] =	ssyncadd.s32 $0xFFFFC000  }
0xaf: {  	_ =	strace $0x9000004D  }
0xb0: {  	[bflag:$0x0] =	sbarrier.arrive $0xFFFF  }
0xb1: {  	s23 =	simm.s32 $0x100;
	s21 =	simm.s32 $0x8;
	s20 =	rddreg [dreg:$0xd]  }
0xb2: {  	[hbm:s20@s23], [sflag:s22] =	dma.strided [spmem:s29@s0], $0xC80, s21, $0x10   }
0xb3: {  	_ =	swait.ge [sflag:s26], $0xC80  }
0xb4: {  	[sflag:s26] =	ssyncset.done $0x0  }
0xb5: {  	s24 =	rddreg [dreg:$0xe];
	[sflag:s26] =	ssyncadd.s32 $0xFFFFF380  }
0xb6: {  	[hbm:s24@s23], [sflag:s22] =	dma.strided [spmem:s10@s0], $0xC80, s21, $0x10   }
0xb7: {  	_ =	swait.ge [sflag:s26], $0xC80  }
0xb8: {  	[sflag:s26] =	ssyncset.done $0x0  }
0xb9: {  	s25 =	rddreg [dreg:$0xf];
	[sflag:s26] =	ssyncadd.s32 $0xFFFFF380  }
0xba: {  	[hbm:s25@s23], [sflag:s22] =	dma.strided [spmem:s12@s0], $0xC80, s21, $0x10   }
0xbb: {  	_ =	swait.ge [sflag:s26], $0xC80  }
0xbc: {  	s4 =	simm.s32 @!p0 $0x8;
	s10 =	simm.s32 @!p0 $0x100;
	[sflag:s26] =	ssyncset.done $0x0  }
0xbd: {  	s12 =	simm.s32 @!p0 $0x80;
	s13 =	rddreg [dreg:$0x10];
	[sflag:s26] =	ssyncadd.s32 $0xFFFFF380  }
0xbe: {  	[hbm:s13@s10], [sflag:s22] =	dma.strided @!p0 [spmem:s9@s12], $0xC80, s4, $0x10   }
0xbf: {  	_ =	swait.ge @!p0 [sflag:s31], $0xC80  }
0xc0: {  	s30 =	sadd.s32 $0x1, s30;
	s29 =	rddreg [dreg:$0x8]  }
0xc1: {  	p1 =	sne.s32 s30, s29  }
.Ltmp3:
0xc2: {  	_ = 	snop;
	(pc) =	sbr.rel @p1 .LBB2_1-.Ltmp3, $4  }
.Ltmp4:
0xc3: {  	_ = 	snop;
	(pc) =	sbr.rel @!p1 .LBB2_8-.Ltmp4, $4  }
0xc4: {  	_ = 	snop  }
0xc5: {  	[sflag:s31] =	ssyncset.done @!p0 $0x0  }
0xc6: {  	[sflag:s31] =	ssyncadd.s32 @!p0 $0xFFFFF380  }
0xc7: {  	_ = 	snop  }
.LBB2_2:
.Ltmp5:
0xc8: {  	(pc) =	sbr.rel .LBB2_7-.Ltmp5, $3  }
0xc9: {  	_ =	sdelay $0x1  }
0xca: {  	s20 =	simm.s32 $0x0;
	s18 =	simm.s32 $0x0  }
0xcb: {  	s17 =	simm.s32 $0x0;
	s16 =	simm.s32 $0x1;
	s14 =	simm.s32 $0x1  }
.LBB2_4:
.Ltmp6:
0xcc: {  	(pc) =	sbr.rel .LBB2_7-.Ltmp6, $4  }
0xcd: {  	s20 =	smov.u32 s19  }
0xce: {  	s19 =	smov.u32 s13;
	s18 =	simm.s32 $0x0;
	s17 =	simm.s32 $0x0  }
0xcf: {  	s28 =	simm.s32 $0x0;
	s29 =	smov.u32 s9;
	s9 =	smov.u32 s10  }
0xd0: {  	s10 =	smov.u32 s12;
	s12 =	smov.u32 s31;
	s31 =	simm.s32 @!p0 $0x1  }
.LBB2_8:
0xd1: {  	_ =	sfence.sel $0x180000  }
0xd2: {  	[bflag:$0x0] =	sbarrier.arrive $0xFFFF  }
0xd3: {  	_ =	strace $0x90000047  }
0xd4: {  	s0 =	stileid.u32;
	[bflag:$0x2] =	sbarrier.arrive $0xFFFF  }
0xd5: {  	p0 =	sne.s32 s0, $0x0;
	s0 =	rddreg [dreg:$0x5]  }
0xd6: {  	s0 =	sadd.s32 @!p0 $0x100000, s0  }
0xd7: {  	[sflag:s0] =	ssyncadd.tile.s32 @!p0 $0x1;
	_ =	shalt  }
.Lfunc_end2:
_tile_overlayer_lowered:
.L_overlay_start_2:
0xd8: {  	(tag) =	ssettag $0x2  }
0xd9: {  	s0 =	rddreg [dreg:$0x0];
	s2 =	stileid.u32  }
0xda: {  	s1 =	rddreg [dreg:$0x1];
	p0 =	sne.s32 s2, $0x0  }
0xdb: {  	s3 =	rddreg [dreg:$0x2];
	[bflag:$0x3] =	sbarrier.arrive $0xFFFF;
	s2 =	simm.s32 @!p0 $0x1C01  }
0xdc: {  	[timem:s3], [sflag:s2] =	dma.local @!p0 [hbm:s0], s1  }
0xdd: {  	s0 =	simm.s32 @!p0 $0x1  }
0xde: {  	_ =	swait.ge @!p0 [sflag:s0], s1  }
0xdf: {  	s1 =	ssub.s32 @!p0 $0x0, s1;
	[sflag:s0] =	ssyncset.done @!p0 $0x0  }
0xe0: {  	[sflag:s0] =	ssyncadd.s32 @!p0 s1  }
0xe1: {  	[bflag:$0x3] =	sbarrier.arrive $0xFFFF  }
0xe2: {  	_ =	shalt  }

// kernel: kernel.9.cloned.1.call-start
scs
__scs_entry_jumppad:
0x0: {  	(pc) =	sbr.rel $0x88, $3  }
0x1: {  	(tag) =	ssettag $0x0;
	lr =	simm.s32 $0x1  }
0x2: {  	[smem:$0x3F9B] =	sst lr;
	_ =	strace $0xD0000000  }
0x3: {  	_ = 	snop  }
0x4: {  	_ = 	snop  }
0x5: {  	_ = 	snop  }
0x6: {  	_ = 	snop  }
0x7: {  	_ = 	snop  }
__scs_overlays_trampoline_lowered:
0x8: {  	[smem:$0x3FAA] =	sst s0  }
0x9: {  	[smem:$0x3FAB] =	sst s1  }
0xa: {  	[smem:$0x3FAC] =	sst s2  }
0xb: {  	[smem:$0x3FAD] =	sst s3  }
0xc: {  	[smem:$0x3FAE] =	sst s4  }
0xd: {  	[smem:$0x3FAF] =	sst s5  }
0xe: {  	[smem:$0x3FB0] =	sst s6  }
0xf: {  	[smem:$0x3FB1] =	sst s7  }
0x10: {  	[smem:$0x3FB2] =	sst s8  }
0x11: {  	[smem:$0x3FB3] =	sst s9;
	s0 =	simm.s32 @!p0 $0x0  }
0x12: {  	s1 =	sld [smem:$0x3F99];
	s0 =	simm.s32 @p0 $0x1  }
0x13: {  	[smem:$0x3FB4] =	sst s0;
	s0 =	simm.s32 @!p1 $0x0  }
0x14: {  	s2 =	sld [smem:$0x3F98];
	s0 =	simm.s32 @p1 $0x1  }
0x15: {  	[smem:$0x3FB5] =	sst s0;
	s0 =	simm.s32 @!p2 $0x0  }
0x16: {  	s3 =	sld [smem:$0x3FDB];
	s0 =	simm.s32 @p2 $0x1  }
0x17: {  	s4 =	simm.s32 $0x1BF5;
	[smem:$0x3FB7] =	sst s0  }
0x18: {  	s0 =	sld [smem:$0x3F9A];
	_ =	swait.ge [sflag:s4], $0x0  }
0x19: {  	s7 =	sld [smem:$0x3F9B]  }
0x1a: {  	s8 =	sadd.s32 $0xFFFFE003, lr  }
0x1b: {  	s9 =	sadd.s32 $0xFFFFFEF7, lr;
	s5 =	simm.s32 $0xFFFFFFFF;
	p2 =	slt.u32 s8, $0xFFFFF086  }
0x1c: {  	p1 =	slt.u32 s9, $0xF7A;
	s5 =	simm.s32 @!p2 $0x0  }
0x1d: {  	s5 =	simm.s32 @p1 $0x1;
	p0 =	seq.s32 s7, s2  }
0x1e: {  	s7 =	smul.u32 @!p0 $0xF7A, s2;
	p2 =	seq.s32 @!p0 s5, $0x0  }
0x1f: {  	s9 =	smul.u32 $0xF7A, s1;
	s8 =	simm.s32 @!p0 $0x1BF5;
	p2 =	por !p2, p0  }
0x20: {  	[sflag:s8] =	ssyncset.s32 @!p0 $0xFFFFF086;
	s6 =	sadd.s32 @!p0 s3, s7;
	s7 =	simm.s32 @!p0 $0x108  }
0x21: {  	s3 =	sadd.s32 s3, s9;
	s6 =	sadd.s32 @!p0 $0x88, s6;
	s7 =	simm.s32 @p2 $0x1082  }
0x22: {  	[simem:s7], [sflag:s8] =	dma.local @!p0 [hbm:s6], $0xF7A  }
0x23: {  	s9 =	sor.u32 $0xD0000000, s2;
	s6 =	simm.s32 $0x108;
	_ =	swait.ge @!p0 [sflag:s8], $0x0  }
0x24: {  	s3 =	sadd.s32 $0x88, s3;
	s6 =	simm.s32 @!p1 $0x1082;
	[sflag:s4] =	ssyncset.s32 $0xFFFFF086  }
0x25: {  	[simem:s6], [sflag:s4] =	dma.local [hbm:s3], $0xF7A  }
0x26: {  	[smem:$0x3F9B] =	sst s1;
	(tag) =	ssettag s2;
	_ =	strace s9  }
0x27: {  	s1 =	sld [smem:$0x3FAB]  }
0x28: {  	s2 =	sld [smem:$0x3FAC]  }
0x29: {  	s4 =	sld [smem:$0x3FAE]  }
0x2a: {  	p0 =	seq.s32 s5, $0x0;
	s5 =	sld [smem:$0x3FAF]  }
0x2b: {  	s6 =	sld [smem:$0x3FB0]  }
0x2c: {  	s7 =	sld [smem:$0x3FB1]  }
0x2d: {  	s3 =	simm.s32 $0x108;
	s8 =	sld [smem:$0x3FB2]  }
0x2e: {  	s3 =	simm.s32 @!p0 $0x1082;
	s9 =	sld [smem:$0x3FB3]  }
0x2f: {  	lr =	sadd.s32 s0, s3;
	s0 =	sld [smem:$0x3FAA]  }
0x30: {  	s3 =	sld [smem:$0x3FAD]  }
0x31: {  	[smem:$0x3FB6] =	sst s10  }
0x32: {  	s10 =	sld [smem:$0x3FB4];
	_ =	sdelay $0x3  }
0x33: {  	p0 =	seq.s32 s10, $0x1;
	s10 =	sld [smem:$0x3FB6];
	_ =	sdelay $0x3  }
0x34: {  	[smem:$0x3FB6] =	sst s10  }
0x35: {  	s10 =	sld [smem:$0x3FB5];
	_ =	sdelay $0x3  }
0x36: {  	p1 =	seq.s32 s10, $0x1;
	s10 =	sld [smem:$0x3FB6];
	_ =	sdelay $0x3  }
0x37: {  	[smem:$0x3FB6] =	sst s10  }
0x38: {  	s10 =	sld [smem:$0x3FB7]  }
0x39: {  	_ = 	snop;
	(pc) =	sbr.ind lr, $3  }
0x3a: {  	_ = 	snop  }
0x3b: {  	_ = 	snop  }
0x3c: {  	p2 =	seq.s32 s10, $0x1;
	s10 =	sld [smem:$0x3FB6]  }
0x3d: {  	_ =	shalt  }
0x3e: {  	_ =	shalt  }
0x3f: {  	_ =	shalt  }
0x40: {  	_ =	shalt  }
0x41: {  	_ =	shalt  }
0x42: {  	_ =	shalt  }
0x43: {  	_ =	shalt  }
0x44: {  	_ =	shalt  }
0x45: {  	_ =	shalt  }
0x46: {  	_ =	shalt  }
0x47: {  	_ =	shalt  }
0x48: {  	_ =	shalt  }
0x49: {  	_ =	shalt  }
0x4a: {  	_ =	shalt  }
0x4b: {  	_ =	shalt  }
0x4c: {  	_ =	shalt  }
0x4d: {  	_ =	shalt  }
0x4e: {  	_ =	shalt  }
0x4f: {  	_ =	shalt  }
0x50: {  	_ =	shalt  }
0x51: {  	_ =	shalt  }
0x52: {  	_ =	shalt  }
0x53: {  	_ =	shalt  }
0x54: {  	_ =	shalt  }
0x55: {  	_ =	shalt  }
0x56: {  	_ =	shalt  }
0x57: {  	_ =	shalt  }
0x58: {  	_ =	shalt  }
0x59: {  	_ =	shalt  }
0x5a: {  	_ =	shalt  }
0x5b: {  	_ =	shalt  }
0x5c: {  	_ =	shalt  }
0x5d: {  	_ =	shalt  }
0x5e: {  	_ =	shalt  }
0x5f: {  	_ =	shalt  }
0x60: {  	_ =	shalt  }
0x61: {  	_ =	shalt  }
0x62: {  	_ =	shalt  }
0x63: {  	_ =	shalt  }
0x64: {  	_ =	shalt  }
0x65: {  	_ =	shalt  }
0x66: {  	_ =	shalt  }
0x67: {  	_ =	shalt  }
0x68: {  	_ =	shalt  }
0x69: {  	_ =	shalt  }
0x6a: {  	_ =	shalt  }
0x6b: {  	_ =	shalt  }
0x6c: {  	_ =	shalt  }
0x6d: {  	_ =	shalt  }
0x6e: {  	_ =	shalt  }
0x6f: {  	_ =	shalt  }
0x70: {  	_ =	shalt  }
0x71: {  	_ =	shalt  }
0x72: {  	_ =	shalt  }
0x73: {  	_ =	shalt  }
0x74: {  	_ =	shalt  }
0x75: {  	_ =	shalt  }
0x76: {  	_ =	shalt  }
0x77: {  	_ =	shalt  }
0x78: {  	_ =	shalt  }
0x79: {  	_ =	shalt  }
0x7a: {  	_ =	shalt  }
0x7b: {  	_ =	shalt  }
0x7c: {  	_ =	shalt  }
0x7d: {  	_ =	shalt  }
0x7e: {  	_ =	shalt  }
0x7f: {  	_ =	shalt  }
0x80: {  	_ =	shalt  }
0x81: {  	_ =	shalt  }
0x82: {  	_ =	shalt  }
0x83: {  	_ =	shalt  }
0x84: {  	_ =	shalt  }
0x85: {  	_ =	shalt  }
0x86: {  	_ =	shalt  }
0x87: {  	_ =	shalt  }
.Lfunc_end0:
.L_simem_size_0:
called_computation.1_lowered:
.L_overlay_start_0:
0x88: {  	s2 =	sld [smem:$0x3FD9]  }
0x89: {  	s3 =	sld [smem:$0x3FFE];
	_ =	sdelay $0x1  }
0x8a: {  	s1 =	srdreg.scid  }
0x8b: {  	s0 =	sand.u32 $0x1, s1  }
0x8c: {  	s14 =	sshll.u32 s0, $0xA;
	s2 =	sadd.s32 s3, s2  }
0x8d: {  	s2 =	sadd.s32 s2, s14  }
0x8e: {  	[smem:$0x3FC2] =	sst s2  }
0x8f: {  	_ = 	snop  }
0x90: {  	s2 =	sld [smem:$0x3FD0];
	_ =	sdelay $0x2  }
0x91: {  	s15 =	simm.s32 $0xA;
	s4 =	simm.s32 $0x10  }
0x92: {  	[smem:s4], [sflag:s15] =	dma.local [hbm:s2], $0x1  }
0x93: {  	_ =	swait.eq [sflag:s15], $0x1  }
0x94: {  	[sflag:s15] =	ssyncset.done $0x0  }
0x95: {  	[sflag:s15] =	ssyncadd.s32 $0xFFFFFFFF  }
0x96: {  	s16 =	sld [smem:$0x10];
	(tm) =	ssettm $0x1  }
0x97: {  	s17 =	sld [smem:$0x3FFB];
	_ =	sdelay $0x3  }
0x98: {  	_ =	strace s17  }
0x99: {  	s3 =	sld [smem:$0x3FFC];
	_ =	sdelay $0x3  }
0x9a: {  	_ =	strace s3  }
0x9b: {  	s3 =	sld [smem:$0x3FFD];
	_ =	sdelay $0x3  }
0x9c: {  	_ =	strace s3  }
0x9d: {  	_ =	strace $0x8FFFFFFF  }
0x9e: {  	s18 =	sld [smem:$0x3FDB];
	_ =	sdelay $0x1  }
0x9f: {  	s19 =	simm.s32 $_scs_section_size  }
0xa0: {  	s5 =	simm.s32 $_size__tile_overlayer_lowered;
	s6 =	simm.s32 $_tile_overlayer_lowered  }
0xa1: {  	s22 =	simm.s32 $0x1BFF;
	s21 =	sshll.u32 s6, $0x1;
	s3 =	sadd.s32 s19, s18  }
0xa2: {  	s7 =	simm.s32 $0x0;
	s20 =	sshll.u32 s5, $0x1;
	s5 =	sadd.s32 s21, s3  }
0xa3: {  	[timem:s7], [sflag:s22] =	dma.local [hbm:s5], s20  }
0xa4: {  	_ =	swait.ge [sflag:s22], s20  }
0xa5: {  	s4 =	ssub.s32 $0x0, s20;
	[sflag:s22] =	ssyncset.done $0x0  }
0xa6: {  	[sflag:s22] =	ssyncadd.s32 s4;
	_ =	sdelay $0x1  }
0xa7: {  	s23 =	simm.s32 $0x1B8B  }
0xa8: {  	_ =	swait.ge [sflag:s23], $0x1  }
0xa9: {  	[sflag:s23] =	ssyncset.done $0x0  }
0xaa: {  	s25 =	simm.s32 $0x1B8E;
	s24 =	sld [smem:$0x3FFE];
	[sflag:s23] =	ssyncadd.s32 $0xFFFFFFFF  }
0xab: {  	s26 =	simm.s32 $execute0_lowered;
	[smem:$0x3FD2] =	sst s25  }
0xac: {  	s5 =	sshll.u32 s26, $0x1;
	_ =	strace $0x8000004F;
	[dreg:$0x1] =	wrdreg $0xFFFFFFFF  }
0xad: {  	s28 =	simm.s32 $_size_execute0_lowered;
	s3 =	sadd.s32 s3, s5;
	[dreg:$0x0] =	wrdreg $0x0  }
0xae: {  	s5 =	sshll.u32 s28, $0x1;
	[dreg:$0x2] =	wrdreg s3  }
0xaf: {  	[dreg:$0x3] =	wrdreg s5  }
0xb0: {  	[dreg:$0x4] =	wrdreg $0xC0  }
0xb1: {  	_ =	task [dreg:s7], $0x5FFFF  }
0xb2: {  	[dreg:$0x1] =	wrdreg $0xFFFFFFFF  }
0xb3: {  	[dreg:$0x0] =	wrdreg $0x60  }
0xb4: {  	[dreg:$0x2] =	wrdreg s16  }
0xb5: {  	[dreg:$0x3] =	wrdreg s24  }
0xb6: {  	[dreg:$0x4] =	wrdreg $0x9  }
0xb7: {  	_ =	task.clear_ibuf [dreg:s7], $0x5FFFF;
	_ =	strace $0x9000004F  }
0xb8: {  	s29 =	simm.s32 $0x9;
	_ =	strace $0x80000058  }
0xb9: {  	_ =	swait.ge [sflag:s29], $0x1  }
0xba: {  	[sflag:s29] =	ssyncadd.s32 $0xFFFFFFFF  }
0xbb: {  	_ =	strace $0x90000058  }
0xbc: {  	_ =	sfence  }
0xbd: {  	s30 =	sld [smem:$0x0];
	_ =	sdelay $0x2  }
0xbe: {  	s31 =	sshll.u32 s1, $0xD;
	s1 =	sshrl.u32 s1, $0x2  }
0xbf: {  	s3 =	sand.u32 $0x4000, s31;
	s1 =	sadd.s32 s1, s30  }
0xc0: {  	s0 =	sor.u32 s3, s0;
	s1 =	sshll.u32 s1, $0x11  }
0xc1: {  	s0 =	sor.u32 s1, s0  }
0xc2: {  	s0 =	sadd.s32 $0x8F2B, s0  }
0xc3: {  	[sflag:s0] =	ssyncadd.remote.s32 $0x1  }
0xc4: {  	_ =	sfence.sel $0xFFFF  }
0xc5: {  	[dreg:$0x0] =	wrdreg $0xFFFFFFFF;
	(pc) =	sbr.abs _section_cstart, $3  }
0xc6: {  	[dreg:$0x1] =	wrdreg $0xFFFFFFFF  }
0xc7: {  	_ =	task.clear_ibuf [dreg:s7], $0x2FFFF;
	_ =	strace $0x9FFFFFFF  }
0xc8: {  	(tm) =	ssettm $0x7FFFFFFF  }
0xc9: {  	_ =	shalt  }
tec
execute0_lowered:
.L_overlay_start_1:
0x0: {  	(tag) =	ssettag $0x1  }
0x1: {  	s0 =	srdreg.scid  }
0x2: {  	s2 =	rddreg [dreg:$0x0];
	s31 =	stileid.u32;
	s1 =	sand.u32 $0x1, s0  }
0x3: {  	s6 =	rddreg [dreg:$0x1];
	s11 =	simm.s32 $0x80;
	s3 =	sshll.u32 s1, $0x4  }
0x4: {  	s12 =	simm.s32 $0x5;
	s13 =	simm.s32 $0x0;
	s4 =	sor.u32 s31, s3  }
0x5: {  	s1 =	ssub.s32 $0x2, s1;
	s3 =	simm.s32 $0x0;
	s5 =	smul.u32 $0x13, s4  }
0x6: {  	s8 =	sshrl.u32 s1, $0x1;
	[smem:$0x7FF] =	sst s3;
	s7 =	smul.u32 $0x14, s4  }
0x7: {  	p0 =	slt.u32 s4, $0x11;
	_ =	strace $0x80000050;
	s4 =	sadd.s32 $0x11, s5  }
0x8: {  	s5 =	sadd.s32 $0x6A00, s6;
	s6 =	sadd.s32 $0xBA00, s6;
	s4 =	smov.u32 @p0 s7  }
0x9: {  	[dreg:$0x3] =	wrdreg s6;
	s6 =	simm.s32 $0x14;
	s7 =	sshll.u32 s4, $0x5  }
0xa: {  	s1 =	ssub.s32 s1, s8;
	s6 =	simm.s32 @!p0 $0x13;
	s7 =	sand.u32 $0x1FFFFFE0, s7  }
0xb: {  	s9 =	smax.u32 s1, $0x1;
	s8 =	sadd.s32 $0xFFFFFFFF, s6;
	s7 =	sadd.s32 s5, s7  }
.LBB2_1:
0xc: {  	_ =	strace $0x80000051  }
0xd: {  	p0 =	seq.s32 s6, $0x1;
	s15 =	simm.s32 $0x1;
	p3 =	sne.s32 s6, $0x1  }
0xe: {  	[tilespmem:s3], [sflag:$0x1] =	stream.linear.gather [hbm4b:s7+s3], $0x100, $0x200038;
	[tilespmem:$0x10200] =	vst v63  }
.Ltmp0:
0xf: {  	s15 =	simm.s32 @p0 $0x0;
	(pc) =	sbr.rel @!p3 .LBB2_2-.Ltmp0, $4  }
0x10: {  	p1 =	sgt.u32 s8, $0x0;
	s14 =	simm.s32 $0x1;
	p0 =	sne.s32 s15, $0x0  }
0x11: {  	s0 =	simm.s32 $0x1;
	s1 =	simm.s32 $0x1;
	p1 =	por !p1, !p0  }
0x12: {  	_ =	strace $0x90000051;
	p2 =	por !p1, !p1;
	p1 =	por $0x0, $0x0  }
0x13: {  	s25 =	sand.u32 @p2 $0x1, s0;
	s29 =	sadd.s32 @p2 s4, s15;
	s1 =	simm.s32 @!p2 $0x0  }
0x14: {  	s16 =	sshll.u32 @p2 s29, $0x5  }
0x15: {  	s17 =	simm.s32 @p2 $0x0;
	_ =	strace @p2 $0x80000052;
	s18 =	sshll.u32 @p2 s25, $0x8  }
0x16: {  	s19 =	sadd.s32 @p2 $0x1, s25;
	s22 =	sand.u32 $0x1, s3;
	s23 =	simm.s32 $0x0  }
0x17: {  	p5 =	sne.s32 s6, $0x2;
	p1 =	seq.s32 s8, $0x0;
	s16 =	sand.u32 @p2 $0x1FFFFFE0, s16  }
0x18: {  	p3 =	por $0x1, $0x1;
	p6 =	sgt.u32 s8, $0x1;
	s16 =	sadd.s32 @p2 s5, s16  }
0x19: {  	[tilespmem:s18], [sflag:s19] =	stream.linear.gather @p2 [hbm4b:s16+s17], $0x100, $0x200038;
	[tilespmem:$0x10200] =	vst v63  }
0x1a: {  	s20 =	simm.s32 $0x0;
	s21 =	sadd.s32 $0x1, s22;
	_ =	strace @p2 $0x90000052  }
0x1b: {  	s25 =	sshll.u32 s22, $0xF;
	p4 =	por p1, p0;
	_ =	strace $0x80000053  }
0x1c: {  	s24 =	sor.u32 $0x200, s25;
	s26 =	sor.u32 $0x4200, s25;
	_ =	swait.ge [sflag:s21], $0x100  }
0x1d: {  	s31 =	simm.s32 @p4 $0x0;
	s18 =	simm.s32 $0x2;
	[sflag:s21] =	ssyncset.done $0x0  }
0x1e: {  	s16 =	sand.u32 $0x100, s23;
	s17 =	simm.s32 $0x1;
	[sflag:s21] =	ssyncadd.s32 $0xFFFFFF00  }
0x1f: {  	s23 =	sadd.s32 $0x1, s1;
	s1 =	sand.u32 @!p3 $0x1, s3;
	_ =	strace $0x90000053  }
0x20: {  	s19 =	simm.s32 $0x0;
	s21 =	sadd.s32 $0x1, s15;
	_ =	strace $0x80000054  }
0x21: {  	[tilespmem:s24], [sflag:$0x5] =	stream.indirect.gather [hbm4b:s2+s11], $0x80, s16, s11, $0x2000b8;
	[tilespmem:$0x10200] =	vst v63  }
0x22: {  	p2 =	por $0x0, $0x0;
	p0 =	seq.s32 s21, s6;
	_ =	swait.ge [sflag:s12], $0x4000  }
0x23: {  	s28 =	sadd.s32 @!p3 $0x3, s1;
	s21 =	simm.s32 @p0 $0x0;
	[sflag:s12] =	ssyncset.done $0x0  }
0x24: {  	s16 =	sor.u32 $0x80, s16;
	p0 =	sne.s32 s15, s21;
	[sflag:s12] =	ssyncadd.s32 $0xFFFFC000  }
0x25: {  	[tilespmem:s26], [sflag:$0x5] =	stream.indirect.gather [hbm4b:s2+s11], $0x80, s16, s11, $0x2000b8;
	[tilespmem:$0x10200] =	vst v63  }
0x26: {  	s17 =	simm.s32 @!p2 $0x0;
	p1 =	por !p6, !p0;
	_ =	swait.ge [sflag:s12], $0x4000  }
.Ltmp1:
0x27: {  	p2 =	por !p1, !p1;
	[sflag:s12] =	ssyncset.done $0x0;
	(pc) =	sbr.rel @!p5 .LBB2_4-.Ltmp1, $4  }
0x28: {  	p1 =	por $0x1, $0x1;
	s25 =	sand.u32 @p2 $0x1, s23;
	[sflag:s12] =	ssyncadd.s32 $0xFFFFC000  }
0x29: {  	s29 =	sadd.s32 @p2 s4, s21;
	s16 =	sadd.s32 $0x0, s4;
	_ =	strace $0x90000054  }
0x2a: {  	s26 =	simm.s32 $0x1;
	s30 =	sshll.u32 @p4 s16, $0xC;
	_ =	strace @p4 $0x80000055  }
0x2b: {  	s26 =	simm.s32 @!p2 $0x0;
	s16 =	simm.s32 $0x0;
	s1 =	rddreg [dreg:$0x3]  }
.LBB2_5:
0x2c: {  	s0 =	sshll.u32 @p2 s29, $0x5  }
0x2d: {  	s22 =	sadd.s32 @p4 $0x3, s22;
	s10 =	sand.u32 @p4 $0x1FFFF000, s30;
	s29 =	smov.u32 s14  }
0x2e: {  	s14 =	smov.u32 s18;
	s30 =	smov.u32 s15;
	s1 =	sadd.s32 @p4 s1, s10  }
0x2f: {  	[hbm4b:s1+s31] =	stream.linear.scatter @p4 [tilespmem:s24], [sflag:s22], $0x8000, $0x200038;
	[tilespmem:$0x10200] =	vst v63  }
0x30: {  	s18 =	sadd.s32 $0x1, s18;
	s16 =	sadd.s32 s17, s16;
	_ =	strace @p4 $0x90000055  }
0x31: {  	s15 =	smov.u32 s21;
	s17 =	simm.s32 @p2 $0x0;
	_ =	strace @!p3 $0x80000056  }
0x32: {  	s21 =	sadd.s32 $0x1, s21;
	s23 =	sadd.s32 s26, s23;
	_ =	swait.ge @!p3 [sflag:s28], $0x8000  }
0x33: {  	s26 =	simm.s32 $0x1;
	s10 =	simm.s32 $0x1;
	[sflag:s28] =	ssyncset.done @!p3 $0x0  }
0x34: {  	s0 =	sand.u32 @p2 $0x1FFFFFE0, s0;
	s10 =	simm.s32 @!p4 $0x0;
	[sflag:s28] =	ssyncadd.s32 @!p3 $0xFFFF8000  }
0x35: {  	s0 =	sadd.s32 @p2 s5, s0;
	s22 =	sshll.u32 @p2 s25, $0x8;
	_ =	strace @!p3 $0x90000056  }
0x36: {  	s24 =	sadd.s32 @p2 $0x1, s25;
	s20 =	sadd.s32 s10, s20;
	_ =	strace @p2 $0x80000052  }
0x37: {  	[tilespmem:s22], [sflag:s24] =	stream.linear.gather @p2 [hbm4b:s0+s17], $0x100, $0x200038;
	[tilespmem:$0x10200] =	vst v63  }
0x38: {  	p5 =	sne.s32 s6, s18;
	s1 =	sand.u32 $0x1, s20;
	_ =	strace @p2 $0x90000052  }
0x39: {  	p6 =	slt.u32 s14, s8;
	s1 =	sadd.s32 $0x1, s1;
	_ =	strace $0x80000053  }
0x3a: {  	s19 =	sadd.s32 s10, s19;
	p4 =	seq.s32 s8, s29;
	_ =	swait.ge [sflag:s1], $0x100  }
0x3b: {  	s10 =	sshll.u32 s20, $0x8;
	p4 =	por p4, p0;
	[sflag:s1] =	ssyncset.done $0x0  }
0x3c: {  	p0 =	seq.s32 s21, s6;
	s22 =	sand.u32 $0x1, s19;
	[sflag:s1] =	ssyncadd.s32 $0xFFFFFF00  }
0x3d: {  	s25 =	sand.u32 $0x100, s10;
	s17 =	sshll.u32 s22, $0xF;
	_ =	strace $0x90000053  }
0x3e: {  	s21 =	simm.s32 @p0 $0x0;
	s24 =	sor.u32 $0x200, s17;
	_ =	strace $0x80000054  }
0x3f: {  	[tilespmem:s24], [sflag:$0x5] =	stream.indirect.gather [hbm4b:s2+s11], $0x80, s25, s11, $0x2000b8;
	[tilespmem:$0x10200] =	vst v63  }
0x40: {  	s31 =	simm.s32 @p4 $0x0;
	p0 =	sne.s32 s15, s21;
	_ =	swait.ge [sflag:s12], $0x4000  }
0x41: {  	p3 =	sne.s32 s29, $0x0;
	p2 =	por !p6, !p0;
	[sflag:s12] =	ssyncset.done $0x0  }
0x42: {  	s0 =	sor.u32 $0x4200, s17;
	s1 =	sor.u32 $0x80, s25;
	[sflag:s12] =	ssyncadd.s32 $0xFFFFC000  }
0x43: {  	[tilespmem:s0], [sflag:$0x5] =	stream.indirect.gather [hbm4b:s2+s11], $0x80, s1, s11, $0x2000b8;
	[tilespmem:$0x10200] =	vst v63  }
0x44: {  	s17 =	simm.s32 $0x1;
	p2 =	por !p2, !p2;
	_ =	swait.ge [sflag:s12], $0x4000  }
.Ltmp2:
0x45: {  	s17 =	simm.s32 @!p3 $0x0;
	[sflag:s12] =	ssyncset.done $0x0;
	(pc) =	sbr.rel @p5 .LBB2_5-.Ltmp2, $4  }
0x46: {  	p3 =	seq.s32 s29, $0x0;
	s29 =	sadd.s32 @p2 s4, s21;
	[sflag:s12] =	ssyncadd.s32 $0xFFFFC000  }
0x47: {  	s26 =	simm.s32 @!p2 $0x0;
	s25 =	sand.u32 @p2 $0x1, s23;
	_ =	strace $0x90000054  }
0x48: {  	s0 =	sadd.s32 s4, s30;
	s1 =	sand.u32 @!p3 $0x1, s16;
	_ =	strace @p4 $0x80000055  }
0x49: {  	s28 =	sadd.s32 @!p3 $0x3, s1;
	s30 =	sshll.u32 @p4 s0, $0xC;
	s1 =	rddreg [dreg:$0x3]  }
.LBB2_6:
0x4a: {  	p4 =	por !p4, !p1  }
0x4b: {  	s0 =	sand.u32 @!p4 $0x1FFFF000, s30  }
0x4c: {  	s10 =	sadd.s32 @!p4 $0x3, s22;
	s0 =	sadd.s32 @!p4 s1, s0  }
0x4d: {  	[hbm4b:s0+s31] =	stream.linear.scatter @!p4 [tilespmem:s24], [sflag:s10], $0x8000, $0x200038;
	[tilespmem:$0x10200] =	vst v63  }
0x4e: {  	p3 =	por p3, !p1;
	_ =	strace @!p4 $0x90000055  }
0x4f: {  	s18 =	simm.s32 $0x0;
	_ =	strace @!p3 $0x80000056  }
0x50: {  	s21 =	sadd.s32 @p2 $0x1, s25;
	s1 =	simm.s32 $0x1;
	_ =	swait.ge @!p3 [sflag:s28], $0x8000  }
0x51: {  	s0 =	sshll.u32 @p2 s29, $0x5;
	s1 =	simm.s32 @p4 $0x0;
	[sflag:s28] =	ssyncset.done @!p3 $0x0  }
0x52: {  	s0 =	sand.u32 @p2 $0x1FFFFFE0, s0;
	s10 =	sadd.s32 @p1 s1, s20;
	[sflag:s28] =	ssyncadd.s32 @!p3 $0xFFFF8000  }
0x53: {  	s20 =	sshll.u32 @p2 s25, $0x8;
	s0 =	sadd.s32 @p2 s5, s0;
	_ =	strace @!p3 $0x90000056  }
0x54: {  	s18 =	smov.u32 @p1 s10;
	s10 =	simm.s32 @p2 $0x0;
	_ =	strace @p2 $0x80000052  }
0x55: {  	[tilespmem:s20], [sflag:s21] =	stream.linear.gather @p2 [hbm4b:s0+s10], $0x100, $0x200038;
	[tilespmem:$0x10200] =	vst v63  }
0x56: {  	s29 =	sand.u32 $0x1, s18;
	_ =	strace @p2 $0x90000052  }
0x57: {  	s0 =	sadd.s32 $0x1, s29;
	_ =	strace $0x80000053  }
0x58: {  	s1 =	sadd.s32 @p1 s1, s19;
	s10 =	simm.s32 $0x0;
	_ =	swait.ge [sflag:s0], $0x100  }
0x59: {  	s10 =	smov.u32 @p1 s1;
	[sflag:s0] =	ssyncset.done $0x0  }
0x5a: {  	[sflag:s0] =	ssyncadd.s32 $0xFFFFFF00;
	s0 =	sand.u32 $0x1, s10  }
0x5b: {  	s30 =	sshll.u32 s18, $0x8;
	_ =	strace $0x90000053;
	s10 =	sshll.u32 s0, $0xF  }
0x5c: {  	s1 =	sand.u32 $0x100, s30;
	_ =	strace $0x80000054;
	s18 =	sor.u32 $0x200, s10  }
0x5d: {  	[tilespmem:s18], [sflag:$0x5] =	stream.indirect.gather [hbm4b:s2+s11], $0x80, s1, s11, $0x2000b8;
	[tilespmem:$0x10200] =	vst v63  }
0x5e: {  	_ =	swait.ge [sflag:s12], $0x4000  }
0x5f: {  	[sflag:s12] =	ssyncset.done $0x0  }
0x60: {  	s10 =	sor.u32 $0x4200, s10;
	s1 =	sor.u32 $0x80, s1;
	[sflag:s12] =	ssyncadd.s32 $0xFFFFC000  }
0x61: {  	[tilespmem:s10], [sflag:$0x5] =	stream.indirect.gather [hbm4b:s2+s11], $0x80, s1, s11, $0x2000b8;
	[tilespmem:$0x10200] =	vst v63  }
0x62: {  	_ =	swait.ge [sflag:s12], $0x4000  }
0x63: {  	p6 =	seq.s32 s8, s14;
	[sflag:s12] =	ssyncset.done $0x0  }
0x64: {  	p2 =	por p6, p0;
	p0 =	seq.s32 s14, $0x0;
	[sflag:s12] =	ssyncadd.s32 $0xFFFFC000  }
0x65: {  	s0 =	sadd.s32 @p2 $0x3, s0;
	s1 =	sadd.s32 s4, s15;
	_ =	strace $0x90000054  }
0x66: {  	s15 =	sadd.s32 @p1 s17, s16;
	s1 =	sshll.u32 @p2 s1, $0xC;
	_ =	strace @p2 $0x80000055  }
0x67: {  	s16 =	simm.s32 $0x0;
	s1 =	sand.u32 @p2 $0x1FFFF000, s1;
	s10 =	rddreg [dreg:$0x3]  }
0x68: {  	s16 =	smov.u32 @p1 s15;
	s15 =	simm.s32 @p2 $0x0;
	s1 =	sadd.s32 @p2 s10, s1  }
0x69: {  	[hbm4b:s1+s15] =	stream.linear.scatter @p2 [tilespmem:s18], [sflag:s0], $0x8000, $0x200038;
	[tilespmem:$0x10200] =	vst v63  }
0x6a: {  	s0 =	sand.u32 @!p0 $0x1, s16;
	_ =	strace @p2 $0x90000055  }
0x6b: {  	s0 =	sadd.s32 @!p0 $0x3, s0;
	_ =	strace @!p0 $0x80000056  }
0x6c: {  	p1 =	sne.s32 s14, $0x0;
	s1 =	simm.s32 $0x1;
	_ =	swait.ge @!p0 [sflag:s0], $0x8000  }
0x6d: {  	s1 =	simm.s32 @!p1 $0x0;
	[sflag:s0] =	ssyncset.done @!p0 $0x0  }
0x6e: {  	s13 =	sadd.s32 $0x1, s13;
	s1 =	sadd.s32 s1, s16;
	[sflag:s0] =	ssyncadd.s32 @!p0 $0xFFFF8000  }
0x6f: {  	s31 =	sand.u32 $0x1, s1;
	_ =	strace @!p0 $0x90000056;
	p0 =	sne.s32 s13, s9  }
.Ltmp3:
0x70: {  	s0 =	sadd.s32 $0x3, s31;
	_ =	strace $0x80000057;
	(pc) =	sbr.rel @p0 .LBB2_1-.Ltmp3, $4  }
.Ltmp4:
0x71: {  	_ =	swait.ge [sflag:s0], $0x8000;
	(pc) =	sbr.rel @!p0 .LBB2_7-.Ltmp4, $4  }
0x72: {  	[sflag:s0] =	ssyncset.done $0x0  }
0x73: {  	[sflag:s0] =	ssyncadd.s32 $0xFFFF8000  }
0x74: {  	_ =	strace $0x90000057  }
0x75: {  	_ = 	snop  }
.LBB2_2:
.Ltmp5:
0x76: {  	(pc) =	sbr.rel .LBB2_6-.Ltmp5, $3  }
0x77: {  	_ =	sdelay $0x1  }
0x78: {  	s14 =	simm.s32 $0x0;
	s15 =	simm.s32 $0x0  }
0x79: {  	s19 =	simm.s32 $0x0;
	s20 =	simm.s32 $0x0;
	s16 =	simm.s32 $0x0  }
.LBB2_4:
.Ltmp6:
0x7a: {  	(pc) =	sbr.rel .LBB2_6-.Ltmp6, $2  }
0x7b: {  	_ =	sdelay $0x2  }
0x7c: {  	s19 =	simm.s32 $0x0;
	s20 =	simm.s32 $0x0;
	s16 =	simm.s32 $0x0  }
.LBB2_7:
0x7d: {  	_ =	sfence.sel $0x180000  }
0x7e: {  	[bflag:$0x0] =	sbarrier.arrive $0xFFFF  }
0x7f: {  	_ =	strace $0x90000050  }
0x80: {  	s0 =	stileid.u32;
	[bflag:$0x2] =	sbarrier.arrive $0xFFFF  }
0x81: {  	p0 =	sne.s32 s0, $0x0;
	s0 =	rddreg [dreg:$0x2]  }
0x82: {  	s0 =	sadd.s32 @!p0 $0x100000, s0  }
0x83: {  	[sflag:s0] =	ssyncadd.tile.s32 @!p0 $0x1;
	_ =	shalt  }
.Lfunc_end2:
_tile_overlayer_lowered:
.L_overlay_start_2:
0x84: {  	(tag) =	ssettag $0x2  }
0x85: {  	s0 =	rddreg [dreg:$0x0];
	s2 =	stileid.u32  }
0x86: {  	s1 =	rddreg [dreg:$0x1];
	p0 =	sne.s32 s2, $0x0  }
0x87: {  	s3 =	rddreg [dreg:$0x2];
	[bflag:$0x3] =	sbarrier.arrive $0xFFFF;
	s2 =	simm.s32 @!p0 $0x1C01  }
0x88: {  	[timem:s3], [sflag:s2] =	dma.local @!p0 [hbm:s0], s1  }
0x89: {  	s0 =	simm.s32 @!p0 $0x1  }
0x8a: {  	_ =	swait.ge @!p0 [sflag:s0], s1  }
0x8b: {  	s1 =	ssub.s32 @!p0 $0x0, s1;
	[sflag:s0] =	ssyncset.done @!p0 $0x0  }
0x8c: {  	[sflag:s0] =	ssyncadd.s32 @!p0 s1  }
0x8d: {  	[bflag:$0x3] =	sbarrier.arrive $0xFFFF  }
0x8e: {  	_ =	shalt  }

</sc_bundles>
